<compile_context>
chip_gen: v7x
topology: tpu7x:2x2x1
jax: 0.10.2.dev20260603
libtpu: 0.0.44.dev20260713+nightly
codegen_flags: <defaults>
</compile_context>

<pallas_src>
import functools

import jax
import jax.numpy as jnp
from jax import lax
from jax.experimental import pallas as pl
from jax.experimental.pallas import tpu as pltpu
from jax.experimental.pallas import tpu_sc as plsc

HIDDEN = 32
NUM_CORES = 2
NUM_SUBCORES = 16
NW = NUM_CORES * NUM_SUBCORES
CH = 16
DEPTH = 8


@functools.partial(jax.jit, static_argnums=(2, 3))
def _embed(idx2, table, per_w, hidden):
    mesh = plsc.VectorSubcoreMesh(core_axis_name="c", subcore_axis_name="s")
    n_ch = per_w // CH

    @functools.partial(
        pl.kernel,
        out_type=jax.ShapeDtypeStruct((NW, per_w, hidden), jnp.float32),
        mesh=mesh,
        scratch_types=[
            pltpu.VMEM((per_w,), jnp.int32),
            pltpu.VMEM((per_w, hidden), jnp.float32),
            pltpu.SemaphoreType.DMA,
        ],
    )
    def body(idx_hbm, table_hbm, out_hbm, idx_s, rows_v, sem):
        wid = lax.axis_index("s") * NUM_CORES + lax.axis_index("c")
        pltpu.sync_copy(idx_hbm.at[wid], idx_s)

        def issue(c):
            base = c * CH
            vec = idx_s[pl.ds(base, CH)]
            for j in range(CH):
                r = vec[j]
                pltpu.async_copy(
                    table_hbm.at[pl.ds(r, 1)], rows_v.at[pl.ds(base + j, 1)], sem
                )

        def drain():
            pltpu.make_async_copy(
                table_hbm.at[pl.ds(0, CH)], rows_v.at[pl.ds(0, CH)], sem
            ).wait()

        for p in range(DEPTH):
            issue(p)

        def loop_body(c):
            issue(c + DEPTH)
            drain()

        pl.loop(0, n_ch - DEPTH)(loop_body)
        for p in range(DEPTH):
            drain()
        pltpu.sync_copy(rows_v, out_hbm.at[wid])

    return body(idx2, table)


def kernel(labels, train, dropout_prob, table):
    del train, dropout_prob
    batch = labels.shape[0]
    per_w = batch // NW
    idx2 = labels.astype(jnp.int32).reshape(NW, per_w)
    out = _embed(idx2, table, per_w, table.shape[1])
    return out.reshape(batch, table.shape[1])

# --- scband reference (transcript-rebuilt; emitter-appended) ---
"""Pipeline reference for scband-label-embedder-29824252903814 (READ-ONLY COPY).

The authoritative reference and input builder live on the scoring server;
editing this copy changes nothing except your own understanding.
"""

import jax, jax.numpy as jnp
import numpy as np

NUM_CLASSES = 1000000
HIDDEN_SIZE = 32
BATCH = 16384

def setup_inputs(seed: int = 0) -> dict:
    key = jax.random.key(seed)
    k1, k2 = jax.random.split(key)
    labels = jax.random.randint(k1, (BATCH,), 0, NUM_CLASSES, dtype=jnp.int64 if jax.config.jax_enable_x64 else jnp.int32)
    # embedding table has num_classes + 1 rows (extra row for CFG null-class embedding)
    table = jax.random.normal(k2, (NUM_CLASSES + 1, HIDDEN_SIZE), dtype=jnp.float32)
    return {"labels": labels, "train": 0, "dropout_prob": 0, "table": table}

def reference(labels, train, dropout_prob, table):
    # Faithful translation of LabelEmbedder.forward with force_drop_ids=None.
    # train=0 and dropout_prob=0 => token_drop branch is not taken (deterministic path).
    use_dropout = dropout_prob > 0
    do_drop = (train != 0) & use_dropout
    # token_drop path (not exercised with dropout_prob=0): replace dropped labels
    # with the null class id NUM_CLASSES.
    drop_key = jax.random.key(1)
    drop_ids = jax.random.uniform(drop_key, (labels.shape[0],)) < dropout_prob
    labels = jnp.where(do_drop & drop_ids, NUM_CLASSES, labels)
    embeddings = jnp.take(table, labels, axis=0)
    return embeddings

if __name__ == "__main__":
    import jax
    _d = setup_inputs()
    print(jax.jit(kernel)(*tuple(_d.values())))

</pallas_src>

<mosaic_0001>
#map = affine_map<(d0, d1) -> (0, 0)>
#map1 = affine_map<(d0, d1) -> (0, 0, 0)>
module attributes {stable_mosaic.version = 14 : i64} {
  func.func @body(%arg0: i32, %arg1: i32, %arg2: memref<32x512xi32, #tpu.memory_space<hbm>>, %arg3: memref<1000001x32xf32, #tpu.memory_space<hbm>>, %arg4: memref<32x512x32xf32, #tpu.memory_space<hbm>>, %arg5: memref<512xi32, #tpu.memory_space<vmem>>, %arg6: memref<512x32xf32, #tpu.memory_space<vmem>>, %arg7: memref<!tpu.dma_semaphore, #tpu.memory_space<semaphore_mem>>) attributes {dimension_semantics = [#tpu.dimension_semantics<core_parallel>, #tpu.dimension_semantics<subcore_parallel>], iteration_bounds = array<i64: 2, 16>, scalar_prefetch = 0 : i64, scratch_operands = 3 : i64, tpu.core_type = #tpu.core_type<sc_vector_subcore>, window_params = [{transform_indices = #map}, {transform_indices = #map}, {transform_indices = #map1}]} {
    %mul3A = arith.constant 2 : i32
    %mul3A_0 = arith.muli %arg1, %mul3A : i32
    %add3A = arith.addi %mul3A_0, %arg0 : i32
    "tpu.region"() ({
      %run_scoped3A = tpu.sem_alloc : memref<!tpu.dma_semaphore, #tpu.memory_space<semaphore_mem>>
      %dma_start3A_1656 = arith.constant 0 : i32
      %dma_start3A_1657 = tpu.memref_slice %arg2[%add3A, %dma_start3A_1656] : memref<32x512xi32, #tpu.memory_space<hbm>> -> memref<1x512xi32, #tpu.memory_space<hbm>>
      %dma_start3A_1658 = tpu.memref_squeeze %dma_start3A_1657 : memref<1x512xi32, #tpu.memory_space<hbm>> -> memref<512xi32, #tpu.memory_space<hbm>>
      %dma_start3A_1659 = arith.constant 0 : i32
      %dma_start3A_1660 = tpu.memref_slice %arg2[%add3A, %dma_start3A_1659] : memref<32x512xi32, #tpu.memory_space<hbm>> -> memref<1x512xi32, #tpu.memory_space<hbm>>
      %dma_start3A_1661 = tpu.memref_squeeze %dma_start3A_1660 : memref<1x512xi32, #tpu.memory_space<hbm>> -> memref<512xi32, #tpu.memory_space<hbm>>
      tpu.enqueue_dma source(%dma_start3A_1661 : memref<512xi32, #tpu.memory_space<hbm>>) target(%arg5 : memref<512xi32, #tpu.memory_space<vmem>>) target_semaphore(%run_scoped3A : memref<!tpu.dma_semaphore, #tpu.memory_space<semaphore_mem>>)
      %dma_wait3A_1662 = arith.constant 0 : i32
      %dma_wait3A_1663 = tpu.memref_slice %arg2[%add3A, %dma_wait3A_1662] : memref<32x512xi32, #tpu.memory_space<hbm>> -> memref<1x512xi32, #tpu.memory_space<hbm>>
      %dma_wait3A_1664 = tpu.memref_squeeze %dma_wait3A_1663 : memref<1x512xi32, #tpu.memory_space<hbm>> -> memref<512xi32, #tpu.memory_space<hbm>>
      %dma_wait3A_1665 = arith.constant 0 : i32
      %dma_wait3A_1666 = tpu.memref_slice %arg2[%add3A, %dma_wait3A_1665] : memref<32x512xi32, #tpu.memory_space<hbm>> -> memref<1x512xi32, #tpu.memory_space<hbm>>
      %dma_wait3A_1667 = tpu.memref_squeeze %dma_wait3A_1666 : memref<1x512xi32, #tpu.memory_space<hbm>> -> memref<512xi32, #tpu.memory_space<hbm>>
      tpu.wait_dma2 semaphore(%run_scoped3A : memref<!tpu.dma_semaphore, #tpu.memory_space<semaphore_mem>>) src(%dma_wait3A_1667 : memref<512xi32, #tpu.memory_space<hbm>>) dst(%arg5 : memref<512xi32, #tpu.memory_space<vmem>>)
      tpu.yield
    }) : () -> ()
    %get3A = arith.constant 0 : index
    %get3A_1 = tpu.vector_load %arg5[%get3A] {strides = array<i32>} : memref<512xi32, #tpu.memory_space<vmem>>, vector<16xi32>,
    %get3A_2 = vector.shape_cast %get3A_1 : vector<16xi32> to vector<16xi32>
    %slice3A = vector.extract_strided_slice %get3A_2 {offsets = [0], sizes = [1], strides = [1]} : vector<16xi32> to vector<1xi32>
    %squeeze3A = vector.extract %slice3A[0] : i32 from vector<1xi32>
    %dma_start3A = arith.constant 0 : i32
    %dma_start3A_3 = arith.constant 0 : i32
    %dma_start3A_4 = tpu.memref_slice %arg6[%dma_start3A, %dma_start3A_3] : memref<512x32xf32, #tpu.memory_space<vmem>> -> memref<1x32xf32, #tpu.memory_space<vmem>>
    %dma_start3A_5 = arith.constant 0 : i32
    %dma_start3A_6 = tpu.memref_slice %arg3[%squeeze3A, %dma_start3A_5] : memref<1000001x32xf32, #tpu.memory_space<hbm>> -> memref<1x32xf32, #tpu.memory_space<hbm>>
    %dma_start3A_7 = arith.constant 0 : i32
    %dma_start3A_8 = arith.constant 0 : i32
    %dma_start3A_9 = tpu.memref_slice %arg6[%dma_start3A_7, %dma_start3A_8] : memref<512x32xf32, #tpu.memory_space<vmem>> -> memref<1x32xf32, #tpu.memory_space<vmem>>
    %dma_start3A_10 = arith.constant 0 : i32
    %dma_start3A_11 = tpu.memref_slice %arg3[%squeeze3A, %dma_start3A_10] : memref<1000001x32xf32, #tpu.memory_space<hbm>> -> memref<1x32xf32, #tpu.memory_space<hbm>>
    tpu.enqueue_dma source(%dma_start3A_11 : memref<1x32xf32, #tpu.memory_space<hbm>>) target(%dma_start3A_9 : memref<1x32xf32, #tpu.memory_space<vmem>>) target_semaphore(%arg7 : memref<!tpu.dma_semaphore, #tpu.memory_space<semaphore_mem>>)
    %slice3A_12 = vector.extract_strided_slice %get3A_2 {offsets = [1], sizes = [1], strides = [1]} : vector<16xi32> to vector<1xi32>
    %squeeze3A_13 = vector.extract %slice3A_12[0] : i32 from vector<1xi32>
    %dma_start3A_14 = arith.constant 1 : i32
    %dma_start3A_15 = arith.constant 0 : i32
    %dma_start3A_16 = tpu.memref_slice %arg6[%dma_start3A_14, %dma_start3A_15] : memref<512x32xf32, #tpu.memory_space<vmem>> -> memref<1x32xf32, #tpu.memory_space<vmem>>
    %dma_start3A_17 = arith.constant 0 : i32
    %dma_start3A_18 = tpu.memref_slice %arg3[%squeeze3A_13, %dma_start3A_17] : memref<1000001x32xf32, #tpu.memory_space<hbm>> -> memref<1x32xf32, #tpu.memory_space<hbm>>
    %dma_start3A_19 = arith.constant 1 : i32
    %dma_start3A_20 = arith.constant 0 : i32
    %dma_start3A_21 = tpu.memref_slice %arg6[%dma_start3A_19, %dma_start3A_20] : memref<512x32xf32, #tpu.memory_space<vmem>> -> memref<1x32xf32, #tpu.memory_space<vmem>>
    %dma_start3A_22 = arith.constant 0 : i32
    %dma_start3A_23 = tpu.memref_slice %arg3[%squeeze3A_13, %dma_start3A_22] : memref<1000001x32xf32, #tpu.memory_space<hbm>> -> memref<1x32xf32, #tpu.memory_space<hbm>>
    tpu.enqueue_dma source(%dma_start3A_23 : memref<1x32xf32, #tpu.memory_space<hbm>>) target(%dma_start3A_21 : memref<1x32xf32, #tpu.memory_space<vmem>>) target_semaphore(%arg7 : memref<!tpu.dma_semaphore, #tpu.memory_space<semaphore_mem>>)
    %slice3A_24 = vector.extract_strided_slice %get3A_2 {offsets = [2], sizes = [1], strides = [1]} : vector<16xi32> to vector<1xi32>
    %squeeze3A_25 = vector.extract %slice3A_24[0] : i32 from vector<1xi32>
    %dma_start3A_26 = arith.constant 2 : i32
    %dma_start3A_27 = arith.constant 0 : i32
    %dma_start3A_28 = tpu.memref_slice %arg6[%dma_start3A_26, %dma_start3A_27] : memref<512x32xf32, #tpu.memory_space<vmem>> -> memref<1x32xf32, #tpu.memory_space<vmem>>
    %dma_start3A_29 = arith.constant 0 : i32
    %dma_start3A_30 = tpu.memref_slice %arg3[%squeeze3A_25, %dma_start3A_29] : memref<1000001x32xf32, #tpu.memory_space<hbm>> -> memref<1x32xf32, #tpu.memory_space<hbm>>
    %dma_start3A_31 = arith.constant 2 : i32
    %dma_start3A_32 = arith.constant 0 : i32
    %dma_start3A_33 = tpu.memref_slice %arg6[%dma_start3A_31, %dma_start3A_32] : memref<512x32xf32, #tpu.memory_space<vmem>> -> memref<1x32xf32, #tpu.memory_space<vmem>>
    %dma_start3A_34 = arith.constant 0 : i32
    %dma_start3A_35 = tpu.memref_slice %arg3[%squeeze3A_25, %dma_start3A_34] : memref<1000001x32xf32, #tpu.memory_space<hbm>> -> memref<1x32xf32, #tpu.memory_space<hbm>>
    tpu.enqueue_dma source(%dma_start3A_35 : memref<1x32xf32, #tpu.memory_space<hbm>>) target(%dma_start3A_33 : memref<1x32xf32, #tpu.memory_space<vmem>>) target_semaphore(%arg7 : memref<!tpu.dma_semaphore, #tpu.memory_space<semaphore_mem>>)
    %slice3A_36 = vector.extract_strided_slice %get3A_2 {offsets = [3], sizes = [1], strides = [1]} : vector<16xi32> to vector<1xi32>
    %squeeze3A_37 = vector.extract %slice3A_36[0] : i32 from vector<1xi32>
    %dma_start3A_38 = arith.constant 3 : i32
    %dma_start3A_39 = arith.constant 0 : i32
    %dma_start3A_40 = tpu.memref_slice %arg6[%dma_start3A_38, %dma_start3A_39] : memref<512x32xf32, #tpu.memory_space<vmem>> -> memref<1x32xf32, #tpu.memory_space<vmem>>
    %dma_start3A_41 = arith.constant 0 : i32
    %dma_start3A_42 = tpu.memref_slice %arg3[%squeeze3A_37, %dma_start3A_41] : memref<1000001x32xf32, #tpu.memory_space<hbm>> -> memref<1x32xf32, #tpu.memory_space<hbm>>
    %dma_start3A_43 = arith.constant 3 : i32
    %dma_start3A_44 = arith.constant 0 : i32
    %dma_start3A_45 = tpu.memref_slice %arg6[%dma_start3A_43, %dma_start3A_44] : memref<512x32xf32, #tpu.memory_space<vmem>> -> memref<1x32xf32, #tpu.memory_space<vmem>>
    %dma_start3A_46 = arith.constant 0 : i32
    %dma_start3A_47 = tpu.memref_slice %arg3[%squeeze3A_37, %dma_start3A_46] : memref<1000001x32xf32, #tpu.memory_space<hbm>> -> memref<1x32xf32, #tpu.memory_space<hbm>>
    tpu.enqueue_dma source(%dma_start3A_47 : memref<1x32xf32, #tpu.memory_space<hbm>>) target(%dma_start3A_45 : memref<1x32xf32, #tpu.memory_space<vmem>>) target_semaphore(%arg7 : memref<!tpu.dma_semaphore, #tpu.memory_space<semaphore_mem>>)
    %slice3A_48 = vector.extract_strided_slice %get3A_2 {offsets = [4], sizes = [1], strides = [1]} : vector<16xi32> to vector<1xi32>
    %squeeze3A_49 = vector.extract %slice3A_48[0] : i32 from vector<1xi32>
    %dma_start3A_50 = arith.constant 4 : i32
    %dma_start3A_51 = arith.constant 0 : i32
    %dma_start3A_52 = tpu.memref_slice %arg6[%dma_start3A_50, %dma_start3A_51] : memref<512x32xf32, #tpu.memory_space<vmem>> -> memref<1x32xf32, #tpu.memory_space<vmem>>
    %dma_start3A_53 = arith.constant 0 : i32
    %dma_start3A_54 = tpu.memref_slice %arg3[%squeeze3A_49, %dma_start3A_53] : memref<1000001x32xf32, #tpu.memory_space<hbm>> -> memref<1x32xf32, #tpu.memory_space<hbm>>
    %dma_start3A_55 = arith.constant 4 : i32
    %dma_start3A_56 = arith.constant 0 : i32
    %dma_start3A_57 = tpu.memref_slice %arg6[%dma_start3A_55, %dma_start3A_56] : memref<512x32xf32, #tpu.memory_space<vmem>> -> memref<1x32xf32, #tpu.memory_space<vmem>>
    %dma_start3A_58 = arith.constant 0 : i32
    %dma_start3A_59 = tpu.memref_slice %arg3[%squeeze3A_49, %dma_start3A_58] : memref<1000001x32xf32, #tpu.memory_space<hbm>> -> memref<1x32xf32, #tpu.memory_space<hbm>>
    tpu.enqueue_dma source(%dma_start3A_59 : memref<1x32xf32, #tpu.memory_space<hbm>>) target(%dma_start3A_57 : memref<1x32xf32, #tpu.memory_space<vmem>>) target_semaphore(%arg7 : memref<!tpu.dma_semaphore, #tpu.memory_space<semaphore_mem>>)
    %slice3A_60 = vector.extract_strided_slice %get3A_2 {offsets = [5], sizes = [1], strides = [1]} : vector<16xi32> to vector<1xi32>
    %squeeze3A_61 = vector.extract %slice3A_60[0] : i32 from vector<1xi32>
    %dma_start3A_62 = arith.constant 5 : i32
    %dma_start3A_63 = arith.constant 0 : i32
    %dma_start3A_64 = tpu.memref_slice %arg6[%dma_start3A_62, %dma_start3A_63] : memref<512x32xf32, #tpu.memory_space<vmem>> -> memref<1x32xf32, #tpu.memory_space<vmem>>
    %dma_start3A_65 = arith.constant 0 : i32
    %dma_start3A_66 = tpu.memref_slice %arg3[%squeeze3A_61, %dma_start3A_65] : memref<1000001x32xf32, #tpu.memory_space<hbm>> -> memref<1x32xf32, #tpu.memory_space<hbm>>
    %dma_start3A_67 = arith.constant 5 : i32
    %dma_start3A_68 = arith.constant 0 : i32
    %dma_start3A_69 = tpu.memref_slice %arg6[%dma_start3A_67, %dma_start3A_68] : memref<512x32xf32, #tpu.memory_space<vmem>> -> memref<1x32xf32, #tpu.memory_space<vmem>>
    %dma_start3A_70 = arith.constant 0 : i32
    %dma_start3A_71 = tpu.memref_slice %arg3[%squeeze3A_61, %dma_start3A_70] : memref<1000001x32xf32, #tpu.memory_space<hbm>> -> memref<1x32xf32, #tpu.memory_space<hbm>>
    tpu.enqueue_dma source(%dma_start3A_71 : memref<1x32xf32, #tpu.memory_space<hbm>>) target(%dma_start3A_69 : memref<1x32xf32, #tpu.memory_space<vmem>>) target_semaphore(%arg7 : memref<!tpu.dma_semaphore, #tpu.memory_space<semaphore_mem>>)
    %slice3A_72 = vector.extract_strided_slice %get3A_2 {offsets = [6], sizes = [1], strides = [1]} : vector<16xi32> to vector<1xi32>
    %squeeze3A_73 = vector.extract %slice3A_72[0] : i32 from vector<1xi32>
    %dma_start3A_74 = arith.constant 6 : i32
    %dma_start3A_75 = arith.constant 0 : i32
    %dma_start3A_76 = tpu.memref_slice %arg6[%dma_start3A_74, %dma_start3A_75] : memref<512x32xf32, #tpu.memory_space<vmem>> -> memref<1x32xf32, #tpu.memory_space<vmem>>
    %dma_start3A_77 = arith.constant 0 : i32
    %dma_start3A_78 = tpu.memref_slice %arg3[%squeeze3A_73, %dma_start3A_77] : memref<1000001x32xf32, #tpu.memory_space<hbm>> -> memref<1x32xf32, #tpu.memory_space<hbm>>
    %dma_start3A_79 = arith.constant 6 : i32
    %dma_start3A_80 = arith.constant 0 : i32
    %dma_start3A_81 = tpu.memref_slice %arg6[%dma_start3A_79, %dma_start3A_80] : memref<512x32xf32, #tpu.memory_space<vmem>> -> memref<1x32xf32, #tpu.memory_space<vmem>>
    %dma_start3A_82 = arith.constant 0 : i32
    %dma_start3A_83 = tpu.memref_slice %arg3[%squeeze3A_73, %dma_start3A_82] : memref<1000001x32xf32, #tpu.memory_space<hbm>> -> memref<1x32xf32, #tpu.memory_space<hbm>>
    tpu.enqueue_dma source(%dma_start3A_83 : memref<1x32xf32, #tpu.memory_space<hbm>>) target(%dma_start3A_81 : memref<1x32xf32, #tpu.memory_space<vmem>>) target_semaphore(%arg7 : memref<!tpu.dma_semaphore, #tpu.memory_space<semaphore_mem>>)
    %slice3A_84 = vector.extract_strided_slice %get3A_2 {offsets = [7], sizes = [1], strides = [1]} : vector<16xi32> to vector<1xi32>
    %squeeze3A_85 = vector.extract %slice3A_84[0] : i32 from vector<1xi32>
    %dma_start3A_86 = arith.constant 7 : i32
    %dma_start3A_87 = arith.constant 0 : i32
    %dma_start3A_88 = tpu.memref_slice %arg6[%dma_start3A_86, %dma_start3A_87] : memref<512x32xf32, #tpu.memory_space<vmem>> -> memref<1x32xf32, #tpu.memory_space<vmem>>
    %dma_start3A_89 = arith.constant 0 : i32
    %dma_start3A_90 = tpu.memref_slice %arg3[%squeeze3A_85, %dma_start3A_89] : memref<1000001x32xf32, #tpu.memory_space<hbm>> -> memref<1x32xf32, #tpu.memory_space<hbm>>
    %dma_start3A_91 = arith.constant 7 : i32
    %dma_start3A_92 = arith.constant 0 : i32
    %dma_start3A_93 = tpu.memref_slice %arg6[%dma_start3A_91, %dma_start3A_92] : memref<512x32xf32, #tpu.memory_space<vmem>> -> memref<1x32xf32, #tpu.memory_space<vmem>>
    %dma_start3A_94 = arith.constant 0 : i32
    %dma_start3A_95 = tpu.memref_slice %arg3[%squeeze3A_85, %dma_start3A_94] : memref<1000001x32xf32, #tpu.memory_space<hbm>> -> memref<1x32xf32, #tpu.memory_space<hbm>>
    tpu.enqueue_dma source(%dma_start3A_95 : memref<1x32xf32, #tpu.memory_space<hbm>>) target(%dma_start3A_93 : memref<1x32xf32, #tpu.memory_space<vmem>>) target_semaphore(%arg7 : memref<!tpu.dma_semaphore, #tpu.memory_space<semaphore_mem>>)
    %slice3A_96 = vector.extract_strided_slice %get3A_2 {offsets = [8], sizes = [1], strides = [1]} : vector<16xi32> to vector<1xi32>
    %squeeze3A_97 = vector.extract %slice3A_96[0] : i32 from vector<1xi32>
    %dma_start3A_98 = arith.constant 8 : i32
    %dma_start3A_99 = arith.constant 0 : i32
    %dma_start3A_100 = tpu.memref_slice %arg6[%dma_start3A_98, %dma_start3A_99] : memref<512x32xf32, #tpu.memory_space<vmem>> -> memref<1x32xf32, #tpu.memory_space<vmem>>
    %dma_start3A_101 = arith.constant 0 : i32
    %dma_start3A_102 = tpu.memref_slice %arg3[%squeeze3A_97, %dma_start3A_101] : memref<1000001x32xf32, #tpu.memory_space<hbm>> -> memref<1x32xf32, #tpu.memory_space<hbm>>
    %dma_start3A_103 = arith.constant 8 : i32
    %dma_start3A_104 = arith.constant 0 : i32
    %dma_start3A_105 = tpu.memref_slice %arg6[%dma_start3A_103, %dma_start3A_104] : memref<512x32xf32, #tpu.memory_space<vmem>> -> memref<1x32xf32, #tpu.memory_space<vmem>>
    %dma_start3A_106 = arith.constant 0 : i32
    %dma_start3A_107 = tpu.memref_slice %arg3[%squeeze3A_97, %dma_start3A_106] : memref<1000001x32xf32, #tpu.memory_space<hbm>> -> memref<1x32xf32, #tpu.memory_space<hbm>>
    tpu.enqueue_dma source(%dma_start3A_107 : memref<1x32xf32, #tpu.memory_space<hbm>>) target(%dma_start3A_105 : memref<1x32xf32, #tpu.memory_space<vmem>>) target_semaphore(%arg7 : memref<!tpu.dma_semaphore, #tpu.memory_space<semaphore_mem>>)
    %slice3A_108 = vector.extract_strided_slice %get3A_2 {offsets = [9], sizes = [1], strides = [1]} : vector<16xi32> to vector<1xi32>
    %squeeze3A_109 = vector.extract %slice3A_108[0] : i32 from vector<1xi32>
    %dma_start3A_110 = arith.constant 9 : i32
    %dma_start3A_111 = arith.constant 0 : i32
    %dma_start3A_112 = tpu.memref_slice %arg6[%dma_start3A_110, %dma_start3A_111] : memref<512x32xf32, #tpu.memory_space<vmem>> -> memref<1x32xf32, #tpu.memory_space<vmem>>
    %dma_start3A_113 = arith.constant 0 : i32
    %dma_start3A_114 = tpu.memref_slice %arg3[%squeeze3A_109, %dma_start3A_113] : memref<1000001x32xf32, #tpu.memory_space<hbm>> -> memref<1x32xf32, #tpu.memory_space<hbm>>
    %dma_start3A_115 = arith.constant 9 : i32
    %dma_start3A_116 = arith.constant 0 : i32
    %dma_start3A_117 = tpu.memref_slice %arg6[%dma_start3A_115, %dma_start3A_116] : memref<512x32xf32, #tpu.memory_space<vmem>> -> memref<1x32xf32, #tpu.memory_space<vmem>>
    %dma_start3A_118 = arith.constant 0 : i32
    %dma_start3A_119 = tpu.memref_slice %arg3[%squeeze3A_109, %dma_start3A_118] : memref<1000001x32xf32, #tpu.memory_space<hbm>> -> memref<1x32xf32, #tpu.memory_space<hbm>>
    tpu.enqueue_dma source(%dma_start3A_119 : memref<1x32xf32, #tpu.memory_space<hbm>>) target(%dma_start3A_117 : memref<1x32xf32, #tpu.memory_space<vmem>>) target_semaphore(%arg7 : memref<!tpu.dma_semaphore, #tpu.memory_space<semaphore_mem>>)
    %slice3A_120 = vector.extract_strided_slice %get3A_2 {offsets = [10], sizes = [1], strides = [1]} : vector<16xi32> to vector<1xi32>
    %squeeze3A_121 = vector.extract %slice3A_120[0] : i32 from vector<1xi32>
    %dma_start3A_122 = arith.constant 10 : i32
    %dma_start3A_123 = arith.constant 0 : i32
    %dma_start3A_124 = tpu.memref_slice %arg6[%dma_start3A_122, %dma_start3A_123] : memref<512x32xf32, #tpu.memory_space<vmem>> -> memref<1x32xf32, #tpu.memory_space<vmem>>
    %dma_start3A_125 = arith.constant 0 : i32
    %dma_start3A_126 = tpu.memref_slice %arg3[%squeeze3A_121, %dma_start3A_125] : memref<1000001x32xf32, #tpu.memory_space<hbm>> -> memref<1x32xf32, #tpu.memory_space<hbm>>
    %dma_start3A_127 = arith.constant 10 : i32
    %dma_start3A_128 = arith.constant 0 : i32
    %dma_start3A_129 = tpu.memref_slice %arg6[%dma_start3A_127, %dma_start3A_128] : memref<512x32xf32, #tpu.memory_space<vmem>> -> memref<1x32xf32, #tpu.memory_space<vmem>>
    %dma_start3A_130 = arith.constant 0 : i32
    %dma_start3A_131 = tpu.memref_slice %arg3[%squeeze3A_121, %dma_start3A_130] : memref<1000001x32xf32, #tpu.memory_space<hbm>> -> memref<1x32xf32, #tpu.memory_space<hbm>>
    tpu.enqueue_dma source(%dma_start3A_131 : memref<1x32xf32, #tpu.memory_space<hbm>>) target(%dma_start3A_129 : memref<1x32xf32, #tpu.memory_space<vmem>>) target_semaphore(%arg7 : memref<!tpu.dma_semaphore, #tpu.memory_space<semaphore_mem>>)
    %slice3A_132 = vector.extract_strided_slice %get3A_2 {offsets = [11], sizes = [1], strides = [1]} : vector<16xi32> to vector<1xi32>
    %squeeze3A_133 = vector.extract %slice3A_132[0] : i32 from vector<1xi32>
    %dma_start3A_134 = arith.constant 11 : i32
    %dma_start3A_135 = arith.constant 0 : i32
    %dma_start3A_136 = tpu.memref_slice %arg6[%dma_start3A_134, %dma_start3A_135] : memref<512x32xf32, #tpu.memory_space<vmem>> -> memref<1x32xf32, #tpu.memory_space<vmem>>
    %dma_start3A_137 = arith.constant 0 : i32
    %dma_start3A_138 = tpu.memref_slice %arg3[%squeeze3A_133, %dma_start3A_137] : memref<1000001x32xf32, #tpu.memory_space<hbm>> -> memref<1x32xf32, #tpu.memory_space<hbm>>
    %dma_start3A_139 = arith.constant 11 : i32
    %dma_start3A_140 = arith.constant 0 : i32
    %dma_start3A_141 = tpu.memref_slice %arg6[%dma_start3A_139, %dma_start3A_140] : memref<512x32xf32, #tpu.memory_space<vmem>> -> memref<1x32xf32, #tpu.memory_space<vmem>>
    %dma_start3A_142 = arith.constant 0 : i32
    %dma_start3A_143 = tpu.memref_slice %arg3[%squeeze3A_133, %dma_start3A_142] : memref<1000001x32xf32, #tpu.memory_space<hbm>> -> memref<1x32xf32, #tpu.memory_space<hbm>>
    tpu.enqueue_dma source(%dma_start3A_143 : memref<1x32xf32, #tpu.memory_space<hbm>>) target(%dma_start3A_141 : memref<1x32xf32, #tpu.memory_space<vmem>>) target_semaphore(%arg7 : memref<!tpu.dma_semaphore, #tpu.memory_space<semaphore_mem>>)
    %slice3A_144 = vector.extract_strided_slice %get3A_2 {offsets = [12], sizes = [1], strides = [1]} : vector<16xi32> to vector<1xi32>
    %squeeze3A_145 = vector.extract %slice3A_144[0] : i32 from vector<1xi32>
    %dma_start3A_146 = arith.constant 12 : i32
    %dma_start3A_147 = arith.constant 0 : i32
    %dma_start3A_148 = tpu.memref_slice %arg6[%dma_start3A_146, %dma_start3A_147] : memref<512x32xf32, #tpu.memory_space<vmem>> -> memref<1x32xf32, #tpu.memory_space<vmem>>
    %dma_start3A_149 = arith.constant 0 : i32
    %dma_start3A_150 = tpu.memref_slice %arg3[%squeeze3A_145, %dma_start3A_149] : memref<1000001x32xf32, #tpu.memory_space<hbm>> -> memref<1x32xf32, #tpu.memory_space<hbm>>
    %dma_start3A_151 = arith.constant 12 : i32
    %dma_start3A_152 = arith.constant 0 : i32
    %dma_start3A_153 = tpu.memref_slice %arg6[%dma_start3A_151, %dma_start3A_152] : memref<512x32xf32, #tpu.memory_space<vmem>> -> memref<1x32xf32, #tpu.memory_space<vmem>>
    %dma_start3A_154 = arith.constant 0 : i32
    %dma_start3A_155 = tpu.memref_slice %arg3[%squeeze3A_145, %dma_start3A_154] : memref<1000001x32xf32, #tpu.memory_space<hbm>> -> memref<1x32xf32, #tpu.memory_space<hbm>>
    tpu.enqueue_dma source(%dma_start3A_155 : memref<1x32xf32, #tpu.memory_space<hbm>>) target(%dma_start3A_153 : memref<1x32xf32, #tpu.memory_space<vmem>>) target_semaphore(%arg7 : memref<!tpu.dma_semaphore, #tpu.memory_space<semaphore_mem>>)
    %slice3A_156 = vector.extract_strided_slice %get3A_2 {offsets = [13], sizes = [1], strides = [1]} : vector<16xi32> to vector<1xi32>
    %squeeze3A_157 = vector.extract %slice3A_156[0] : i32 from vector<1xi32>
    %dma_start3A_158 = arith.constant 13 : i32
    %dma_start3A_159 = arith.constant 0 : i32
    %dma_start3A_160 = tpu.memref_slice %arg6[%dma_start3A_158, %dma_start3A_159] : memref<512x32xf32, #tpu.memory_space<vmem>> -> memref<1x32xf32, #tpu.memory_space<vmem>>
    %dma_start3A_161 = arith.constant 0 : i32
    %dma_start3A_162 = tpu.memref_slice %arg3[%squeeze3A_157, %dma_start3A_161] : memref<1000001x32xf32, #tpu.memory_space<hbm>> -> memref<1x32xf32, #tpu.memory_space<hbm>>
    %dma_start3A_163 = arith.constant 13 : i32
    %dma_start3A_164 = arith.constant 0 : i32
    %dma_start3A_165 = tpu.memref_slice %arg6[%dma_start3A_163, %dma_start3A_164] : memref<512x32xf32, #tpu.memory_space<vmem>> -> memref<1x32xf32, #tpu.memory_space<vmem>>
    %dma_start3A_166 = arith.constant 0 : i32
    %dma_start3A_167 = tpu.memref_slice %arg3[%squeeze3A_157, %dma_start3A_166] : memref<1000001x32xf32, #tpu.memory_space<hbm>> -> memref<1x32xf32, #tpu.memory_space<hbm>>
    tpu.enqueue_dma source(%dma_start3A_167 : memref<1x32xf32, #tpu.memory_space<hbm>>) target(%dma_start3A_165 : memref<1x32xf32, #tpu.memory_space<vmem>>) target_semaphore(%arg7 : memref<!tpu.dma_semaphore, #tpu.memory_space<semaphore_mem>>)
    %slice3A_168 = vector.extract_strided_slice %get3A_2 {offsets = [14], sizes = [1], strides = [1]} : vector<16xi32> to vector<1xi32>
    %squeeze3A_169 = vector.extract %slice3A_168[0] : i32 from vector<1xi32>
    %dma_start3A_170 = arith.constant 14 : i32
    %dma_start3A_171 = arith.constant 0 : i32
    %dma_start3A_172 = tpu.memref_slice %arg6[%dma_start3A_170, %dma_start3A_171] : memref<512x32xf32, #tpu.memory_space<vmem>> -> memref<1x32xf32, #tpu.memory_space<vmem>>
    %dma_start3A_173 = arith.constant 0 : i32
    %dma_start3A_174 = tpu.memref_slice %arg3[%squeeze3A_169, %dma_start3A_173] : memref<1000001x32xf32, #tpu.memory_space<hbm>> -> memref<1x32xf32, #tpu.memory_space<hbm>>
    %dma_start3A_175 = arith.constant 14 : i32
    %dma_start3A_176 = arith.constant 0 : i32
    %dma_start3A_177 = tpu.memref_slice %arg6[%dma_start3A_175, %dma_start3A_176] : memref<512x32xf32, #tpu.memory_space<vmem>> -> memref<1x32xf32, #tpu.memory_space<vmem>>
    %dma_start3A_178 = arith.constant 0 : i32
    %dma_start3A_179 = tpu.memref_slice %arg3[%squeeze3A_169, %dma_start3A_178] : memref<1000001x32xf32, #tpu.memory_space<hbm>> -> memref<1x32xf32, #tpu.memory_space<hbm>>
    tpu.enqueue_dma source(%dma_start3A_179 : memref<1x32xf32, #tpu.memory_space<hbm>>) target(%dma_start3A_177 : memref<1x32xf32, #tpu.memory_space<vmem>>) target_semaphore(%arg7 : memref<!tpu.dma_semaphore, #tpu.memory_space<semaphore_mem>>)
    %slice3A_180 = vector.extract_strided_slice %get3A_2 {offsets = [15], sizes = [1], strides = [1]} : vector<16xi32> to vector<1xi32>
    %squeeze3A_181 = vector.extract %slice3A_180[0] : i32 from vector<1xi32>
    %dma_start3A_182 = arith.constant 15 : i32
    %dma_start3A_183 = arith.constant 0 : i32
    %dma_start3A_184 = tpu.memref_slice %arg6[%dma_start3A_182, %dma_start3A_183] : memref<512x32xf32, #tpu.memory_space<vmem>> -> memref<1x32xf32, #tpu.memory_space<vmem>>
    %dma_start3A_185 = arith.constant 0 : i32
    %dma_start3A_186 = tpu.memref_slice %arg3[%squeeze3A_181, %dma_start3A_185] : memref<1000001x32xf32, #tpu.memory_space<hbm>> -> memref<1x32xf32, #tpu.memory_space<hbm>>
    %dma_start3A_187 = arith.constant 15 : i32
    %dma_start3A_188 = arith.constant 0 : i32
    %dma_start3A_189 = tpu.memref_slice %arg6[%dma_start3A_187, %dma_start3A_188] : memref<512x32xf32, #tpu.memory_space<vmem>> -> memref<1x32xf32, #tpu.memory_space<vmem>>
    %dma_start3A_190 = arith.constant 0 : i32
    %dma_start3A_191 = tpu.memref_slice %arg3[%squeeze3A_181, %dma_start3A_190] : memref<1000001x32xf32, #tpu.memory_space<hbm>> -> memref<1x32xf32, #tpu.memory_space<hbm>>
    tpu.enqueue_dma source(%dma_start3A_191 : memref<1x32xf32, #tpu.memory_space<hbm>>) target(%dma_start3A_189 : memref<1x32xf32, #tpu.memory_space<vmem>>) target_semaphore(%arg7 : memref<!tpu.dma_semaphore, #tpu.memory_space<semaphore_mem>>)
    %get3A_192 = arith.constant 16 : index
    %get3A_193 = tpu.vector_load %arg5[%get3A_192] {strides = array<i32>} : memref<512xi32, #tpu.memory_space<vmem>>, vector<16xi32>,
    %get3A_194 = vector.shape_cast %get3A_193 : vector<16xi32> to vector<16xi32>
    %slice3A_195 = vector.extract_strided_slice %get3A_194 {offsets = [0], sizes = [1], strides = [1]} : vector<16xi32> to vector<1xi32>
    %squeeze3A_196 = vector.extract %slice3A_195[0] : i32 from vector<1xi32>
    %dma_start3A_197 = arith.constant 16 : i32
    %dma_start3A_198 = arith.constant 0 : i32
    %dma_start3A_199 = tpu.memref_slice %arg6[%dma_start3A_197, %dma_start3A_198] : memref<512x32xf32, #tpu.memory_space<vmem>> -> memref<1x32xf32, #tpu.memory_space<vmem>>
    %dma_start3A_200 = arith.constant 0 : i32
    %dma_start3A_201 = tpu.memref_slice %arg3[%squeeze3A_196, %dma_start3A_200] : memref<1000001x32xf32, #tpu.memory_space<hbm>> -> memref<1x32xf32, #tpu.memory_space<hbm>>
    %dma_start3A_202 = arith.constant 16 : i32
    %dma_start3A_203 = arith.constant 0 : i32
    %dma_start3A_204 = tpu.memref_slice %arg6[%dma_start3A_202, %dma_start3A_203] : memref<512x32xf32, #tpu.memory_space<vmem>> -> memref<1x32xf32, #tpu.memory_space<vmem>>
    %dma_start3A_205 = arith.constant 0 : i32
    %dma_start3A_206 = tpu.memref_slice %arg3[%squeeze3A_196, %dma_start3A_205] : memref<1000001x32xf32, #tpu.memory_space<hbm>> -> memref<1x32xf32, #tpu.memory_space<hbm>>
    tpu.enqueue_dma source(%dma_start3A_206 : memref<1x32xf32, #tpu.memory_space<hbm>>) target(%dma_start3A_204 : memref<1x32xf32, #tpu.memory_space<vmem>>) target_semaphore(%arg7 : memref<!tpu.dma_semaphore, #tpu.memory_space<semaphore_mem>>)
    %slice3A_207 = vector.extract_strided_slice %get3A_194 {offsets = [1], sizes = [1], strides = [1]} : vector<16xi32> to vector<1xi32>
    %squeeze3A_208 = vector.extract %slice3A_207[0] : i32 from vector<1xi32>
    %dma_start3A_209 = arith.constant 17 : i32
    %dma_start3A_210 = arith.constant 0 : i32
    %dma_start3A_211 = tpu.memref_slice %arg6[%dma_start3A_209, %dma_start3A_210] : memref<512x32xf32, #tpu.memory_space<vmem>> -> memref<1x32xf32, #tpu.memory_space<vmem>>
    %dma_start3A_212 = arith.constant 0 : i32
    %dma_start3A_213 = tpu.memref_slice %arg3[%squeeze3A_208, %dma_start3A_212] : memref<1000001x32xf32, #tpu.memory_space<hbm>> -> memref<1x32xf32, #tpu.memory_space<hbm>>
    %dma_start3A_214 = arith.constant 17 : i32
    %dma_start3A_215 = arith.constant 0 : i32
    %dma_start3A_216 = tpu.memref_slice %arg6[%dma_start3A_214, %dma_start3A_215] : memref<512x32xf32, #tpu.memory_space<vmem>> -> memref<1x32xf32, #tpu.memory_space<vmem>>
    %dma_start3A_217 = arith.constant 0 : i32
    %dma_start3A_218 = tpu.memref_slice %arg3[%squeeze3A_208, %dma_start3A_217] : memref<1000001x32xf32, #tpu.memory_space<hbm>> -> memref<1x32xf32, #tpu.memory_space<hbm>>
    tpu.enqueue_dma source(%dma_start3A_218 : memref<1x32xf32, #tpu.memory_space<hbm>>) target(%dma_start3A_216 : memref<1x32xf32, #tpu.memory_space<vmem>>) target_semaphore(%arg7 : memref<!tpu.dma_semaphore, #tpu.memory_space<semaphore_mem>>)
    %slice3A_219 = vector.extract_strided_slice %get3A_194 {offsets = [2], sizes = [1], strides = [1]} : vector<16xi32> to vector<1xi32>
    %squeeze3A_220 = vector.extract %slice3A_219[0] : i32 from vector<1xi32>
    %dma_start3A_221 = arith.constant 18 : i32
    %dma_start3A_222 = arith.constant 0 : i32
    %dma_start3A_223 = tpu.memref_slice %arg6[%dma_start3A_221, %dma_start3A_222] : memref<512x32xf32, #tpu.memory_space<vmem>> -> memref<1x32xf32, #tpu.memory_space<vmem>>
    %dma_start3A_224 = arith.constant 0 : i32
    %dma_start3A_225 = tpu.memref_slice %arg3[%squeeze3A_220, %dma_start3A_224] : memref<1000001x32xf32, #tpu.memory_space<hbm>> -> memref<1x32xf32, #tpu.memory_space<hbm>>
    %dma_start3A_226 = arith.constant 18 : i32
    %dma_start3A_227 = arith.constant 0 : i32
    %dma_start3A_228 = tpu.memref_slice %arg6[%dma_start3A_226, %dma_start3A_227] : memref<512x32xf32, #tpu.memory_space<vmem>> -> memref<1x32xf32, #tpu.memory_space<vmem>>
    %dma_start3A_229 = arith.constant 0 : i32
    %dma_start3A_230 = tpu.memref_slice %arg3[%squeeze3A_220, %dma_start3A_229] : memref<1000001x32xf32, #tpu.memory_space<hbm>> -> memref<1x32xf32, #tpu.memory_space<hbm>>
    tpu.enqueue_dma source(%dma_start3A_230 : memref<1x32xf32, #tpu.memory_space<hbm>>) target(%dma_start3A_228 : memref<1x32xf32, #tpu.memory_space<vmem>>) target_semaphore(%arg7 : memref<!tpu.dma_semaphore, #tpu.memory_space<semaphore_mem>>)
    %slice3A_231 = vector.extract_strided_slice %get3A_194 {offsets = [3], sizes = [1], strides = [1]} : vector<16xi32> to vector<1xi32>
    %squeeze3A_232 = vector.extract %slice3A_231[0] : i32 from vector<1xi32>
    %dma_start3A_233 = arith.constant 19 : i32
    %dma_start3A_234 = arith.constant 0 : i32
    %dma_start3A_235 = tpu.memref_slice %arg6[%dma_start3A_233, %dma_start3A_234] : memref<512x32xf32, #tpu.memory_space<vmem>> -> memref<1x32xf32, #tpu.memory_space<vmem>>
    %dma_start3A_236 = arith.constant 0 : i32
    %dma_start3A_237 = tpu.memref_slice %arg3[%squeeze3A_232, %dma_start3A_236] : memref<1000001x32xf32, #tpu.memory_space<hbm>> -> memref<1x32xf32, #tpu.memory_space<hbm>>
    %dma_start3A_238 = arith.constant 19 : i32
    %dma_start3A_239 = arith.constant 0 : i32
    %dma_start3A_240 = tpu.memref_slice %arg6[%dma_start3A_238, %dma_start3A_239] : memref<512x32xf32, #tpu.memory_space<vmem>> -> memref<1x32xf32, #tpu.memory_space<vmem>>
    %dma_start3A_241 = arith.constant 0 : i32
    %dma_start3A_242 = tpu.memref_slice %arg3[%squeeze3A_232, %dma_start3A_241] : memref<1000001x32xf32, #tpu.memory_space<hbm>> -> memref<1x32xf32, #tpu.memory_space<hbm>>
    tpu.enqueue_dma source(%dma_start3A_242 : memref<1x32xf32, #tpu.memory_space<hbm>>) target(%dma_start3A_240 : memref<1x32xf32, #tpu.memory_space<vmem>>) target_semaphore(%arg7 : memref<!tpu.dma_semaphore, #tpu.memory_space<semaphore_mem>>)
    %slice3A_243 = vector.extract_strided_slice %get3A_194 {offsets = [4], sizes = [1], strides = [1]} : vector<16xi32> to vector<1xi32>
    %squeeze3A_244 = vector.extract %slice3A_243[0] : i32 from vector<1xi32>
    %dma_start3A_245 = arith.constant 20 : i32
    %dma_start3A_246 = arith.constant 0 : i32
    %dma_start3A_247 = tpu.memref_slice %arg6[%dma_start3A_245, %dma_start3A_246] : memref<512x32xf32, #tpu.memory_space<vmem>> -> memref<1x32xf32, #tpu.memory_space<vmem>>
    %dma_start3A_248 = arith.constant 0 : i32
    %dma_start3A_249 = tpu.memref_slice %arg3[%squeeze3A_244, %dma_start3A_248] : memref<1000001x32xf32, #tpu.memory_space<hbm>> -> memref<1x32xf32, #tpu.memory_space<hbm>>
    %dma_start3A_250 = arith.constant 20 : i32
    %dma_start3A_251 = arith.constant 0 : i32
    %dma_start3A_252 = tpu.memref_slice %arg6[%dma_start3A_250, %dma_start3A_251] : memref<512x32xf32, #tpu.memory_space<vmem>> -> memref<1x32xf32, #tpu.memory_space<vmem>>
    %dma_start3A_253 = arith.constant 0 : i32
    %dma_start3A_254 = tpu.memref_slice %arg3[%squeeze3A_244, %dma_start3A_253] : memref<1000001x32xf32, #tpu.memory_space<hbm>> -> memref<1x32xf32, #tpu.memory_space<hbm>>
    tpu.enqueue_dma source(%dma_start3A_254 : memref<1x32xf32, #tpu.memory_space<hbm>>) target(%dma_start3A_252 : memref<1x32xf32, #tpu.memory_space<vmem>>) target_semaphore(%arg7 : memref<!tpu.dma_semaphore, #tpu.memory_space<semaphore_mem>>)
    %slice3A_255 = vector.extract_strided_slice %get3A_194 {offsets = [5], sizes = [1], strides = [1]} : vector<16xi32> to vector<1xi32>
    %squeeze3A_256 = vector.extract %slice3A_255[0] : i32 from vector<1xi32>
    %dma_start3A_257 = arith.constant 21 : i32
    %dma_start3A_258 = arith.constant 0 : i32
    %dma_start3A_259 = tpu.memref_slice %arg6[%dma_start3A_257, %dma_start3A_258] : memref<512x32xf32, #tpu.memory_space<vmem>> -> memref<1x32xf32, #tpu.memory_space<vmem>>
    %dma_start3A_260 = arith.constant 0 : i32
    %dma_start3A_261 = tpu.memref_slice %arg3[%squeeze3A_256, %dma_start3A_260] : memref<1000001x32xf32, #tpu.memory_space<hbm>> -> memref<1x32xf32, #tpu.memory_space<hbm>>
    %dma_start3A_262 = arith.constant 21 : i32
    %dma_start3A_263 = arith.constant 0 : i32
    %dma_start3A_264 = tpu.memref_slice %arg6[%dma_start3A_262, %dma_start3A_263] : memref<512x32xf32, #tpu.memory_space<vmem>> -> memref<1x32xf32, #tpu.memory_space<vmem>>
    %dma_start3A_265 = arith.constant 0 : i32
    %dma_start3A_266 = tpu.memref_slice %arg3[%squeeze3A_256, %dma_start3A_265] : memref<1000001x32xf32, #tpu.memory_space<hbm>> -> memref<1x32xf32, #tpu.memory_space<hbm>>
    tpu.enqueue_dma source(%dma_start3A_266 : memref<1x32xf32, #tpu.memory_space<hbm>>) target(%dma_start3A_264 : memref<1x32xf32, #tpu.memory_space<vmem>>) target_semaphore(%arg7 : memref<!tpu.dma_semaphore, #tpu.memory_space<semaphore_mem>>)
    %slice3A_267 = vector.extract_strided_slice %get3A_194 {offsets = [6], sizes = [1], strides = [1]} : vector<16xi32> to vector<1xi32>
    %squeeze3A_268 = vector.extract %slice3A_267[0] : i32 from vector<1xi32>
    %dma_start3A_269 = arith.constant 22 : i32
    %dma_start3A_270 = arith.constant 0 : i32
    %dma_start3A_271 = tpu.memref_slice %arg6[%dma_start3A_269, %dma_start3A_270] : memref<512x32xf32, #tpu.memory_space<vmem>> -> memref<1x32xf32, #tpu.memory_space<vmem>>
    %dma_start3A_272 = arith.constant 0 : i32
    %dma_start3A_273 = tpu.memref_slice %arg3[%squeeze3A_268, %dma_start3A_272] : memref<1000001x32xf32, #tpu.memory_space<hbm>> -> memref<1x32xf32, #tpu.memory_space<hbm>>
    %dma_start3A_274 = arith.constant 22 : i32
    %dma_start3A_275 = arith.constant 0 : i32
    %dma_start3A_276 = tpu.memref_slice %arg6[%dma_start3A_274, %dma_start3A_275] : memref<512x32xf32, #tpu.memory_space<vmem>> -> memref<1x32xf32, #tpu.memory_space<vmem>>
    %dma_start3A_277 = arith.constant 0 : i32
    %dma_start3A_278 = tpu.memref_slice %arg3[%squeeze3A_268, %dma_start3A_277] : memref<1000001x32xf32, #tpu.memory_space<hbm>> -> memref<1x32xf32, #tpu.memory_space<hbm>>
    tpu.enqueue_dma source(%dma_start3A_278 : memref<1x32xf32, #tpu.memory_space<hbm>>) target(%dma_start3A_276 : memref<1x32xf32, #tpu.memory_space<vmem>>) target_semaphore(%arg7 : memref<!tpu.dma_semaphore, #tpu.memory_space<semaphore_mem>>)
    %slice3A_279 = vector.extract_strided_slice %get3A_194 {offsets = [7], sizes = [1], strides = [1]} : vector<16xi32> to vector<1xi32>
    %squeeze3A_280 = vector.extract %slice3A_279[0] : i32 from vector<1xi32>
    %dma_start3A_281 = arith.constant 23 : i32
    %dma_start3A_282 = arith.constant 0 : i32
    %dma_start3A_283 = tpu.memref_slice %arg6[%dma_start3A_281, %dma_start3A_282] : memref<512x32xf32, #tpu.memory_space<vmem>> -> memref<1x32xf32, #tpu.memory_space<vmem>>
    %dma_start3A_284 = arith.constant 0 : i32
    %dma_start3A_285 = tpu.memref_slice %arg3[%squeeze3A_280, %dma_start3A_284] : memref<1000001x32xf32, #tpu.memory_space<hbm>> -> memref<1x32xf32, #tpu.memory_space<hbm>>
    %dma_start3A_286 = arith.constant 23 : i32
    %dma_start3A_287 = arith.constant 0 : i32
    %dma_start3A_288 = tpu.memref_slice %arg6[%dma_start3A_286, %dma_start3A_287] : memref<512x32xf32, #tpu.memory_space<vmem>> -> memref<1x32xf32, #tpu.memory_space<vmem>>
    %dma_start3A_289 = arith.constant 0 : i32
    %dma_start3A_290 = tpu.memref_slice %arg3[%squeeze3A_280, %dma_start3A_289] : memref<1000001x32xf32, #tpu.memory_space<hbm>> -> memref<1x32xf32, #tpu.memory_space<hbm>>
    tpu.enqueue_dma source(%dma_start3A_290 : memref<1x32xf32, #tpu.memory_space<hbm>>) target(%dma_start3A_288 : memref<1x32xf32, #tpu.memory_space<vmem>>) target_semaphore(%arg7 : memref<!tpu.dma_semaphore, #tpu.memory_space<semaphore_mem>>)
    %slice3A_291 = vector.extract_strided_slice %get3A_194 {offsets = [8], sizes = [1], strides = [1]} : vector<16xi32> to vector<1xi32>
    %squeeze3A_292 = vector.extract %slice3A_291[0] : i32 from vector<1xi32>
    %dma_start3A_293 = arith.constant 24 : i32
    %dma_start3A_294 = arith.constant 0 : i32
    %dma_start3A_295 = tpu.memref_slice %arg6[%dma_start3A_293, %dma_start3A_294] : memref<512x32xf32, #tpu.memory_space<vmem>> -> memref<1x32xf32, #tpu.memory_space<vmem>>
    %dma_start3A_296 = arith.constant 0 : i32
    %dma_start3A_297 = tpu.memref_slice %arg3[%squeeze3A_292, %dma_start3A_296] : memref<1000001x32xf32, #tpu.memory_space<hbm>> -> memref<1x32xf32, #tpu.memory_space<hbm>>
    %dma_start3A_298 = arith.constant 24 : i32
    %dma_start3A_299 = arith.constant 0 : i32
    %dma_start3A_300 = tpu.memref_slice %arg6[%dma_start3A_298, %dma_start3A_299] : memref<512x32xf32, #tpu.memory_space<vmem>> -> memref<1x32xf32, #tpu.memory_space<vmem>>
    %dma_start3A_301 = arith.constant 0 : i32
    %dma_start3A_302 = tpu.memref_slice %arg3[%squeeze3A_292, %dma_start3A_301] : memref<1000001x32xf32, #tpu.memory_space<hbm>> -> memref<1x32xf32, #tpu.memory_space<hbm>>
    tpu.enqueue_dma source(%dma_start3A_302 : memref<1x32xf32, #tpu.memory_space<hbm>>) target(%dma_start3A_300 : memref<1x32xf32, #tpu.memory_space<vmem>>) target_semaphore(%arg7 : memref<!tpu.dma_semaphore, #tpu.memory_space<semaphore_mem>>)
    %slice3A_303 = vector.extract_strided_slice %get3A_194 {offsets = [9], sizes = [1], strides = [1]} : vector<16xi32> to vector<1xi32>
    %squeeze3A_304 = vector.extract %slice3A_303[0] : i32 from vector<1xi32>
    %dma_start3A_305 = arith.constant 25 : i32
    %dma_start3A_306 = arith.constant 0 : i32
    %dma_start3A_307 = tpu.memref_slice %arg6[%dma_start3A_305, %dma_start3A_306] : memref<512x32xf32, #tpu.memory_space<vmem>> -> memref<1x32xf32, #tpu.memory_space<vmem>>
    %dma_start3A_308 = arith.constant 0 : i32
    %dma_start3A_309 = tpu.memref_slice %arg3[%squeeze3A_304, %dma_start3A_308] : memref<1000001x32xf32, #tpu.memory_space<hbm>> -> memref<1x32xf32, #tpu.memory_space<hbm>>
    %dma_start3A_310 = arith.constant 25 : i32
    %dma_start3A_311 = arith.constant 0 : i32
    %dma_start3A_312 = tpu.memref_slice %arg6[%dma_start3A_310, %dma_start3A_311] : memref<512x32xf32, #tpu.memory_space<vmem>> -> memref<1x32xf32, #tpu.memory_space<vmem>>
    %dma_start3A_313 = arith.constant 0 : i32
    %dma_start3A_314 = tpu.memref_slice %arg3[%squeeze3A_304, %dma_start3A_313] : memref<1000001x32xf32, #tpu.memory_space<hbm>> -> memref<1x32xf32, #tpu.memory_space<hbm>>
    tpu.enqueue_dma source(%dma_start3A_314 : memref<1x32xf32, #tpu.memory_space<hbm>>) target(%dma_start3A_312 : memref<1x32xf32, #tpu.memory_space<vmem>>) target_semaphore(%arg7 : memref<!tpu.dma_semaphore, #tpu.memory_space<semaphore_mem>>)
    %slice3A_315 = vector.extract_strided_slice %get3A_194 {offsets = [10], sizes = [1], strides = [1]} : vector<16xi32> to vector<1xi32>
    %squeeze3A_316 = vector.extract %slice3A_315[0] : i32 from vector<1xi32>
    %dma_start3A_317 = arith.constant 26 : i32
    %dma_start3A_318 = arith.constant 0 : i32
    %dma_start3A_319 = tpu.memref_slice %arg6[%dma_start3A_317, %dma_start3A_318] : memref<512x32xf32, #tpu.memory_space<vmem>> -> memref<1x32xf32, #tpu.memory_space<vmem>>
    %dma_start3A_320 = arith.constant 0 : i32
    %dma_start3A_321 = tpu.memref_slice %arg3[%squeeze3A_316, %dma_start3A_320] : memref<1000001x32xf32, #tpu.memory_space<hbm>> -> memref<1x32xf32, #tpu.memory_space<hbm>>
    %dma_start3A_322 = arith.constant 26 : i32
    %dma_start3A_323 = arith.constant 0 : i32
    %dma_start3A_324 = tpu.memref_slice %arg6[%dma_start3A_322, %dma_start3A_323] : memref<512x32xf32, #tpu.memory_space<vmem>> -> memref<1x32xf32, #tpu.memory_space<vmem>>
    %dma_start3A_325 = arith.constant 0 : i32
    %dma_start3A_326 = tpu.memref_slice %arg3[%squeeze3A_316, %dma_start3A_325] : memref<1000001x32xf32, #tpu.memory_space<hbm>> -> memref<1x32xf32, #tpu.memory_space<hbm>>
    tpu.enqueue_dma source(%dma_start3A_326 : memref<1x32xf32, #tpu.memory_space<hbm>>) target(%dma_start3A_324 : memref<1x32xf32, #tpu.memory_space<vmem>>) target_semaphore(%arg7 : memref<!tpu.dma_semaphore, #tpu.memory_space<semaphore_mem>>)
    %slice3A_327 = vector.extract_strided_slice %get3A_194 {offsets = [11], sizes = [1], strides = [1]} : vector<16xi32> to vector<1xi32>
    %squeeze3A_328 = vector.extract %slice3A_327[0] : i32 from vector<1xi32>
    %dma_start3A_329 = arith.constant 27 : i32
    %dma_start3A_330 = arith.constant 0 : i32
    %dma_start3A_331 = tpu.memref_slice %arg6[%dma_start3A_329, %dma_start3A_330] : memref<512x32xf32, #tpu.memory_space<vmem>> -> memref<1x32xf32, #tpu.memory_space<vmem>>
    %dma_start3A_332 = arith.constant 0 : i32
    %dma_start3A_333 = tpu.memref_slice %arg3[%squeeze3A_328, %dma_start3A_332] : memref<1000001x32xf32, #tpu.memory_space<hbm>> -> memref<1x32xf32, #tpu.memory_space<hbm>>
    %dma_start3A_334 = arith.constant 27 : i32
    %dma_start3A_335 = arith.constant 0 : i32
    %dma_start3A_336 = tpu.memref_slice %arg6[%dma_start3A_334, %dma_start3A_335] : memref<512x32xf32, #tpu.memory_space<vmem>> -> memref<1x32xf32, #tpu.memory_space<vmem>>
    %dma_start3A_337 = arith.constant 0 : i32
    %dma_start3A_338 = tpu.memref_slice %arg3[%squeeze3A_328, %dma_start3A_337] : memref<1000001x32xf32, #tpu.memory_space<hbm>> -> memref<1x32xf32, #tpu.memory_space<hbm>>
    tpu.enqueue_dma source(%dma_start3A_338 : memref<1x32xf32, #tpu.memory_space<hbm>>) target(%dma_start3A_336 : memref<1x32xf32, #tpu.memory_space<vmem>>) target_semaphore(%arg7 : memref<!tpu.dma_semaphore, #tpu.memory_space<semaphore_mem>>)
    %slice3A_339 = vector.extract_strided_slice %get3A_194 {offsets = [12], sizes = [1], strides = [1]} : vector<16xi32> to vector<1xi32>
    %squeeze3A_340 = vector.extract %slice3A_339[0] : i32 from vector<1xi32>
    %dma_start3A_341 = arith.constant 28 : i32
    %dma_start3A_342 = arith.constant 0 : i32
    %dma_start3A_343 = tpu.memref_slice %arg6[%dma_start3A_341, %dma_start3A_342] : memref<512x32xf32, #tpu.memory_space<vmem>> -> memref<1x32xf32, #tpu.memory_space<vmem>>
    %dma_start3A_344 = arith.constant 0 : i32
    %dma_start3A_345 = tpu.memref_slice %arg3[%squeeze3A_340, %dma_start3A_344] : memref<1000001x32xf32, #tpu.memory_space<hbm>> -> memref<1x32xf32, #tpu.memory_space<hbm>>
    %dma_start3A_346 = arith.constant 28 : i32
    %dma_start3A_347 = arith.constant 0 : i32
    %dma_start3A_348 = tpu.memref_slice %arg6[%dma_start3A_346, %dma_start3A_347] : memref<512x32xf32, #tpu.memory_space<vmem>> -> memref<1x32xf32, #tpu.memory_space<vmem>>
    %dma_start3A_349 = arith.constant 0 : i32
    %dma_start3A_350 = tpu.memref_slice %arg3[%squeeze3A_340, %dma_start3A_349] : memref<1000001x32xf32, #tpu.memory_space<hbm>> -> memref<1x32xf32, #tpu.memory_space<hbm>>
    tpu.enqueue_dma source(%dma_start3A_350 : memref<1x32xf32, #tpu.memory_space<hbm>>) target(%dma_start3A_348 : memref<1x32xf32, #tpu.memory_space<vmem>>) target_semaphore(%arg7 : memref<!tpu.dma_semaphore, #tpu.memory_space<semaphore_mem>>)
    %slice3A_351 = vector.extract_strided_slice %get3A_194 {offsets = [13], sizes = [1], strides = [1]} : vector<16xi32> to vector<1xi32>
    %squeeze3A_352 = vector.extract %slice3A_351[0] : i32 from vector<1xi32>
    %dma_start3A_353 = arith.constant 29 : i32
    %dma_start3A_354 = arith.constant 0 : i32
    %dma_start3A_355 = tpu.memref_slice %arg6[%dma_start3A_353, %dma_start3A_354] : memref<512x32xf32, #tpu.memory_space<vmem>> -> memref<1x32xf32, #tpu.memory_space<vmem>>
    %dma_start3A_356 = arith.constant 0 : i32
    %dma_start3A_357 = tpu.memref_slice %arg3[%squeeze3A_352, %dma_start3A_356] : memref<1000001x32xf32, #tpu.memory_space<hbm>> -> memref<1x32xf32, #tpu.memory_space<hbm>>
    %dma_start3A_358 = arith.constant 29 : i32
    %dma_start3A_359 = arith.constant 0 : i32
    %dma_start3A_360 = tpu.memref_slice %arg6[%dma_start3A_358, %dma_start3A_359] : memref<512x32xf32, #tpu.memory_space<vmem>> -> memref<1x32xf32, #tpu.memory_space<vmem>>
    %dma_start3A_361 = arith.constant 0 : i32
    %dma_start3A_362 = tpu.memref_slice %arg3[%squeeze3A_352, %dma_start3A_361] : memref<1000001x32xf32, #tpu.memory_space<hbm>> -> memref<1x32xf32, #tpu.memory_space<hbm>>
    tpu.enqueue_dma source(%dma_start3A_362 : memref<1x32xf32, #tpu.memory_space<hbm>>) target(%dma_start3A_360 : memref<1x32xf32, #tpu.memory_space<vmem>>) target_semaphore(%arg7 : memref<!tpu.dma_semaphore, #tpu.memory_space<semaphore_mem>>)
    %slice3A_363 = vector.extract_strided_slice %get3A_194 {offsets = [14], sizes = [1], strides = [1]} : vector<16xi32> to vector<1xi32>
    %squeeze3A_364 = vector.extract %slice3A_363[0] : i32 from vector<1xi32>
    %dma_start3A_365 = arith.constant 30 : i32
    %dma_start3A_366 = arith.constant 0 : i32
    %dma_start3A_367 = tpu.memref_slice %arg6[%dma_start3A_365, %dma_start3A_366] : memref<512x32xf32, #tpu.memory_space<vmem>> -> memref<1x32xf32, #tpu.memory_space<vmem>>
    %dma_start3A_368 = arith.constant 0 : i32
    %dma_start3A_369 = tpu.memref_slice %arg3[%squeeze3A_364, %dma_start3A_368] : memref<1000001x32xf32, #tpu.memory_space<hbm>> -> memref<1x32xf32, #tpu.memory_space<hbm>>
    %dma_start3A_370 = arith.constant 30 : i32
    %dma_start3A_371 = arith.constant 0 : i32
    %dma_start3A_372 = tpu.memref_slice %arg6[%dma_start3A_370, %dma_start3A_371] : memref<512x32xf32, #tpu.memory_space<vmem>> -> memref<1x32xf32, #tpu.memory_space<vmem>>
    %dma_start3A_373 = arith.constant 0 : i32
    %dma_start3A_374 = tpu.memref_slice %arg3[%squeeze3A_364, %dma_start3A_373] : memref<1000001x32xf32, #tpu.memory_space<hbm>> -> memref<1x32xf32, #tpu.memory_space<hbm>>
    tpu.enqueue_dma source(%dma_start3A_374 : memref<1x32xf32, #tpu.memory_space<hbm>>) target(%dma_start3A_372 : memref<1x32xf32, #tpu.memory_space<vmem>>) target_semaphore(%arg7 : memref<!tpu.dma_semaphore, #tpu.memory_space<semaphore_mem>>)
    %slice3A_375 = vector.extract_strided_slice %get3A_194 {offsets = [15], sizes = [1], strides = [1]} : vector<16xi32> to vector<1xi32>
    %squeeze3A_376 = vector.extract %slice3A_375[0] : i32 from vector<1xi32>
    %dma_start3A_377 = arith.constant 31 : i32
    %dma_start3A_378 = arith.constant 0 : i32
    %dma_start3A_379 = tpu.memref_slice %arg6[%dma_start3A_377, %dma_start3A_378] : memref<512x32xf32, #tpu.memory_space<vmem>> -> memref<1x32xf32, #tpu.memory_space<vmem>>
    %dma_start3A_380 = arith.constant 0 : i32
    %dma_start3A_381 = tpu.memref_slice %arg3[%squeeze3A_376, %dma_start3A_380] : memref<1000001x32xf32, #tpu.memory_space<hbm>> -> memref<1x32xf32, #tpu.memory_space<hbm>>
    %dma_start3A_382 = arith.constant 31 : i32
    %dma_start3A_383 = arith.constant 0 : i32
    %dma_start3A_384 = tpu.memref_slice %arg6[%dma_start3A_382, %dma_start3A_383] : memref<512x32xf32, #tpu.memory_space<vmem>> -> memref<1x32xf32, #tpu.memory_space<vmem>>
    %dma_start3A_385 = arith.constant 0 : i32
    %dma_start3A_386 = tpu.memref_slice %arg3[%squeeze3A_376, %dma_start3A_385] : memref<1000001x32xf32, #tpu.memory_space<hbm>> -> memref<1x32xf32, #tpu.memory_space<hbm>>
    tpu.enqueue_dma source(%dma_start3A_386 : memref<1x32xf32, #tpu.memory_space<hbm>>) target(%dma_start3A_384 : memref<1x32xf32, #tpu.memory_space<vmem>>) target_semaphore(%arg7 : memref<!tpu.dma_semaphore, #tpu.memory_space<semaphore_mem>>)
    %get3A_387 = arith.constant 32 : index
    %get3A_388 = tpu.vector_load %arg5[%get3A_387] {strides = array<i32>} : memref<512xi32, #tpu.memory_space<vmem>>, vector<16xi32>,
    %get3A_389 = vector.shape_cast %get3A_388 : vector<16xi32> to vector<16xi32>
    %slice3A_390 = vector.extract_strided_slice %get3A_389 {offsets = [0], sizes = [1], strides = [1]} : vector<16xi32> to vector<1xi32>
    %squeeze3A_391 = vector.extract %slice3A_390[0] : i32 from vector<1xi32>
    %dma_start3A_392 = arith.constant 32 : i32
    %dma_start3A_393 = arith.constant 0 : i32
    %dma_start3A_394 = tpu.memref_slice %arg6[%dma_start3A_392, %dma_start3A_393] : memref<512x32xf32, #tpu.memory_space<vmem>> -> memref<1x32xf32, #tpu.memory_space<vmem>>
    %dma_start3A_395 = arith.constant 0 : i32
    %dma_start3A_396 = tpu.memref_slice %arg3[%squeeze3A_391, %dma_start3A_395] : memref<1000001x32xf32, #tpu.memory_space<hbm>> -> memref<1x32xf32, #tpu.memory_space<hbm>>
    %dma_start3A_397 = arith.constant 32 : i32
    %dma_start3A_398 = arith.constant 0 : i32
    %dma_start3A_399 = tpu.memref_slice %arg6[%dma_start3A_397, %dma_start3A_398] : memref<512x32xf32, #tpu.memory_space<vmem>> -> memref<1x32xf32, #tpu.memory_space<vmem>>
    %dma_start3A_400 = arith.constant 0 : i32
    %dma_start3A_401 = tpu.memref_slice %arg3[%squeeze3A_391, %dma_start3A_400] : memref<1000001x32xf32, #tpu.memory_space<hbm>> -> memref<1x32xf32, #tpu.memory_space<hbm>>
    tpu.enqueue_dma source(%dma_start3A_401 : memref<1x32xf32, #tpu.memory_space<hbm>>) target(%dma_start3A_399 : memref<1x32xf32, #tpu.memory_space<vmem>>) target_semaphore(%arg7 : memref<!tpu.dma_semaphore, #tpu.memory_space<semaphore_mem>>)
    %slice3A_402 = vector.extract_strided_slice %get3A_389 {offsets = [1], sizes = [1], strides = [1]} : vector<16xi32> to vector<1xi32>
    %squeeze3A_403 = vector.extract %slice3A_402[0] : i32 from vector<1xi32>
    %dma_start3A_404 = arith.constant 33 : i32
    %dma_start3A_405 = arith.constant 0 : i32
    %dma_start3A_406 = tpu.memref_slice %arg6[%dma_start3A_404, %dma_start3A_405] : memref<512x32xf32, #tpu.memory_space<vmem>> -> memref<1x32xf32, #tpu.memory_space<vmem>>
    %dma_start3A_407 = arith.constant 0 : i32
    %dma_start3A_408 = tpu.memref_slice %arg3[%squeeze3A_403, %dma_start3A_407] : memref<1000001x32xf32, #tpu.memory_space<hbm>> -> memref<1x32xf32, #tpu.memory_space<hbm>>
    %dma_start3A_409 = arith.constant 33 : i32
    %dma_start3A_410 = arith.constant 0 : i32
    %dma_start3A_411 = tpu.memref_slice %arg6[%dma_start3A_409, %dma_start3A_410] : memref<512x32xf32, #tpu.memory_space<vmem>> -> memref<1x32xf32, #tpu.memory_space<vmem>>
    %dma_start3A_412 = arith.constant 0 : i32
    %dma_start3A_413 = tpu.memref_slice %arg3[%squeeze3A_403, %dma_start3A_412] : memref<1000001x32xf32, #tpu.memory_space<hbm>> -> memref<1x32xf32, #tpu.memory_space<hbm>>
    tpu.enqueue_dma source(%dma_start3A_413 : memref<1x32xf32, #tpu.memory_space<hbm>>) target(%dma_start3A_411 : memref<1x32xf32, #tpu.memory_space<vmem>>) target_semaphore(%arg7 : memref<!tpu.dma_semaphore, #tpu.memory_space<semaphore_mem>>)
    %slice3A_414 = vector.extract_strided_slice %get3A_389 {offsets = [2], sizes = [1], strides = [1]} : vector<16xi32> to vector<1xi32>
    %squeeze3A_415 = vector.extract %slice3A_414[0] : i32 from vector<1xi32>
    %dma_start3A_416 = arith.constant 34 : i32
    %dma_start3A_417 = arith.constant 0 : i32
    %dma_start3A_418 = tpu.memref_slice %arg6[%dma_start3A_416, %dma_start3A_417] : memref<512x32xf32, #tpu.memory_space<vmem>> -> memref<1x32xf32, #tpu.memory_space<vmem>>
    %dma_start3A_419 = arith.constant 0 : i32
    %dma_start3A_420 = tpu.memref_slice %arg3[%squeeze3A_415, %dma_start3A_419] : memref<1000001x32xf32, #tpu.memory_space<hbm>> -> memref<1x32xf32, #tpu.memory_space<hbm>>
    %dma_start3A_421 = arith.constant 34 : i32
    %dma_start3A_422 = arith.constant 0 : i32
    %dma_start3A_423 = tpu.memref_slice %arg6[%dma_start3A_421, %dma_start3A_422] : memref<512x32xf32, #tpu.memory_space<vmem>> -> memref<1x32xf32, #tpu.memory_space<vmem>>
    %dma_start3A_424 = arith.constant 0 : i32
    %dma_start3A_425 = tpu.memref_slice %arg3[%squeeze3A_415, %dma_start3A_424] : memref<1000001x32xf32, #tpu.memory_space<hbm>> -> memref<1x32xf32, #tpu.memory_space<hbm>>
    tpu.enqueue_dma source(%dma_start3A_425 : memref<1x32xf32, #tpu.memory_space<hbm>>) target(%dma_start3A_423 : memref<1x32xf32, #tpu.memory_space<vmem>>) target_semaphore(%arg7 : memref<!tpu.dma_semaphore, #tpu.memory_space<semaphore_mem>>)
    %slice3A_426 = vector.extract_strided_slice %get3A_389 {offsets = [3], sizes = [1], strides = [1]} : vector<16xi32> to vector<1xi32>
    %squeeze3A_427 = vector.extract %slice3A_426[0] : i32 from vector<1xi32>
    %dma_start3A_428 = arith.constant 35 : i32
    %dma_start3A_429 = arith.constant 0 : i32
    %dma_start3A_430 = tpu.memref_slice %arg6[%dma_start3A_428, %dma_start3A_429] : memref<512x32xf32, #tpu.memory_space<vmem>> -> memref<1x32xf32, #tpu.memory_space<vmem>>
    %dma_start3A_431 = arith.constant 0 : i32
    %dma_start3A_432 = tpu.memref_slice %arg3[%squeeze3A_427, %dma_start3A_431] : memref<1000001x32xf32, #tpu.memory_space<hbm>> -> memref<1x32xf32, #tpu.memory_space<hbm>>
    %dma_start3A_433 = arith.constant 35 : i32
    %dma_start3A_434 = arith.constant 0 : i32
    %dma_start3A_435 = tpu.memref_slice %arg6[%dma_start3A_433, %dma_start3A_434] : memref<512x32xf32, #tpu.memory_space<vmem>> -> memref<1x32xf32, #tpu.memory_space<vmem>>
    %dma_start3A_436 = arith.constant 0 : i32
    %dma_start3A_437 = tpu.memref_slice %arg3[%squeeze3A_427, %dma_start3A_436] : memref<1000001x32xf32, #tpu.memory_space<hbm>> -> memref<1x32xf32, #tpu.memory_space<hbm>>
    tpu.enqueue_dma source(%dma_start3A_437 : memref<1x32xf32, #tpu.memory_space<hbm>>) target(%dma_start3A_435 : memref<1x32xf32, #tpu.memory_space<vmem>>) target_semaphore(%arg7 : memref<!tpu.dma_semaphore, #tpu.memory_space<semaphore_mem>>)
    %slice3A_438 = vector.extract_strided_slice %get3A_389 {offsets = [4], sizes = [1], strides = [1]} : vector<16xi32> to vector<1xi32>
    %squeeze3A_439 = vector.extract %slice3A_438[0] : i32 from vector<1xi32>
    %dma_start3A_440 = arith.constant 36 : i32
    %dma_start3A_441 = arith.constant 0 : i32
    %dma_start3A_442 = tpu.memref_slice %arg6[%dma_start3A_440, %dma_start3A_441] : memref<512x32xf32, #tpu.memory_space<vmem>> -> memref<1x32xf32, #tpu.memory_space<vmem>>
    %dma_start3A_443 = arith.constant 0 : i32
    %dma_start3A_444 = tpu.memref_slice %arg3[%squeeze3A_439, %dma_start3A_443] : memref<1000001x32xf32, #tpu.memory_space<hbm>> -> memref<1x32xf32, #tpu.memory_space<hbm>>
    %dma_start3A_445 = arith.constant 36 : i32
    %dma_start3A_446 = arith.constant 0 : i32
    %dma_start3A_447 = tpu.memref_slice %arg6[%dma_start3A_445, %dma_start3A_446] : memref<512x32xf32, #tpu.memory_space<vmem>> -> memref<1x32xf32, #tpu.memory_space<vmem>>
    %dma_start3A_448 = arith.constant 0 : i32
    %dma_start3A_449 = tpu.memref_slice %arg3[%squeeze3A_439, %dma_start3A_448] : memref<1000001x32xf32, #tpu.memory_space<hbm>> -> memref<1x32xf32, #tpu.memory_space<hbm>>
    tpu.enqueue_dma source(%dma_start3A_449 : memref<1x32xf32, #tpu.memory_space<hbm>>) target(%dma_start3A_447 : memref<1x32xf32, #tpu.memory_space<vmem>>) target_semaphore(%arg7 : memref<!tpu.dma_semaphore, #tpu.memory_space<semaphore_mem>>)
    %slice3A_450 = vector.extract_strided_slice %get3A_389 {offsets = [5], sizes = [1], strides = [1]} : vector<16xi32> to vector<1xi32>
    %squeeze3A_451 = vector.extract %slice3A_450[0] : i32 from vector<1xi32>
    %dma_start3A_452 = arith.constant 37 : i32
    %dma_start3A_453 = arith.constant 0 : i32
    %dma_start3A_454 = tpu.memref_slice %arg6[%dma_start3A_452, %dma_start3A_453] : memref<512x32xf32, #tpu.memory_space<vmem>> -> memref<1x32xf32, #tpu.memory_space<vmem>>
    %dma_start3A_455 = arith.constant 0 : i32
    %dma_start3A_456 = tpu.memref_slice %arg3[%squeeze3A_451, %dma_start3A_455] : memref<1000001x32xf32, #tpu.memory_space<hbm>> -> memref<1x32xf32, #tpu.memory_space<hbm>>
    %dma_start3A_457 = arith.constant 37 : i32
    %dma_start3A_458 = arith.constant 0 : i32
    %dma_start3A_459 = tpu.memref_slice %arg6[%dma_start3A_457, %dma_start3A_458] : memref<512x32xf32, #tpu.memory_space<vmem>> -> memref<1x32xf32, #tpu.memory_space<vmem>>
    %dma_start3A_460 = arith.constant 0 : i32
    %dma_start3A_461 = tpu.memref_slice %arg3[%squeeze3A_451, %dma_start3A_460] : memref<1000001x32xf32, #tpu.memory_space<hbm>> -> memref<1x32xf32, #tpu.memory_space<hbm>>
    tpu.enqueue_dma source(%dma_start3A_461 : memref<1x32xf32, #tpu.memory_space<hbm>>) target(%dma_start3A_459 : memref<1x32xf32, #tpu.memory_space<vmem>>) target_semaphore(%arg7 : memref<!tpu.dma_semaphore, #tpu.memory_space<semaphore_mem>>)
    %slice3A_462 = vector.extract_strided_slice %get3A_389 {offsets = [6], sizes = [1], strides = [1]} : vector<16xi32> to vector<1xi32>
    %squeeze3A_463 = vector.extract %slice3A_462[0] : i32 from vector<1xi32>
    %dma_start3A_464 = arith.constant 38 : i32
    %dma_start3A_465 = arith.constant 0 : i32
    %dma_start3A_466 = tpu.memref_slice %arg6[%dma_start3A_464, %dma_start3A_465] : memref<512x32xf32, #tpu.memory_space<vmem>> -> memref<1x32xf32, #tpu.memory_space<vmem>>
    %dma_start3A_467 = arith.constant 0 : i32
    %dma_start3A_468 = tpu.memref_slice %arg3[%squeeze3A_463, %dma_start3A_467] : memref<1000001x32xf32, #tpu.memory_space<hbm>> -> memref<1x32xf32, #tpu.memory_space<hbm>>
    %dma_start3A_469 = arith.constant 38 : i32
    %dma_start3A_470 = arith.constant 0 : i32
    %dma_start3A_471 = tpu.memref_slice %arg6[%dma_start3A_469, %dma_start3A_470] : memref<512x32xf32, #tpu.memory_space<vmem>> -> memref<1x32xf32, #tpu.memory_space<vmem>>
    %dma_start3A_472 = arith.constant 0 : i32
    %dma_start3A_473 = tpu.memref_slice %arg3[%squeeze3A_463, %dma_start3A_472] : memref<1000001x32xf32, #tpu.memory_space<hbm>> -> memref<1x32xf32, #tpu.memory_space<hbm>>
    tpu.enqueue_dma source(%dma_start3A_473 : memref<1x32xf32, #tpu.memory_space<hbm>>) target(%dma_start3A_471 : memref<1x32xf32, #tpu.memory_space<vmem>>) target_semaphore(%arg7 : memref<!tpu.dma_semaphore, #tpu.memory_space<semaphore_mem>>)
    %slice3A_474 = vector.extract_strided_slice %get3A_389 {offsets = [7], sizes = [1], strides = [1]} : vector<16xi32> to vector<1xi32>
    %squeeze3A_475 = vector.extract %slice3A_474[0] : i32 from vector<1xi32>
    %dma_start3A_476 = arith.constant 39 : i32
    %dma_start3A_477 = arith.constant 0 : i32
    %dma_start3A_478 = tpu.memref_slice %arg6[%dma_start3A_476, %dma_start3A_477] : memref<512x32xf32, #tpu.memory_space<vmem>> -> memref<1x32xf32, #tpu.memory_space<vmem>>
    %dma_start3A_479 = arith.constant 0 : i32
    %dma_start3A_480 = tpu.memref_slice %arg3[%squeeze3A_475, %dma_start3A_479] : memref<1000001x32xf32, #tpu.memory_space<hbm>> -> memref<1x32xf32, #tpu.memory_space<hbm>>
    %dma_start3A_481 = arith.constant 39 : i32
    %dma_start3A_482 = arith.constant 0 : i32
    %dma_start3A_483 = tpu.memref_slice %arg6[%dma_start3A_481, %dma_start3A_482] : memref<512x32xf32, #tpu.memory_space<vmem>> -> memref<1x32xf32, #tpu.memory_space<vmem>>
    %dma_start3A_484 = arith.constant 0 : i32
    %dma_start3A_485 = tpu.memref_slice %arg3[%squeeze3A_475, %dma_start3A_484] : memref<1000001x32xf32, #tpu.memory_space<hbm>> -> memref<1x32xf32, #tpu.memory_space<hbm>>
    tpu.enqueue_dma source(%dma_start3A_485 : memref<1x32xf32, #tpu.memory_space<hbm>>) target(%dma_start3A_483 : memref<1x32xf32, #tpu.memory_space<vmem>>) target_semaphore(%arg7 : memref<!tpu.dma_semaphore, #tpu.memory_space<semaphore_mem>>)
    %slice3A_486 = vector.extract_strided_slice %get3A_389 {offsets = [8], sizes = [1], strides = [1]} : vector<16xi32> to vector<1xi32>
    %squeeze3A_487 = vector.extract %slice3A_486[0] : i32 from vector<1xi32>
    %dma_start3A_488 = arith.constant 40 : i32
    %dma_start3A_489 = arith.constant 0 : i32
    %dma_start3A_490 = tpu.memref_slice %arg6[%dma_start3A_488, %dma_start3A_489] : memref<512x32xf32, #tpu.memory_space<vmem>> -> memref<1x32xf32, #tpu.memory_space<vmem>>
    %dma_start3A_491 = arith.constant 0 : i32
    %dma_start3A_492 = tpu.memref_slice %arg3[%squeeze3A_487, %dma_start3A_491] : memref<1000001x32xf32, #tpu.memory_space<hbm>> -> memref<1x32xf32, #tpu.memory_space<hbm>>
    %dma_start3A_493 = arith.constant 40 : i32
    %dma_start3A_494 = arith.constant 0 : i32
    %dma_start3A_495 = tpu.memref_slice %arg6[%dma_start3A_493, %dma_start3A_494] : memref<512x32xf32, #tpu.memory_space<vmem>> -> memref<1x32xf32, #tpu.memory_space<vmem>>
    %dma_start3A_496 = arith.constant 0 : i32
    %dma_start3A_497 = tpu.memref_slice %arg3[%squeeze3A_487, %dma_start3A_496] : memref<1000001x32xf32, #tpu.memory_space<hbm>> -> memref<1x32xf32, #tpu.memory_space<hbm>>
    tpu.enqueue_dma source(%dma_start3A_497 : memref<1x32xf32, #tpu.memory_space<hbm>>) target(%dma_start3A_495 : memref<1x32xf32, #tpu.memory_space<vmem>>) target_semaphore(%arg7 : memref<!tpu.dma_semaphore, #tpu.memory_space<semaphore_mem>>)
    %slice3A_498 = vector.extract_strided_slice %get3A_389 {offsets = [9], sizes = [1], strides = [1]} : vector<16xi32> to vector<1xi32>
    %squeeze3A_499 = vector.extract %slice3A_498[0] : i32 from vector<1xi32>
    %dma_start3A_500 = arith.constant 41 : i32
    %dma_start3A_501 = arith.constant 0 : i32
    %dma_start3A_502 = tpu.memref_slice %arg6[%dma_start3A_500, %dma_start3A_501] : memref<512x32xf32, #tpu.memory_space<vmem>> -> memref<1x32xf32, #tpu.memory_space<vmem>>
    %dma_start3A_503 = arith.constant 0 : i32
    %dma_start3A_504 = tpu.memref_slice %arg3[%squeeze3A_499, %dma_start3A_503] : memref<1000001x32xf32, #tpu.memory_space<hbm>> -> memref<1x32xf32, #tpu.memory_space<hbm>>
    %dma_start3A_505 = arith.constant 41 : i32
    %dma_start3A_506 = arith.constant 0 : i32
    %dma_start3A_507 = tpu.memref_slice %arg6[%dma_start3A_505, %dma_start3A_506] : memref<512x32xf32, #tpu.memory_space<vmem>> -> memref<1x32xf32, #tpu.memory_space<vmem>>
    %dma_start3A_508 = arith.constant 0 : i32
    %dma_start3A_509 = tpu.memref_slice %arg3[%squeeze3A_499, %dma_start3A_508] : memref<1000001x32xf32, #tpu.memory_space<hbm>> -> memref<1x32xf32, #tpu.memory_space<hbm>>
    tpu.enqueue_dma source(%dma_start3A_509 : memref<1x32xf32, #tpu.memory_space<hbm>>) target(%dma_start3A_507 : memref<1x32xf32, #tpu.memory_space<vmem>>) target_semaphore(%arg7 : memref<!tpu.dma_semaphore, #tpu.memory_space<semaphore_mem>>)
    %slice3A_510 = vector.extract_strided_slice %get3A_389 {offsets = [10], sizes = [1], strides = [1]} : vector<16xi32> to vector<1xi32>
    %squeeze3A_511 = vector.extract %slice3A_510[0] : i32 from vector<1xi32>
    %dma_start3A_512 = arith.constant 42 : i32
    %dma_start3A_513 = arith.constant 0 : i32
    %dma_start3A_514 = tpu.memref_slice %arg6[%dma_start3A_512, %dma_start3A_513] : memref<512x32xf32, #tpu.memory_space<vmem>> -> memref<1x32xf32, #tpu.memory_space<vmem>>
    %dma_start3A_515 = arith.constant 0 : i32
    %dma_start3A_516 = tpu.memref_slice %arg3[%squeeze3A_511, %dma_start3A_515] : memref<1000001x32xf32, #tpu.memory_space<hbm>> -> memref<1x32xf32, #tpu.memory_space<hbm>>
    %dma_start3A_517 = arith.constant 42 : i32
    %dma_start3A_518 = arith.constant 0 : i32
    %dma_start3A_519 = tpu.memref_slice %arg6[%dma_start3A_517, %dma_start3A_518] : memref<512x32xf32, #tpu.memory_space<vmem>> -> memref<1x32xf32, #tpu.memory_space<vmem>>
    %dma_start3A_520 = arith.constant 0 : i32
    %dma_start3A_521 = tpu.memref_slice %arg3[%squeeze3A_511, %dma_start3A_520] : memref<1000001x32xf32, #tpu.memory_space<hbm>> -> memref<1x32xf32, #tpu.memory_space<hbm>>
    tpu.enqueue_dma source(%dma_start3A_521 : memref<1x32xf32, #tpu.memory_space<hbm>>) target(%dma_start3A_519 : memref<1x32xf32, #tpu.memory_space<vmem>>) target_semaphore(%arg7 : memref<!tpu.dma_semaphore, #tpu.memory_space<semaphore_mem>>)
    %slice3A_522 = vector.extract_strided_slice %get3A_389 {offsets = [11], sizes = [1], strides = [1]} : vector<16xi32> to vector<1xi32>
    %squeeze3A_523 = vector.extract %slice3A_522[0] : i32 from vector<1xi32>
    %dma_start3A_524 = arith.constant 43 : i32
    %dma_start3A_525 = arith.constant 0 : i32
    %dma_start3A_526 = tpu.memref_slice %arg6[%dma_start3A_524, %dma_start3A_525] : memref<512x32xf32, #tpu.memory_space<vmem>> -> memref<1x32xf32, #tpu.memory_space<vmem>>
    %dma_start3A_527 = arith.constant 0 : i32
    %dma_start3A_528 = tpu.memref_slice %arg3[%squeeze3A_523, %dma_start3A_527] : memref<1000001x32xf32, #tpu.memory_space<hbm>> -> memref<1x32xf32, #tpu.memory_space<hbm>>
    %dma_start3A_529 = arith.constant 43 : i32
    %dma_start3A_530 = arith.constant 0 : i32
    %dma_start3A_531 = tpu.memref_slice %arg6[%dma_start3A_529, %dma_start3A_530] : memref<512x32xf32, #tpu.memory_space<vmem>> -> memref<1x32xf32, #tpu.memory_space<vmem>>
    %dma_start3A_532 = arith.constant 0 : i32
    %dma_start3A_533 = tpu.memref_slice %arg3[%squeeze3A_523, %dma_start3A_532] : memref<1000001x32xf32, #tpu.memory_space<hbm>> -> memref<1x32xf32, #tpu.memory_space<hbm>>
    tpu.enqueue_dma source(%dma_start3A_533 : memref<1x32xf32, #tpu.memory_space<hbm>>) target(%dma_start3A_531 : memref<1x32xf32, #tpu.memory_space<vmem>>) target_semaphore(%arg7 : memref<!tpu.dma_semaphore, #tpu.memory_space<semaphore_mem>>)
    %slice3A_534 = vector.extract_strided_slice %get3A_389 {offsets = [12], sizes = [1], strides = [1]} : vector<16xi32> to vector<1xi32>
    %squeeze3A_535 = vector.extract %slice3A_534[0] : i32 from vector<1xi32>
    %dma_start3A_536 = arith.constant 44 : i32
    %dma_start3A_537 = arith.constant 0 : i32
    %dma_start3A_538 = tpu.memref_slice %arg6[%dma_start3A_536, %dma_start3A_537] : memref<512x32xf32, #tpu.memory_space<vmem>> -> memref<1x32xf32, #tpu.memory_space<vmem>>
    %dma_start3A_539 = arith.constant 0 : i32
    %dma_start3A_540 = tpu.memref_slice %arg3[%squeeze3A_535, %dma_start3A_539] : memref<1000001x32xf32, #tpu.memory_space<hbm>> -> memref<1x32xf32, #tpu.memory_space<hbm>>
    %dma_start3A_541 = arith.constant 44 : i32
    %dma_start3A_542 = arith.constant 0 : i32
    %dma_start3A_543 = tpu.memref_slice %arg6[%dma_start3A_541, %dma_start3A_542] : memref<512x32xf32, #tpu.memory_space<vmem>> -> memref<1x32xf32, #tpu.memory_space<vmem>>
    %dma_start3A_544 = arith.constant 0 : i32
    %dma_start3A_545 = tpu.memref_slice %arg3[%squeeze3A_535, %dma_start3A_544] : memref<1000001x32xf32, #tpu.memory_space<hbm>> -> memref<1x32xf32, #tpu.memory_space<hbm>>
    tpu.enqueue_dma source(%dma_start3A_545 : memref<1x32xf32, #tpu.memory_space<hbm>>) target(%dma_start3A_543 : memref<1x32xf32, #tpu.memory_space<vmem>>) target_semaphore(%arg7 : memref<!tpu.dma_semaphore, #tpu.memory_space<semaphore_mem>>)
    %slice3A_546 = vector.extract_strided_slice %get3A_389 {offsets = [13], sizes = [1], strides = [1]} : vector<16xi32> to vector<1xi32>
    %squeeze3A_547 = vector.extract %slice3A_546[0] : i32 from vector<1xi32>
    %dma_start3A_548 = arith.constant 45 : i32
    %dma_start3A_549 = arith.constant 0 : i32
    %dma_start3A_550 = tpu.memref_slice %arg6[%dma_start3A_548, %dma_start3A_549] : memref<512x32xf32, #tpu.memory_space<vmem>> -> memref<1x32xf32, #tpu.memory_space<vmem>>
    %dma_start3A_551 = arith.constant 0 : i32
    %dma_start3A_552 = tpu.memref_slice %arg3[%squeeze3A_547, %dma_start3A_551] : memref<1000001x32xf32, #tpu.memory_space<hbm>> -> memref<1x32xf32, #tpu.memory_space<hbm>>
    %dma_start3A_553 = arith.constant 45 : i32
    %dma_start3A_554 = arith.constant 0 : i32
    %dma_start3A_555 = tpu.memref_slice %arg6[%dma_start3A_553, %dma_start3A_554] : memref<512x32xf32, #tpu.memory_space<vmem>> -> memref<1x32xf32, #tpu.memory_space<vmem>>
    %dma_start3A_556 = arith.constant 0 : i32
    %dma_start3A_557 = tpu.memref_slice %arg3[%squeeze3A_547, %dma_start3A_556] : memref<1000001x32xf32, #tpu.memory_space<hbm>> -> memref<1x32xf32, #tpu.memory_space<hbm>>
    tpu.enqueue_dma source(%dma_start3A_557 : memref<1x32xf32, #tpu.memory_space<hbm>>) target(%dma_start3A_555 : memref<1x32xf32, #tpu.memory_space<vmem>>) target_semaphore(%arg7 : memref<!tpu.dma_semaphore, #tpu.memory_space<semaphore_mem>>)
    %slice3A_558 = vector.extract_strided_slice %get3A_389 {offsets = [14], sizes = [1], strides = [1]} : vector<16xi32> to vector<1xi32>
    %squeeze3A_559 = vector.extract %slice3A_558[0] : i32 from vector<1xi32>
    %dma_start3A_560 = arith.constant 46 : i32
    %dma_start3A_561 = arith.constant 0 : i32
    %dma_start3A_562 = tpu.memref_slice %arg6[%dma_start3A_560, %dma_start3A_561] : memref<512x32xf32, #tpu.memory_space<vmem>> -> memref<1x32xf32, #tpu.memory_space<vmem>>
    %dma_start3A_563 = arith.constant 0 : i32
    %dma_start3A_564 = tpu.memref_slice %arg3[%squeeze3A_559, %dma_start3A_563] : memref<1000001x32xf32, #tpu.memory_space<hbm>> -> memref<1x32xf32, #tpu.memory_space<hbm>>
    %dma_start3A_565 = arith.constant 46 : i32
    %dma_start3A_566 = arith.constant 0 : i32
    %dma_start3A_567 = tpu.memref_slice %arg6[%dma_start3A_565, %dma_start3A_566] : memref<512x32xf32, #tpu.memory_space<vmem>> -> memref<1x32xf32, #tpu.memory_space<vmem>>
    %dma_start3A_568 = arith.constant 0 : i32
    %dma_start3A_569 = tpu.memref_slice %arg3[%squeeze3A_559, %dma_start3A_568] : memref<1000001x32xf32, #tpu.memory_space<hbm>> -> memref<1x32xf32, #tpu.memory_space<hbm>>
    tpu.enqueue_dma source(%dma_start3A_569 : memref<1x32xf32, #tpu.memory_space<hbm>>) target(%dma_start3A_567 : memref<1x32xf32, #tpu.memory_space<vmem>>) target_semaphore(%arg7 : memref<!tpu.dma_semaphore, #tpu.memory_space<semaphore_mem>>)
    %slice3A_570 = vector.extract_strided_slice %get3A_389 {offsets = [15], sizes = [1], strides = [1]} : vector<16xi32> to vector<1xi32>
    %squeeze3A_571 = vector.extract %slice3A_570[0] : i32 from vector<1xi32>
    %dma_start3A_572 = arith.constant 47 : i32
    %dma_start3A_573 = arith.constant 0 : i32
    %dma_start3A_574 = tpu.memref_slice %arg6[%dma_start3A_572, %dma_start3A_573] : memref<512x32xf32, #tpu.memory_space<vmem>> -> memref<1x32xf32, #tpu.memory_space<vmem>>
    %dma_start3A_575 = arith.constant 0 : i32
    %dma_start3A_576 = tpu.memref_slice %arg3[%squeeze3A_571, %dma_start3A_575] : memref<1000001x32xf32, #tpu.memory_space<hbm>> -> memref<1x32xf32, #tpu.memory_space<hbm>>
    %dma_start3A_577 = arith.constant 47 : i32
    %dma_start3A_578 = arith.constant 0 : i32
    %dma_start3A_579 = tpu.memref_slice %arg6[%dma_start3A_577, %dma_start3A_578] : memref<512x32xf32, #tpu.memory_space<vmem>> -> memref<1x32xf32, #tpu.memory_space<vmem>>
    %dma_start3A_580 = arith.constant 0 : i32
    %dma_start3A_581 = tpu.memref_slice %arg3[%squeeze3A_571, %dma_start3A_580] : memref<1000001x32xf32, #tpu.memory_space<hbm>> -> memref<1x32xf32, #tpu.memory_space<hbm>>
    tpu.enqueue_dma source(%dma_start3A_581 : memref<1x32xf32, #tpu.memory_space<hbm>>) target(%dma_start3A_579 : memref<1x32xf32, #tpu.memory_space<vmem>>) target_semaphore(%arg7 : memref<!tpu.dma_semaphore, #tpu.memory_space<semaphore_mem>>)
    %get3A_582 = arith.constant 48 : index
    %get3A_583 = tpu.vector_load %arg5[%get3A_582] {strides = array<i32>} : memref<512xi32, #tpu.memory_space<vmem>>, vector<16xi32>,
    %get3A_584 = vector.shape_cast %get3A_583 : vector<16xi32> to vector<16xi32>
    %slice3A_585 = vector.extract_strided_slice %get3A_584 {offsets = [0], sizes = [1], strides = [1]} : vector<16xi32> to vector<1xi32>
    %squeeze3A_586 = vector.extract %slice3A_585[0] : i32 from vector<1xi32>
    %dma_start3A_587 = arith.constant 48 : i32
    %dma_start3A_588 = arith.constant 0 : i32
    %dma_start3A_589 = tpu.memref_slice %arg6[%dma_start3A_587, %dma_start3A_588] : memref<512x32xf32, #tpu.memory_space<vmem>> -> memref<1x32xf32, #tpu.memory_space<vmem>>
    %dma_start3A_590 = arith.constant 0 : i32
    %dma_start3A_591 = tpu.memref_slice %arg3[%squeeze3A_586, %dma_start3A_590] : memref<1000001x32xf32, #tpu.memory_space<hbm>> -> memref<1x32xf32, #tpu.memory_space<hbm>>
    %dma_start3A_592 = arith.constant 48 : i32
    %dma_start3A_593 = arith.constant 0 : i32
    %dma_start3A_594 = tpu.memref_slice %arg6[%dma_start3A_592, %dma_start3A_593] : memref<512x32xf32, #tpu.memory_space<vmem>> -> memref<1x32xf32, #tpu.memory_space<vmem>>
    %dma_start3A_595 = arith.constant 0 : i32
    %dma_start3A_596 = tpu.memref_slice %arg3[%squeeze3A_586, %dma_start3A_595] : memref<1000001x32xf32, #tpu.memory_space<hbm>> -> memref<1x32xf32, #tpu.memory_space<hbm>>
    tpu.enqueue_dma source(%dma_start3A_596 : memref<1x32xf32, #tpu.memory_space<hbm>>) target(%dma_start3A_594 : memref<1x32xf32, #tpu.memory_space<vmem>>) target_semaphore(%arg7 : memref<!tpu.dma_semaphore, #tpu.memory_space<semaphore_mem>>)
    %slice3A_597 = vector.extract_strided_slice %get3A_584 {offsets = [1], sizes = [1], strides = [1]} : vector<16xi32> to vector<1xi32>
    %squeeze3A_598 = vector.extract %slice3A_597[0] : i32 from vector<1xi32>
    %dma_start3A_599 = arith.constant 49 : i32
    %dma_start3A_600 = arith.constant 0 : i32
    %dma_start3A_601 = tpu.memref_slice %arg6[%dma_start3A_599, %dma_start3A_600] : memref<512x32xf32, #tpu.memory_space<vmem>> -> memref<1x32xf32, #tpu.memory_space<vmem>>
    %dma_start3A_602 = arith.constant 0 : i32
    %dma_start3A_603 = tpu.memref_slice %arg3[%squeeze3A_598, %dma_start3A_602] : memref<1000001x32xf32, #tpu.memory_space<hbm>> -> memref<1x32xf32, #tpu.memory_space<hbm>>
    %dma_start3A_604 = arith.constant 49 : i32
    %dma_start3A_605 = arith.constant 0 : i32
    %dma_start3A_606 = tpu.memref_slice %arg6[%dma_start3A_604, %dma_start3A_605] : memref<512x32xf32, #tpu.memory_space<vmem>> -> memref<1x32xf32, #tpu.memory_space<vmem>>
    %dma_start3A_607 = arith.constant 0 : i32
    %dma_start3A_608 = tpu.memref_slice %arg3[%squeeze3A_598, %dma_start3A_607] : memref<1000001x32xf32, #tpu.memory_space<hbm>> -> memref<1x32xf32, #tpu.memory_space<hbm>>
    tpu.enqueue_dma source(%dma_start3A_608 : memref<1x32xf32, #tpu.memory_space<hbm>>) target(%dma_start3A_606 : memref<1x32xf32, #tpu.memory_space<vmem>>) target_semaphore(%arg7 : memref<!tpu.dma_semaphore, #tpu.memory_space<semaphore_mem>>)
    %slice3A_609 = vector.extract_strided_slice %get3A_584 {offsets = [2], sizes = [1], strides = [1]} : vector<16xi32> to vector<1xi32>
    %squeeze3A_610 = vector.extract %slice3A_609[0] : i32 from vector<1xi32>
    %dma_start3A_611 = arith.constant 50 : i32
    %dma_start3A_612 = arith.constant 0 : i32
    %dma_start3A_613 = tpu.memref_slice %arg6[%dma_start3A_611, %dma_start3A_612] : memref<512x32xf32, #tpu.memory_space<vmem>> -> memref<1x32xf32, #tpu.memory_space<vmem>>
    %dma_start3A_614 = arith.constant 0 : i32
    %dma_start3A_615 = tpu.memref_slice %arg3[%squeeze3A_610, %dma_start3A_614] : memref<1000001x32xf32, #tpu.memory_space<hbm>> -> memref<1x32xf32, #tpu.memory_space<hbm>>
    %dma_start3A_616 = arith.constant 50 : i32
    %dma_start3A_617 = arith.constant 0 : i32
    %dma_start3A_618 = tpu.memref_slice %arg6[%dma_start3A_616, %dma_start3A_617] : memref<512x32xf32, #tpu.memory_space<vmem>> -> memref<1x32xf32, #tpu.memory_space<vmem>>
    %dma_start3A_619 = arith.constant 0 : i32
    %dma_start3A_620 = tpu.memref_slice %arg3[%squeeze3A_610, %dma_start3A_619] : memref<1000001x32xf32, #tpu.memory_space<hbm>> -> memref<1x32xf32, #tpu.memory_space<hbm>>
    tpu.enqueue_dma source(%dma_start3A_620 : memref<1x32xf32, #tpu.memory_space<hbm>>) target(%dma_start3A_618 : memref<1x32xf32, #tpu.memory_space<vmem>>) target_semaphore(%arg7 : memref<!tpu.dma_semaphore, #tpu.memory_space<semaphore_mem>>)
    %slice3A_621 = vector.extract_strided_slice %get3A_584 {offsets = [3], sizes = [1], strides = [1]} : vector<16xi32> to vector<1xi32>
    %squeeze3A_622 = vector.extract %slice3A_621[0] : i32 from vector<1xi32>
    %dma_start3A_623 = arith.constant 51 : i32
    %dma_start3A_624 = arith.constant 0 : i32
    %dma_start3A_625 = tpu.memref_slice %arg6[%dma_start3A_623, %dma_start3A_624] : memref<512x32xf32, #tpu.memory_space<vmem>> -> memref<1x32xf32, #tpu.memory_space<vmem>>
    %dma_start3A_626 = arith.constant 0 : i32
    %dma_start3A_627 = tpu.memref_slice %arg3[%squeeze3A_622, %dma_start3A_626] : memref<1000001x32xf32, #tpu.memory_space<hbm>> -> memref<1x32xf32, #tpu.memory_space<hbm>>
    %dma_start3A_628 = arith.constant 51 : i32
    %dma_start3A_629 = arith.constant 0 : i32
    %dma_start3A_630 = tpu.memref_slice %arg6[%dma_start3A_628, %dma_start3A_629] : memref<512x32xf32, #tpu.memory_space<vmem>> -> memref<1x32xf32, #tpu.memory_space<vmem>>
    %dma_start3A_631 = arith.constant 0 : i32
    %dma_start3A_632 = tpu.memref_slice %arg3[%squeeze3A_622, %dma_start3A_631] : memref<1000001x32xf32, #tpu.memory_space<hbm>> -> memref<1x32xf32, #tpu.memory_space<hbm>>
    tpu.enqueue_dma source(%dma_start3A_632 : memref<1x32xf32, #tpu.memory_space<hbm>>) target(%dma_start3A_630 : memref<1x32xf32, #tpu.memory_space<vmem>>) target_semaphore(%arg7 : memref<!tpu.dma_semaphore, #tpu.memory_space<semaphore_mem>>)
    %slice3A_633 = vector.extract_strided_slice %get3A_584 {offsets = [4], sizes = [1], strides = [1]} : vector<16xi32> to vector<1xi32>
    %squeeze3A_634 = vector.extract %slice3A_633[0] : i32 from vector<1xi32>
    %dma_start3A_635 = arith.constant 52 : i32
    %dma_start3A_636 = arith.constant 0 : i32
    %dma_start3A_637 = tpu.memref_slice %arg6[%dma_start3A_635, %dma_start3A_636] : memref<512x32xf32, #tpu.memory_space<vmem>> -> memref<1x32xf32, #tpu.memory_space<vmem>>
    %dma_start3A_638 = arith.constant 0 : i32
    %dma_start3A_639 = tpu.memref_slice %arg3[%squeeze3A_634, %dma_start3A_638] : memref<1000001x32xf32, #tpu.memory_space<hbm>> -> memref<1x32xf32, #tpu.memory_space<hbm>>
    %dma_start3A_640 = arith.constant 52 : i32
    %dma_start3A_641 = arith.constant 0 : i32
    %dma_start3A_642 = tpu.memref_slice %arg6[%dma_start3A_640, %dma_start3A_641] : memref<512x32xf32, #tpu.memory_space<vmem>> -> memref<1x32xf32, #tpu.memory_space<vmem>>
    %dma_start3A_643 = arith.constant 0 : i32
    %dma_start3A_644 = tpu.memref_slice %arg3[%squeeze3A_634, %dma_start3A_643] : memref<1000001x32xf32, #tpu.memory_space<hbm>> -> memref<1x32xf32, #tpu.memory_space<hbm>>
    tpu.enqueue_dma source(%dma_start3A_644 : memref<1x32xf32, #tpu.memory_space<hbm>>) target(%dma_start3A_642 : memref<1x32xf32, #tpu.memory_space<vmem>>) target_semaphore(%arg7 : memref<!tpu.dma_semaphore, #tpu.memory_space<semaphore_mem>>)
    %slice3A_645 = vector.extract_strided_slice %get3A_584 {offsets = [5], sizes = [1], strides = [1]} : vector<16xi32> to vector<1xi32>
    %squeeze3A_646 = vector.extract %slice3A_645[0] : i32 from vector<1xi32>
    %dma_start3A_647 = arith.constant 53 : i32
    %dma_start3A_648 = arith.constant 0 : i32
    %dma_start3A_649 = tpu.memref_slice %arg6[%dma_start3A_647, %dma_start3A_648] : memref<512x32xf32, #tpu.memory_space<vmem>> -> memref<1x32xf32, #tpu.memory_space<vmem>>
    %dma_start3A_650 = arith.constant 0 : i32
    %dma_start3A_651 = tpu.memref_slice %arg3[%squeeze3A_646, %dma_start3A_650] : memref<1000001x32xf32, #tpu.memory_space<hbm>> -> memref<1x32xf32, #tpu.memory_space<hbm>>
    %dma_start3A_652 = arith.constant 53 : i32
    %dma_start3A_653 = arith.constant 0 : i32
    %dma_start3A_654 = tpu.memref_slice %arg6[%dma_start3A_652, %dma_start3A_653] : memref<512x32xf32, #tpu.memory_space<vmem>> -> memref<1x32xf32, #tpu.memory_space<vmem>>
    %dma_start3A_655 = arith.constant 0 : i32
    %dma_start3A_656 = tpu.memref_slice %arg3[%squeeze3A_646, %dma_start3A_655] : memref<1000001x32xf32, #tpu.memory_space<hbm>> -> memref<1x32xf32, #tpu.memory_space<hbm>>
    tpu.enqueue_dma source(%dma_start3A_656 : memref<1x32xf32, #tpu.memory_space<hbm>>) target(%dma_start3A_654 : memref<1x32xf32, #tpu.memory_space<vmem>>) target_semaphore(%arg7 : memref<!tpu.dma_semaphore, #tpu.memory_space<semaphore_mem>>)
    %slice3A_657 = vector.extract_strided_slice %get3A_584 {offsets = [6], sizes = [1], strides = [1]} : vector<16xi32> to vector<1xi32>
    %squeeze3A_658 = vector.extract %slice3A_657[0] : i32 from vector<1xi32>
    %dma_start3A_659 = arith.constant 54 : i32
    %dma_start3A_660 = arith.constant 0 : i32
    %dma_start3A_661 = tpu.memref_slice %arg6[%dma_start3A_659, %dma_start3A_660] : memref<512x32xf32, #tpu.memory_space<vmem>> -> memref<1x32xf32, #tpu.memory_space<vmem>>
    %dma_start3A_662 = arith.constant 0 : i32
    %dma_start3A_663 = tpu.memref_slice %arg3[%squeeze3A_658, %dma_start3A_662] : memref<1000001x32xf32, #tpu.memory_space<hbm>> -> memref<1x32xf32, #tpu.memory_space<hbm>>
    %dma_start3A_664 = arith.constant 54 : i32
    %dma_start3A_665 = arith.constant 0 : i32
    %dma_start3A_666 = tpu.memref_slice %arg6[%dma_start3A_664, %dma_start3A_665] : memref<512x32xf32, #tpu.memory_space<vmem>> -> memref<1x32xf32, #tpu.memory_space<vmem>>
    %dma_start3A_667 = arith.constant 0 : i32
    %dma_start3A_668 = tpu.memref_slice %arg3[%squeeze3A_658, %dma_start3A_667] : memref<1000001x32xf32, #tpu.memory_space<hbm>> -> memref<1x32xf32, #tpu.memory_space<hbm>>
    tpu.enqueue_dma source(%dma_start3A_668 : memref<1x32xf32, #tpu.memory_space<hbm>>) target(%dma_start3A_666 : memref<1x32xf32, #tpu.memory_space<vmem>>) target_semaphore(%arg7 : memref<!tpu.dma_semaphore, #tpu.memory_space<semaphore_mem>>)
    %slice3A_669 = vector.extract_strided_slice %get3A_584 {offsets = [7], sizes = [1], strides = [1]} : vector<16xi32> to vector<1xi32>
    %squeeze3A_670 = vector.extract %slice3A_669[0] : i32 from vector<1xi32>
    %dma_start3A_671 = arith.constant 55 : i32
    %dma_start3A_672 = arith.constant 0 : i32
    %dma_start3A_673 = tpu.memref_slice %arg6[%dma_start3A_671, %dma_start3A_672] : memref<512x32xf32, #tpu.memory_space<vmem>> -> memref<1x32xf32, #tpu.memory_space<vmem>>
    %dma_start3A_674 = arith.constant 0 : i32
    %dma_start3A_675 = tpu.memref_slice %arg3[%squeeze3A_670, %dma_start3A_674] : memref<1000001x32xf32, #tpu.memory_space<hbm>> -> memref<1x32xf32, #tpu.memory_space<hbm>>
    %dma_start3A_676 = arith.constant 55 : i32
    %dma_start3A_677 = arith.constant 0 : i32
    %dma_start3A_678 = tpu.memref_slice %arg6[%dma_start3A_676, %dma_start3A_677] : memref<512x32xf32, #tpu.memory_space<vmem>> -> memref<1x32xf32, #tpu.memory_space<vmem>>
    %dma_start3A_679 = arith.constant 0 : i32
    %dma_start3A_680 = tpu.memref_slice %arg3[%squeeze3A_670, %dma_start3A_679] : memref<1000001x32xf32, #tpu.memory_space<hbm>> -> memref<1x32xf32, #tpu.memory_space<hbm>>
    tpu.enqueue_dma source(%dma_start3A_680 : memref<1x32xf32, #tpu.memory_space<hbm>>) target(%dma_start3A_678 : memref<1x32xf32, #tpu.memory_space<vmem>>) target_semaphore(%arg7 : memref<!tpu.dma_semaphore, #tpu.memory_space<semaphore_mem>>)
    %slice3A_681 = vector.extract_strided_slice %get3A_584 {offsets = [8], sizes = [1], strides = [1]} : vector<16xi32> to vector<1xi32>
    %squeeze3A_682 = vector.extract %slice3A_681[0] : i32 from vector<1xi32>
    %dma_start3A_683 = arith.constant 56 : i32
    %dma_start3A_684 = arith.constant 0 : i32
    %dma_start3A_685 = tpu.memref_slice %arg6[%dma_start3A_683, %dma_start3A_684] : memref<512x32xf32, #tpu.memory_space<vmem>> -> memref<1x32xf32, #tpu.memory_space<vmem>>
    %dma_start3A_686 = arith.constant 0 : i32
    %dma_start3A_687 = tpu.memref_slice %arg3[%squeeze3A_682, %dma_start3A_686] : memref<1000001x32xf32, #tpu.memory_space<hbm>> -> memref<1x32xf32, #tpu.memory_space<hbm>>
    %dma_start3A_688 = arith.constant 56 : i32
    %dma_start3A_689 = arith.constant 0 : i32
    %dma_start3A_690 = tpu.memref_slice %arg6[%dma_start3A_688, %dma_start3A_689] : memref<512x32xf32, #tpu.memory_space<vmem>> -> memref<1x32xf32, #tpu.memory_space<vmem>>
    %dma_start3A_691 = arith.constant 0 : i32
    %dma_start3A_692 = tpu.memref_slice %arg3[%squeeze3A_682, %dma_start3A_691] : memref<1000001x32xf32, #tpu.memory_space<hbm>> -> memref<1x32xf32, #tpu.memory_space<hbm>>
    tpu.enqueue_dma source(%dma_start3A_692 : memref<1x32xf32, #tpu.memory_space<hbm>>) target(%dma_start3A_690 : memref<1x32xf32, #tpu.memory_space<vmem>>) target_semaphore(%arg7 : memref<!tpu.dma_semaphore, #tpu.memory_space<semaphore_mem>>)
    %slice3A_693 = vector.extract_strided_slice %get3A_584 {offsets = [9], sizes = [1], strides = [1]} : vector<16xi32> to vector<1xi32>
    %squeeze3A_694 = vector.extract %slice3A_693[0] : i32 from vector<1xi32>
    %dma_start3A_695 = arith.constant 57 : i32
    %dma_start3A_696 = arith.constant 0 : i32
    %dma_start3A_697 = tpu.memref_slice %arg6[%dma_start3A_695, %dma_start3A_696] : memref<512x32xf32, #tpu.memory_space<vmem>> -> memref<1x32xf32, #tpu.memory_space<vmem>>
    %dma_start3A_698 = arith.constant 0 : i32
    %dma_start3A_699 = tpu.memref_slice %arg3[%squeeze3A_694, %dma_start3A_698] : memref<1000001x32xf32, #tpu.memory_space<hbm>> -> memref<1x32xf32, #tpu.memory_space<hbm>>
    %dma_start3A_700 = arith.constant 57 : i32
    %dma_start3A_701 = arith.constant 0 : i32
    %dma_start3A_702 = tpu.memref_slice %arg6[%dma_start3A_700, %dma_start3A_701] : memref<512x32xf32, #tpu.memory_space<vmem>> -> memref<1x32xf32, #tpu.memory_space<vmem>>
    %dma_start3A_703 = arith.constant 0 : i32
    %dma_start3A_704 = tpu.memref_slice %arg3[%squeeze3A_694, %dma_start3A_703] : memref<1000001x32xf32, #tpu.memory_space<hbm>> -> memref<1x32xf32, #tpu.memory_space<hbm>>
    tpu.enqueue_dma source(%dma_start3A_704 : memref<1x32xf32, #tpu.memory_space<hbm>>) target(%dma_start3A_702 : memref<1x32xf32, #tpu.memory_space<vmem>>) target_semaphore(%arg7 : memref<!tpu.dma_semaphore, #tpu.memory_space<semaphore_mem>>)
    %slice3A_705 = vector.extract_strided_slice %get3A_584 {offsets = [10], sizes = [1], strides = [1]} : vector<16xi32> to vector<1xi32>
    %squeeze3A_706 = vector.extract %slice3A_705[0] : i32 from vector<1xi32>
    %dma_start3A_707 = arith.constant 58 : i32
    %dma_start3A_708 = arith.constant 0 : i32
    %dma_start3A_709 = tpu.memref_slice %arg6[%dma_start3A_707, %dma_start3A_708] : memref<512x32xf32, #tpu.memory_space<vmem>> -> memref<1x32xf32, #tpu.memory_space<vmem>>
    %dma_start3A_710 = arith.constant 0 : i32
    %dma_start3A_711 = tpu.memref_slice %arg3[%squeeze3A_706, %dma_start3A_710] : memref<1000001x32xf32, #tpu.memory_space<hbm>> -> memref<1x32xf32, #tpu.memory_space<hbm>>
    %dma_start3A_712 = arith.constant 58 : i32
    %dma_start3A_713 = arith.constant 0 : i32
    %dma_start3A_714 = tpu.memref_slice %arg6[%dma_start3A_712, %dma_start3A_713] : memref<512x32xf32, #tpu.memory_space<vmem>> -> memref<1x32xf32, #tpu.memory_space<vmem>>
    %dma_start3A_715 = arith.constant 0 : i32
    %dma_start3A_716 = tpu.memref_slice %arg3[%squeeze3A_706, %dma_start3A_715] : memref<1000001x32xf32, #tpu.memory_space<hbm>> -> memref<1x32xf32, #tpu.memory_space<hbm>>
    tpu.enqueue_dma source(%dma_start3A_716 : memref<1x32xf32, #tpu.memory_space<hbm>>) target(%dma_start3A_714 : memref<1x32xf32, #tpu.memory_space<vmem>>) target_semaphore(%arg7 : memref<!tpu.dma_semaphore, #tpu.memory_space<semaphore_mem>>)
    %slice3A_717 = vector.extract_strided_slice %get3A_584 {offsets = [11], sizes = [1], strides = [1]} : vector<16xi32> to vector<1xi32>
    %squeeze3A_718 = vector.extract %slice3A_717[0] : i32 from vector<1xi32>
    %dma_start3A_719 = arith.constant 59 : i32
    %dma_start3A_720 = arith.constant 0 : i32
    %dma_start3A_721 = tpu.memref_slice %arg6[%dma_start3A_719, %dma_start3A_720] : memref<512x32xf32, #tpu.memory_space<vmem>> -> memref<1x32xf32, #tpu.memory_space<vmem>>
    %dma_start3A_722 = arith.constant 0 : i32
    %dma_start3A_723 = tpu.memref_slice %arg3[%squeeze3A_718, %dma_start3A_722] : memref<1000001x32xf32, #tpu.memory_space<hbm>> -> memref<1x32xf32, #tpu.memory_space<hbm>>
    %dma_start3A_724 = arith.constant 59 : i32
    %dma_start3A_725 = arith.constant 0 : i32
    %dma_start3A_726 = tpu.memref_slice %arg6[%dma_start3A_724, %dma_start3A_725] : memref<512x32xf32, #tpu.memory_space<vmem>> -> memref<1x32xf32, #tpu.memory_space<vmem>>
    %dma_start3A_727 = arith.constant 0 : i32
    %dma_start3A_728 = tpu.memref_slice %arg3[%squeeze3A_718, %dma_start3A_727] : memref<1000001x32xf32, #tpu.memory_space<hbm>> -> memref<1x32xf32, #tpu.memory_space<hbm>>
    tpu.enqueue_dma source(%dma_start3A_728 : memref<1x32xf32, #tpu.memory_space<hbm>>) target(%dma_start3A_726 : memref<1x32xf32, #tpu.memory_space<vmem>>) target_semaphore(%arg7 : memref<!tpu.dma_semaphore, #tpu.memory_space<semaphore_mem>>)
    %slice3A_729 = vector.extract_strided_slice %get3A_584 {offsets = [12], sizes = [1], strides = [1]} : vector<16xi32> to vector<1xi32>
    %squeeze3A_730 = vector.extract %slice3A_729[0] : i32 from vector<1xi32>
    %dma_start3A_731 = arith.constant 60 : i32
    %dma_start3A_732 = arith.constant 0 : i32
    %dma_start3A_733 = tpu.memref_slice %arg6[%dma_start3A_731, %dma_start3A_732] : memref<512x32xf32, #tpu.memory_space<vmem>> -> memref<1x32xf32, #tpu.memory_space<vmem>>
    %dma_start3A_734 = arith.constant 0 : i32
    %dma_start3A_735 = tpu.memref_slice %arg3[%squeeze3A_730, %dma_start3A_734] : memref<1000001x32xf32, #tpu.memory_space<hbm>> -> memref<1x32xf32, #tpu.memory_space<hbm>>
    %dma_start3A_736 = arith.constant 60 : i32
    %dma_start3A_737 = arith.constant 0 : i32
    %dma_start3A_738 = tpu.memref_slice %arg6[%dma_start3A_736, %dma_start3A_737] : memref<512x32xf32, #tpu.memory_space<vmem>> -> memref<1x32xf32, #tpu.memory_space<vmem>>
    %dma_start3A_739 = arith.constant 0 : i32
    %dma_start3A_740 = tpu.memref_slice %arg3[%squeeze3A_730, %dma_start3A_739] : memref<1000001x32xf32, #tpu.memory_space<hbm>> -> memref<1x32xf32, #tpu.memory_space<hbm>>
    tpu.enqueue_dma source(%dma_start3A_740 : memref<1x32xf32, #tpu.memory_space<hbm>>) target(%dma_start3A_738 : memref<1x32xf32, #tpu.memory_space<vmem>>) target_semaphore(%arg7 : memref<!tpu.dma_semaphore, #tpu.memory_space<semaphore_mem>>)
    %slice3A_741 = vector.extract_strided_slice %get3A_584 {offsets = [13], sizes = [1], strides = [1]} : vector<16xi32> to vector<1xi32>
    %squeeze3A_742 = vector.extract %slice3A_741[0] : i32 from vector<1xi32>
    %dma_start3A_743 = arith.constant 61 : i32
    %dma_start3A_744 = arith.constant 0 : i32
    %dma_start3A_745 = tpu.memref_slice %arg6[%dma_start3A_743, %dma_start3A_744] : memref<512x32xf32, #tpu.memory_space<vmem>> -> memref<1x32xf32, #tpu.memory_space<vmem>>
    %dma_start3A_746 = arith.constant 0 : i32
    %dma_start3A_747 = tpu.memref_slice %arg3[%squeeze3A_742, %dma_start3A_746] : memref<1000001x32xf32, #tpu.memory_space<hbm>> -> memref<1x32xf32, #tpu.memory_space<hbm>>
    %dma_start3A_748 = arith.constant 61 : i32
    %dma_start3A_749 = arith.constant 0 : i32
    %dma_start3A_750 = tpu.memref_slice %arg6[%dma_start3A_748, %dma_start3A_749] : memref<512x32xf32, #tpu.memory_space<vmem>> -> memref<1x32xf32, #tpu.memory_space<vmem>>
    %dma_start3A_751 = arith.constant 0 : i32
    %dma_start3A_752 = tpu.memref_slice %arg3[%squeeze3A_742, %dma_start3A_751] : memref<1000001x32xf32, #tpu.memory_space<hbm>> -> memref<1x32xf32, #tpu.memory_space<hbm>>
    tpu.enqueue_dma source(%dma_start3A_752 : memref<1x32xf32, #tpu.memory_space<hbm>>) target(%dma_start3A_750 : memref<1x32xf32, #tpu.memory_space<vmem>>) target_semaphore(%arg7 : memref<!tpu.dma_semaphore, #tpu.memory_space<semaphore_mem>>)
    %slice3A_753 = vector.extract_strided_slice %get3A_584 {offsets = [14], sizes = [1], strides = [1]} : vector<16xi32> to vector<1xi32>
    %squeeze3A_754 = vector.extract %slice3A_753[0] : i32 from vector<1xi32>
    %dma_start3A_755 = arith.constant 62 : i32
    %dma_start3A_756 = arith.constant 0 : i32
    %dma_start3A_757 = tpu.memref_slice %arg6[%dma_start3A_755, %dma_start3A_756] : memref<512x32xf32, #tpu.memory_space<vmem>> -> memref<1x32xf32, #tpu.memory_space<vmem>>
    %dma_start3A_758 = arith.constant 0 : i32
    %dma_start3A_759 = tpu.memref_slice %arg3[%squeeze3A_754, %dma_start3A_758] : memref<1000001x32xf32, #tpu.memory_space<hbm>> -> memref<1x32xf32, #tpu.memory_space<hbm>>
    %dma_start3A_760 = arith.constant 62 : i32
    %dma_start3A_761 = arith.constant 0 : i32
    %dma_start3A_762 = tpu.memref_slice %arg6[%dma_start3A_760, %dma_start3A_761] : memref<512x32xf32, #tpu.memory_space<vmem>> -> memref<1x32xf32, #tpu.memory_space<vmem>>
    %dma_start3A_763 = arith.constant 0 : i32
    %dma_start3A_764 = tpu.memref_slice %arg3[%squeeze3A_754, %dma_start3A_763] : memref<1000001x32xf32, #tpu.memory_space<hbm>> -> memref<1x32xf32, #tpu.memory_space<hbm>>
    tpu.enqueue_dma source(%dma_start3A_764 : memref<1x32xf32, #tpu.memory_space<hbm>>) target(%dma_start3A_762 : memref<1x32xf32, #tpu.memory_space<vmem>>) target_semaphore(%arg7 : memref<!tpu.dma_semaphore, #tpu.memory_space<semaphore_mem>>)
    %slice3A_765 = vector.extract_strided_slice %get3A_584 {offsets = [15], sizes = [1], strides = [1]} : vector<16xi32> to vector<1xi32>
    %squeeze3A_766 = vector.extract %slice3A_765[0] : i32 from vector<1xi32>
    %dma_start3A_767 = arith.constant 63 : i32
    %dma_start3A_768 = arith.constant 0 : i32
    %dma_start3A_769 = tpu.memref_slice %arg6[%dma_start3A_767, %dma_start3A_768] : memref<512x32xf32, #tpu.memory_space<vmem>> -> memref<1x32xf32, #tpu.memory_space<vmem>>
    %dma_start3A_770 = arith.constant 0 : i32
    %dma_start3A_771 = tpu.memref_slice %arg3[%squeeze3A_766, %dma_start3A_770] : memref<1000001x32xf32, #tpu.memory_space<hbm>> -> memref<1x32xf32, #tpu.memory_space<hbm>>
    %dma_start3A_772 = arith.constant 63 : i32
    %dma_start3A_773 = arith.constant 0 : i32
    %dma_start3A_774 = tpu.memref_slice %arg6[%dma_start3A_772, %dma_start3A_773] : memref<512x32xf32, #tpu.memory_space<vmem>> -> memref<1x32xf32, #tpu.memory_space<vmem>>
    %dma_start3A_775 = arith.constant 0 : i32
    %dma_start3A_776 = tpu.memref_slice %arg3[%squeeze3A_766, %dma_start3A_775] : memref<1000001x32xf32, #tpu.memory_space<hbm>> -> memref<1x32xf32, #tpu.memory_space<hbm>>
    tpu.enqueue_dma source(%dma_start3A_776 : memref<1x32xf32, #tpu.memory_space<hbm>>) target(%dma_start3A_774 : memref<1x32xf32, #tpu.memory_space<vmem>>) target_semaphore(%arg7 : memref<!tpu.dma_semaphore, #tpu.memory_space<semaphore_mem>>)
    %get3A_777 = arith.constant 64 : index
    %get3A_778 = tpu.vector_load %arg5[%get3A_777] {strides = array<i32>} : memref<512xi32, #tpu.memory_space<vmem>>, vector<16xi32>,
    %get3A_779 = vector.shape_cast %get3A_778 : vector<16xi32> to vector<16xi32>
    %slice3A_780 = vector.extract_strided_slice %get3A_779 {offsets = [0], sizes = [1], strides = [1]} : vector<16xi32> to vector<1xi32>
    %squeeze3A_781 = vector.extract %slice3A_780[0] : i32 from vector<1xi32>
    %dma_start3A_782 = arith.constant 64 : i32
    %dma_start3A_783 = arith.constant 0 : i32
    %dma_start3A_784 = tpu.memref_slice %arg6[%dma_start3A_782, %dma_start3A_783] : memref<512x32xf32, #tpu.memory_space<vmem>> -> memref<1x32xf32, #tpu.memory_space<vmem>>
    %dma_start3A_785 = arith.constant 0 : i32
    %dma_start3A_786 = tpu.memref_slice %arg3[%squeeze3A_781, %dma_start3A_785] : memref<1000001x32xf32, #tpu.memory_space<hbm>> -> memref<1x32xf32, #tpu.memory_space<hbm>>
    %dma_start3A_787 = arith.constant 64 : i32
    %dma_start3A_788 = arith.constant 0 : i32
    %dma_start3A_789 = tpu.memref_slice %arg6[%dma_start3A_787, %dma_start3A_788] : memref<512x32xf32, #tpu.memory_space<vmem>> -> memref<1x32xf32, #tpu.memory_space<vmem>>
    %dma_start3A_790 = arith.constant 0 : i32
    %dma_start3A_791 = tpu.memref_slice %arg3[%squeeze3A_781, %dma_start3A_790] : memref<1000001x32xf32, #tpu.memory_space<hbm>> -> memref<1x32xf32, #tpu.memory_space<hbm>>
    tpu.enqueue_dma source(%dma_start3A_791 : memref<1x32xf32, #tpu.memory_space<hbm>>) target(%dma_start3A_789 : memref<1x32xf32, #tpu.memory_space<vmem>>) target_semaphore(%arg7 : memref<!tpu.dma_semaphore, #tpu.memory_space<semaphore_mem>>)
    %slice3A_792 = vector.extract_strided_slice %get3A_779 {offsets = [1], sizes = [1], strides = [1]} : vector<16xi32> to vector<1xi32>
    %squeeze3A_793 = vector.extract %slice3A_792[0] : i32 from vector<1xi32>
    %dma_start3A_794 = arith.constant 65 : i32
    %dma_start3A_795 = arith.constant 0 : i32
    %dma_start3A_796 = tpu.memref_slice %arg6[%dma_start3A_794, %dma_start3A_795] : memref<512x32xf32, #tpu.memory_space<vmem>> -> memref<1x32xf32, #tpu.memory_space<vmem>>
    %dma_start3A_797 = arith.constant 0 : i32
    %dma_start3A_798 = tpu.memref_slice %arg3[%squeeze3A_793, %dma_start3A_797] : memref<1000001x32xf32, #tpu.memory_space<hbm>> -> memref<1x32xf32, #tpu.memory_space<hbm>>
    %dma_start3A_799 = arith.constant 65 : i32
    %dma_start3A_800 = arith.constant 0 : i32
    %dma_start3A_801 = tpu.memref_slice %arg6[%dma_start3A_799, %dma_start3A_800] : memref<512x32xf32, #tpu.memory_space<vmem>> -> memref<1x32xf32, #tpu.memory_space<vmem>>
    %dma_start3A_802 = arith.constant 0 : i32
    %dma_start3A_803 = tpu.memref_slice %arg3[%squeeze3A_793, %dma_start3A_802] : memref<1000001x32xf32, #tpu.memory_space<hbm>> -> memref<1x32xf32, #tpu.memory_space<hbm>>
    tpu.enqueue_dma source(%dma_start3A_803 : memref<1x32xf32, #tpu.memory_space<hbm>>) target(%dma_start3A_801 : memref<1x32xf32, #tpu.memory_space<vmem>>) target_semaphore(%arg7 : memref<!tpu.dma_semaphore, #tpu.memory_space<semaphore_mem>>)
    %slice3A_804 = vector.extract_strided_slice %get3A_779 {offsets = [2], sizes = [1], strides = [1]} : vector<16xi32> to vector<1xi32>
    %squeeze3A_805 = vector.extract %slice3A_804[0] : i32 from vector<1xi32>
    %dma_start3A_806 = arith.constant 66 : i32
    %dma_start3A_807 = arith.constant 0 : i32
    %dma_start3A_808 = tpu.memref_slice %arg6[%dma_start3A_806, %dma_start3A_807] : memref<512x32xf32, #tpu.memory_space<vmem>> -> memref<1x32xf32, #tpu.memory_space<vmem>>
    %dma_start3A_809 = arith.constant 0 : i32
    %dma_start3A_810 = tpu.memref_slice %arg3[%squeeze3A_805, %dma_start3A_809] : memref<1000001x32xf32, #tpu.memory_space<hbm>> -> memref<1x32xf32, #tpu.memory_space<hbm>>
    %dma_start3A_811 = arith.constant 66 : i32
    %dma_start3A_812 = arith.constant 0 : i32
    %dma_start3A_813 = tpu.memref_slice %arg6[%dma_start3A_811, %dma_start3A_812] : memref<512x32xf32, #tpu.memory_space<vmem>> -> memref<1x32xf32, #tpu.memory_space<vmem>>
    %dma_start3A_814 = arith.constant 0 : i32
    %dma_start3A_815 = tpu.memref_slice %arg3[%squeeze3A_805, %dma_start3A_814] : memref<1000001x32xf32, #tpu.memory_space<hbm>> -> memref<1x32xf32, #tpu.memory_space<hbm>>
    tpu.enqueue_dma source(%dma_start3A_815 : memref<1x32xf32, #tpu.memory_space<hbm>>) target(%dma_start3A_813 : memref<1x32xf32, #tpu.memory_space<vmem>>) target_semaphore(%arg7 : memref<!tpu.dma_semaphore, #tpu.memory_space<semaphore_mem>>)
    %slice3A_816 = vector.extract_strided_slice %get3A_779 {offsets = [3], sizes = [1], strides = [1]} : vector<16xi32> to vector<1xi32>
    %squeeze3A_817 = vector.extract %slice3A_816[0] : i32 from vector<1xi32>
    %dma_start3A_818 = arith.constant 67 : i32
    %dma_start3A_819 = arith.constant 0 : i32
    %dma_start3A_820 = tpu.memref_slice %arg6[%dma_start3A_818, %dma_start3A_819] : memref<512x32xf32, #tpu.memory_space<vmem>> -> memref<1x32xf32, #tpu.memory_space<vmem>>
    %dma_start3A_821 = arith.constant 0 : i32
    %dma_start3A_822 = tpu.memref_slice %arg3[%squeeze3A_817, %dma_start3A_821] : memref<1000001x32xf32, #tpu.memory_space<hbm>> -> memref<1x32xf32, #tpu.memory_space<hbm>>
    %dma_start3A_823 = arith.constant 67 : i32
    %dma_start3A_824 = arith.constant 0 : i32
    %dma_start3A_825 = tpu.memref_slice %arg6[%dma_start3A_823, %dma_start3A_824] : memref<512x32xf32, #tpu.memory_space<vmem>> -> memref<1x32xf32, #tpu.memory_space<vmem>>
    %dma_start3A_826 = arith.constant 0 : i32
    %dma_start3A_827 = tpu.memref_slice %arg3[%squeeze3A_817, %dma_start3A_826] : memref<1000001x32xf32, #tpu.memory_space<hbm>> -> memref<1x32xf32, #tpu.memory_space<hbm>>
    tpu.enqueue_dma source(%dma_start3A_827 : memref<1x32xf32, #tpu.memory_space<hbm>>) target(%dma_start3A_825 : memref<1x32xf32, #tpu.memory_space<vmem>>) target_semaphore(%arg7 : memref<!tpu.dma_semaphore, #tpu.memory_space<semaphore_mem>>)
    %slice3A_828 = vector.extract_strided_slice %get3A_779 {offsets = [4], sizes = [1], strides = [1]} : vector<16xi32> to vector<1xi32>
    %squeeze3A_829 = vector.extract %slice3A_828[0] : i32 from vector<1xi32>
    %dma_start3A_830 = arith.constant 68 : i32
    %dma_start3A_831 = arith.constant 0 : i32
    %dma_start3A_832 = tpu.memref_slice %arg6[%dma_start3A_830, %dma_start3A_831] : memref<512x32xf32, #tpu.memory_space<vmem>> -> memref<1x32xf32, #tpu.memory_space<vmem>>
    %dma_start3A_833 = arith.constant 0 : i32
    %dma_start3A_834 = tpu.memref_slice %arg3[%squeeze3A_829, %dma_start3A_833] : memref<1000001x32xf32, #tpu.memory_space<hbm>> -> memref<1x32xf32, #tpu.memory_space<hbm>>
    %dma_start3A_835 = arith.constant 68 : i32
    %dma_start3A_836 = arith.constant 0 : i32
    %dma_start3A_837 = tpu.memref_slice %arg6[%dma_start3A_835, %dma_start3A_836] : memref<512x32xf32, #tpu.memory_space<vmem>> -> memref<1x32xf32, #tpu.memory_space<vmem>>
    %dma_start3A_838 = arith.constant 0 : i32
    %dma_start3A_839 = tpu.memref_slice %arg3[%squeeze3A_829, %dma_start3A_838] : memref<1000001x32xf32, #tpu.memory_space<hbm>> -> memref<1x32xf32, #tpu.memory_space<hbm>>
    tpu.enqueue_dma source(%dma_start3A_839 : memref<1x32xf32, #tpu.memory_space<hbm>>) target(%dma_start3A_837 : memref<1x32xf32, #tpu.memory_space<vmem>>) target_semaphore(%arg7 : memref<!tpu.dma_semaphore, #tpu.memory_space<semaphore_mem>>)
    %slice3A_840 = vector.extract_strided_slice %get3A_779 {offsets = [5], sizes = [1], strides = [1]} : vector<16xi32> to vector<1xi32>
    %squeeze3A_841 = vector.extract %slice3A_840[0] : i32 from vector<1xi32>
    %dma_start3A_842 = arith.constant 69 : i32
    %dma_start3A_843 = arith.constant 0 : i32
    %dma_start3A_844 = tpu.memref_slice %arg6[%dma_start3A_842, %dma_start3A_843] : memref<512x32xf32, #tpu.memory_space<vmem>> -> memref<1x32xf32, #tpu.memory_space<vmem>>
    %dma_start3A_845 = arith.constant 0 : i32
    %dma_start3A_846 = tpu.memref_slice %arg3[%squeeze3A_841, %dma_start3A_845] : memref<1000001x32xf32, #tpu.memory_space<hbm>> -> memref<1x32xf32, #tpu.memory_space<hbm>>
    %dma_start3A_847 = arith.constant 69 : i32
    %dma_start3A_848 = arith.constant 0 : i32
    %dma_start3A_849 = tpu.memref_slice %arg6[%dma_start3A_847, %dma_start3A_848] : memref<512x32xf32, #tpu.memory_space<vmem>> -> memref<1x32xf32, #tpu.memory_space<vmem>>
    %dma_start3A_850 = arith.constant 0 : i32
    %dma_start3A_851 = tpu.memref_slice %arg3[%squeeze3A_841, %dma_start3A_850] : memref<1000001x32xf32, #tpu.memory_space<hbm>> -> memref<1x32xf32, #tpu.memory_space<hbm>>
    tpu.enqueue_dma source(%dma_start3A_851 : memref<1x32xf32, #tpu.memory_space<hbm>>) target(%dma_start3A_849 : memref<1x32xf32, #tpu.memory_space<vmem>>) target_semaphore(%arg7 : memref<!tpu.dma_semaphore, #tpu.memory_space<semaphore_mem>>)
    %slice3A_852 = vector.extract_strided_slice %get3A_779 {offsets = [6], sizes = [1], strides = [1]} : vector<16xi32> to vector<1xi32>
    %squeeze3A_853 = vector.extract %slice3A_852[0] : i32 from vector<1xi32>
    %dma_start3A_854 = arith.constant 70 : i32
    %dma_start3A_855 = arith.constant 0 : i32
    %dma_start3A_856 = tpu.memref_slice %arg6[%dma_start3A_854, %dma_start3A_855] : memref<512x32xf32, #tpu.memory_space<vmem>> -> memref<1x32xf32, #tpu.memory_space<vmem>>
    %dma_start3A_857 = arith.constant 0 : i32
    %dma_start3A_858 = tpu.memref_slice %arg3[%squeeze3A_853, %dma_start3A_857] : memref<1000001x32xf32, #tpu.memory_space<hbm>> -> memref<1x32xf32, #tpu.memory_space<hbm>>
    %dma_start3A_859 = arith.constant 70 : i32
    %dma_start3A_860 = arith.constant 0 : i32
    %dma_start3A_861 = tpu.memref_slice %arg6[%dma_start3A_859, %dma_start3A_860] : memref<512x32xf32, #tpu.memory_space<vmem>> -> memref<1x32xf32, #tpu.memory_space<vmem>>
    %dma_start3A_862 = arith.constant 0 : i32
    %dma_start3A_863 = tpu.memref_slice %arg3[%squeeze3A_853, %dma_start3A_862] : memref<1000001x32xf32, #tpu.memory_space<hbm>> -> memref<1x32xf32, #tpu.memory_space<hbm>>
    tpu.enqueue_dma source(%dma_start3A_863 : memref<1x32xf32, #tpu.memory_space<hbm>>) target(%dma_start3A_861 : memref<1x32xf32, #tpu.memory_space<vmem>>) target_semaphore(%arg7 : memref<!tpu.dma_semaphore, #tpu.memory_space<semaphore_mem>>)
    %slice3A_864 = vector.extract_strided_slice %get3A_779 {offsets = [7], sizes = [1], strides = [1]} : vector<16xi32> to vector<1xi32>
    %squeeze3A_865 = vector.extract %slice3A_864[0] : i32 from vector<1xi32>
    %dma_start3A_866 = arith.constant 71 : i32
    %dma_start3A_867 = arith.constant 0 : i32
    %dma_start3A_868 = tpu.memref_slice %arg6[%dma_start3A_866, %dma_start3A_867] : memref<512x32xf32, #tpu.memory_space<vmem>> -> memref<1x32xf32, #tpu.memory_space<vmem>>
    %dma_start3A_869 = arith.constant 0 : i32
    %dma_start3A_870 = tpu.memref_slice %arg3[%squeeze3A_865, %dma_start3A_869] : memref<1000001x32xf32, #tpu.memory_space<hbm>> -> memref<1x32xf32, #tpu.memory_space<hbm>>
    %dma_start3A_871 = arith.constant 71 : i32
    %dma_start3A_872 = arith.constant 0 : i32
    %dma_start3A_873 = tpu.memref_slice %arg6[%dma_start3A_871, %dma_start3A_872] : memref<512x32xf32, #tpu.memory_space<vmem>> -> memref<1x32xf32, #tpu.memory_space<vmem>>
    %dma_start3A_874 = arith.constant 0 : i32
    %dma_start3A_875 = tpu.memref_slice %arg3[%squeeze3A_865, %dma_start3A_874] : memref<1000001x32xf32, #tpu.memory_space<hbm>> -> memref<1x32xf32, #tpu.memory_space<hbm>>
    tpu.enqueue_dma source(%dma_start3A_875 : memref<1x32xf32, #tpu.memory_space<hbm>>) target(%dma_start3A_873 : memref<1x32xf32, #tpu.memory_space<vmem>>) target_semaphore(%arg7 : memref<!tpu.dma_semaphore, #tpu.memory_space<semaphore_mem>>)
    %slice3A_876 = vector.extract_strided_slice %get3A_779 {offsets = [8], sizes = [1], strides = [1]} : vector<16xi32> to vector<1xi32>
    %squeeze3A_877 = vector.extract %slice3A_876[0] : i32 from vector<1xi32>
    %dma_start3A_878 = arith.constant 72 : i32
    %dma_start3A_879 = arith.constant 0 : i32
    %dma_start3A_880 = tpu.memref_slice %arg6[%dma_start3A_878, %dma_start3A_879] : memref<512x32xf32, #tpu.memory_space<vmem>> -> memref<1x32xf32, #tpu.memory_space<vmem>>
    %dma_start3A_881 = arith.constant 0 : i32
    %dma_start3A_882 = tpu.memref_slice %arg3[%squeeze3A_877, %dma_start3A_881] : memref<1000001x32xf32, #tpu.memory_space<hbm>> -> memref<1x32xf32, #tpu.memory_space<hbm>>
    %dma_start3A_883 = arith.constant 72 : i32
    %dma_start3A_884 = arith.constant 0 : i32
    %dma_start3A_885 = tpu.memref_slice %arg6[%dma_start3A_883, %dma_start3A_884] : memref<512x32xf32, #tpu.memory_space<vmem>> -> memref<1x32xf32, #tpu.memory_space<vmem>>
    %dma_start3A_886 = arith.constant 0 : i32
    %dma_start3A_887 = tpu.memref_slice %arg3[%squeeze3A_877, %dma_start3A_886] : memref<1000001x32xf32, #tpu.memory_space<hbm>> -> memref<1x32xf32, #tpu.memory_space<hbm>>
    tpu.enqueue_dma source(%dma_start3A_887 : memref<1x32xf32, #tpu.memory_space<hbm>>) target(%dma_start3A_885 : memref<1x32xf32, #tpu.memory_space<vmem>>) target_semaphore(%arg7 : memref<!tpu.dma_semaphore, #tpu.memory_space<semaphore_mem>>)
    %slice3A_888 = vector.extract_strided_slice %get3A_779 {offsets = [9], sizes = [1], strides = [1]} : vector<16xi32> to vector<1xi32>
    %squeeze3A_889 = vector.extract %slice3A_888[0] : i32 from vector<1xi32>
    %dma_start3A_890 = arith.constant 73 : i32
    %dma_start3A_891 = arith.constant 0 : i32
    %dma_start3A_892 = tpu.memref_slice %arg6[%dma_start3A_890, %dma_start3A_891] : memref<512x32xf32, #tpu.memory_space<vmem>> -> memref<1x32xf32, #tpu.memory_space<vmem>>
    %dma_start3A_893 = arith.constant 0 : i32
    %dma_start3A_894 = tpu.memref_slice %arg3[%squeeze3A_889, %dma_start3A_893] : memref<1000001x32xf32, #tpu.memory_space<hbm>> -> memref<1x32xf32, #tpu.memory_space<hbm>>
    %dma_start3A_895 = arith.constant 73 : i32
    %dma_start3A_896 = arith.constant 0 : i32
    %dma_start3A_897 = tpu.memref_slice %arg6[%dma_start3A_895, %dma_start3A_896] : memref<512x32xf32, #tpu.memory_space<vmem>> -> memref<1x32xf32, #tpu.memory_space<vmem>>
    %dma_start3A_898 = arith.constant 0 : i32
    %dma_start3A_899 = tpu.memref_slice %arg3[%squeeze3A_889, %dma_start3A_898] : memref<1000001x32xf32, #tpu.memory_space<hbm>> -> memref<1x32xf32, #tpu.memory_space<hbm>>
    tpu.enqueue_dma source(%dma_start3A_899 : memref<1x32xf32, #tpu.memory_space<hbm>>) target(%dma_start3A_897 : memref<1x32xf32, #tpu.memory_space<vmem>>) target_semaphore(%arg7 : memref<!tpu.dma_semaphore, #tpu.memory_space<semaphore_mem>>)
    %slice3A_900 = vector.extract_strided_slice %get3A_779 {offsets = [10], sizes = [1], strides = [1]} : vector<16xi32> to vector<1xi32>
    %squeeze3A_901 = vector.extract %slice3A_900[0] : i32 from vector<1xi32>
    %dma_start3A_902 = arith.constant 74 : i32
    %dma_start3A_903 = arith.constant 0 : i32
    %dma_start3A_904 = tpu.memref_slice %arg6[%dma_start3A_902, %dma_start3A_903] : memref<512x32xf32, #tpu.memory_space<vmem>> -> memref<1x32xf32, #tpu.memory_space<vmem>>
    %dma_start3A_905 = arith.constant 0 : i32
    %dma_start3A_906 = tpu.memref_slice %arg3[%squeeze3A_901, %dma_start3A_905] : memref<1000001x32xf32, #tpu.memory_space<hbm>> -> memref<1x32xf32, #tpu.memory_space<hbm>>
    %dma_start3A_907 = arith.constant 74 : i32
    %dma_start3A_908 = arith.constant 0 : i32
    %dma_start3A_909 = tpu.memref_slice %arg6[%dma_start3A_907, %dma_start3A_908] : memref<512x32xf32, #tpu.memory_space<vmem>> -> memref<1x32xf32, #tpu.memory_space<vmem>>
    %dma_start3A_910 = arith.constant 0 : i32
    %dma_start3A_911 = tpu.memref_slice %arg3[%squeeze3A_901, %dma_start3A_910] : memref<1000001x32xf32, #tpu.memory_space<hbm>> -> memref<1x32xf32, #tpu.memory_space<hbm>>
    tpu.enqueue_dma source(%dma_start3A_911 : memref<1x32xf32, #tpu.memory_space<hbm>>) target(%dma_start3A_909 : memref<1x32xf32, #tpu.memory_space<vmem>>) target_semaphore(%arg7 : memref<!tpu.dma_semaphore, #tpu.memory_space<semaphore_mem>>)
    %slice3A_912 = vector.extract_strided_slice %get3A_779 {offsets = [11], sizes = [1], strides = [1]} : vector<16xi32> to vector<1xi32>
    %squeeze3A_913 = vector.extract %slice3A_912[0] : i32 from vector<1xi32>
    %dma_start3A_914 = arith.constant 75 : i32
    %dma_start3A_915 = arith.constant 0 : i32
    %dma_start3A_916 = tpu.memref_slice %arg6[%dma_start3A_914, %dma_start3A_915] : memref<512x32xf32, #tpu.memory_space<vmem>> -> memref<1x32xf32, #tpu.memory_space<vmem>>
    %dma_start3A_917 = arith.constant 0 : i32
    %dma_start3A_918 = tpu.memref_slice %arg3[%squeeze3A_913, %dma_start3A_917] : memref<1000001x32xf32, #tpu.memory_space<hbm>> -> memref<1x32xf32, #tpu.memory_space<hbm>>
    %dma_start3A_919 = arith.constant 75 : i32
    %dma_start3A_920 = arith.constant 0 : i32
    %dma_start3A_921 = tpu.memref_slice %arg6[%dma_start3A_919, %dma_start3A_920] : memref<512x32xf32, #tpu.memory_space<vmem>> -> memref<1x32xf32, #tpu.memory_space<vmem>>
    %dma_start3A_922 = arith.constant 0 : i32
    %dma_start3A_923 = tpu.memref_slice %arg3[%squeeze3A_913, %dma_start3A_922] : memref<1000001x32xf32, #tpu.memory_space<hbm>> -> memref<1x32xf32, #tpu.memory_space<hbm>>
    tpu.enqueue_dma source(%dma_start3A_923 : memref<1x32xf32, #tpu.memory_space<hbm>>) target(%dma_start3A_921 : memref<1x32xf32, #tpu.memory_space<vmem>>) target_semaphore(%arg7 : memref<!tpu.dma_semaphore, #tpu.memory_space<semaphore_mem>>)
    %slice3A_924 = vector.extract_strided_slice %get3A_779 {offsets = [12], sizes = [1], strides = [1]} : vector<16xi32> to vector<1xi32>
    %squeeze3A_925 = vector.extract %slice3A_924[0] : i32 from vector<1xi32>
    %dma_start3A_926 = arith.constant 76 : i32
    %dma_start3A_927 = arith.constant 0 : i32
    %dma_start3A_928 = tpu.memref_slice %arg6[%dma_start3A_926, %dma_start3A_927] : memref<512x32xf32, #tpu.memory_space<vmem>> -> memref<1x32xf32, #tpu.memory_space<vmem>>
    %dma_start3A_929 = arith.constant 0 : i32
    %dma_start3A_930 = tpu.memref_slice %arg3[%squeeze3A_925, %dma_start3A_929] : memref<1000001x32xf32, #tpu.memory_space<hbm>> -> memref<1x32xf32, #tpu.memory_space<hbm>>
    %dma_start3A_931 = arith.constant 76 : i32
    %dma_start3A_932 = arith.constant 0 : i32
    %dma_start3A_933 = tpu.memref_slice %arg6[%dma_start3A_931, %dma_start3A_932] : memref<512x32xf32, #tpu.memory_space<vmem>> -> memref<1x32xf32, #tpu.memory_space<vmem>>
    %dma_start3A_934 = arith.constant 0 : i32
    %dma_start3A_935 = tpu.memref_slice %arg3[%squeeze3A_925, %dma_start3A_934] : memref<1000001x32xf32, #tpu.memory_space<hbm>> -> memref<1x32xf32, #tpu.memory_space<hbm>>
    tpu.enqueue_dma source(%dma_start3A_935 : memref<1x32xf32, #tpu.memory_space<hbm>>) target(%dma_start3A_933 : memref<1x32xf32, #tpu.memory_space<vmem>>) target_semaphore(%arg7 : memref<!tpu.dma_semaphore, #tpu.memory_space<semaphore_mem>>)
    %slice3A_936 = vector.extract_strided_slice %get3A_779 {offsets = [13], sizes = [1], strides = [1]} : vector<16xi32> to vector<1xi32>
    %squeeze3A_937 = vector.extract %slice3A_936[0] : i32 from vector<1xi32>
    %dma_start3A_938 = arith.constant 77 : i32
    %dma_start3A_939 = arith.constant 0 : i32
    %dma_start3A_940 = tpu.memref_slice %arg6[%dma_start3A_938, %dma_start3A_939] : memref<512x32xf32, #tpu.memory_space<vmem>> -> memref<1x32xf32, #tpu.memory_space<vmem>>
    %dma_start3A_941 = arith.constant 0 : i32
    %dma_start3A_942 = tpu.memref_slice %arg3[%squeeze3A_937, %dma_start3A_941] : memref<1000001x32xf32, #tpu.memory_space<hbm>> -> memref<1x32xf32, #tpu.memory_space<hbm>>
    %dma_start3A_943 = arith.constant 77 : i32
    %dma_start3A_944 = arith.constant 0 : i32
    %dma_start3A_945 = tpu.memref_slice %arg6[%dma_start3A_943, %dma_start3A_944] : memref<512x32xf32, #tpu.memory_space<vmem>> -> memref<1x32xf32, #tpu.memory_space<vmem>>
    %dma_start3A_946 = arith.constant 0 : i32
    %dma_start3A_947 = tpu.memref_slice %arg3[%squeeze3A_937, %dma_start3A_946] : memref<1000001x32xf32, #tpu.memory_space<hbm>> -> memref<1x32xf32, #tpu.memory_space<hbm>>
    tpu.enqueue_dma source(%dma_start3A_947 : memref<1x32xf32, #tpu.memory_space<hbm>>) target(%dma_start3A_945 : memref<1x32xf32, #tpu.memory_space<vmem>>) target_semaphore(%arg7 : memref<!tpu.dma_semaphore, #tpu.memory_space<semaphore_mem>>)
    %slice3A_948 = vector.extract_strided_slice %get3A_779 {offsets = [14], sizes = [1], strides = [1]} : vector<16xi32> to vector<1xi32>
    %squeeze3A_949 = vector.extract %slice3A_948[0] : i32 from vector<1xi32>
    %dma_start3A_950 = arith.constant 78 : i32
    %dma_start3A_951 = arith.constant 0 : i32
    %dma_start3A_952 = tpu.memref_slice %arg6[%dma_start3A_950, %dma_start3A_951] : memref<512x32xf32, #tpu.memory_space<vmem>> -> memref<1x32xf32, #tpu.memory_space<vmem>>
    %dma_start3A_953 = arith.constant 0 : i32
    %dma_start3A_954 = tpu.memref_slice %arg3[%squeeze3A_949, %dma_start3A_953] : memref<1000001x32xf32, #tpu.memory_space<hbm>> -> memref<1x32xf32, #tpu.memory_space<hbm>>
    %dma_start3A_955 = arith.constant 78 : i32
    %dma_start3A_956 = arith.constant 0 : i32
    %dma_start3A_957 = tpu.memref_slice %arg6[%dma_start3A_955, %dma_start3A_956] : memref<512x32xf32, #tpu.memory_space<vmem>> -> memref<1x32xf32, #tpu.memory_space<vmem>>
    %dma_start3A_958 = arith.constant 0 : i32
    %dma_start3A_959 = tpu.memref_slice %arg3[%squeeze3A_949, %dma_start3A_958] : memref<1000001x32xf32, #tpu.memory_space<hbm>> -> memref<1x32xf32, #tpu.memory_space<hbm>>
    tpu.enqueue_dma source(%dma_start3A_959 : memref<1x32xf32, #tpu.memory_space<hbm>>) target(%dma_start3A_957 : memref<1x32xf32, #tpu.memory_space<vmem>>) target_semaphore(%arg7 : memref<!tpu.dma_semaphore, #tpu.memory_space<semaphore_mem>>)
    %slice3A_960 = vector.extract_strided_slice %get3A_779 {offsets = [15], sizes = [1], strides = [1]} : vector<16xi32> to vector<1xi32>
    %squeeze3A_961 = vector.extract %slice3A_960[0] : i32 from vector<1xi32>
    %dma_start3A_962 = arith.constant 79 : i32
    %dma_start3A_963 = arith.constant 0 : i32
    %dma_start3A_964 = tpu.memref_slice %arg6[%dma_start3A_962, %dma_start3A_963] : memref<512x32xf32, #tpu.memory_space<vmem>> -> memref<1x32xf32, #tpu.memory_space<vmem>>
    %dma_start3A_965 = arith.constant 0 : i32
    %dma_start3A_966 = tpu.memref_slice %arg3[%squeeze3A_961, %dma_start3A_965] : memref<1000001x32xf32, #tpu.memory_space<hbm>> -> memref<1x32xf32, #tpu.memory_space<hbm>>
    %dma_start3A_967 = arith.constant 79 : i32
    %dma_start3A_968 = arith.constant 0 : i32
    %dma_start3A_969 = tpu.memref_slice %arg6[%dma_start3A_967, %dma_start3A_968] : memref<512x32xf32, #tpu.memory_space<vmem>> -> memref<1x32xf32, #tpu.memory_space<vmem>>
    %dma_start3A_970 = arith.constant 0 : i32
    %dma_start3A_971 = tpu.memref_slice %arg3[%squeeze3A_961, %dma_start3A_970] : memref<1000001x32xf32, #tpu.memory_space<hbm>> -> memref<1x32xf32, #tpu.memory_space<hbm>>
    tpu.enqueue_dma source(%dma_start3A_971 : memref<1x32xf32, #tpu.memory_space<hbm>>) target(%dma_start3A_969 : memref<1x32xf32, #tpu.memory_space<vmem>>) target_semaphore(%arg7 : memref<!tpu.dma_semaphore, #tpu.memory_space<semaphore_mem>>)
    %get3A_972 = arith.constant 80 : index
    %get3A_973 = tpu.vector_load %arg5[%get3A_972] {strides = array<i32>} : memref<512xi32, #tpu.memory_space<vmem>>, vector<16xi32>,
    %get3A_974 = vector.shape_cast %get3A_973 : vector<16xi32> to vector<16xi32>
    %slice3A_975 = vector.extract_strided_slice %get3A_974 {offsets = [0], sizes = [1], strides = [1]} : vector<16xi32> to vector<1xi32>
    %squeeze3A_976 = vector.extract %slice3A_975[0] : i32 from vector<1xi32>
    %dma_start3A_977 = arith.constant 80 : i32
    %dma_start3A_978 = arith.constant 0 : i32
    %dma_start3A_979 = tpu.memref_slice %arg6[%dma_start3A_977, %dma_start3A_978] : memref<512x32xf32, #tpu.memory_space<vmem>> -> memref<1x32xf32, #tpu.memory_space<vmem>>
    %dma_start3A_980 = arith.constant 0 : i32
    %dma_start3A_981 = tpu.memref_slice %arg3[%squeeze3A_976, %dma_start3A_980] : memref<1000001x32xf32, #tpu.memory_space<hbm>> -> memref<1x32xf32, #tpu.memory_space<hbm>>
    %dma_start3A_982 = arith.constant 80 : i32
    %dma_start3A_983 = arith.constant 0 : i32
    %dma_start3A_984 = tpu.memref_slice %arg6[%dma_start3A_982, %dma_start3A_983] : memref<512x32xf32, #tpu.memory_space<vmem>> -> memref<1x32xf32, #tpu.memory_space<vmem>>
    %dma_start3A_985 = arith.constant 0 : i32
    %dma_start3A_986 = tpu.memref_slice %arg3[%squeeze3A_976, %dma_start3A_985] : memref<1000001x32xf32, #tpu.memory_space<hbm>> -> memref<1x32xf32, #tpu.memory_space<hbm>>
    tpu.enqueue_dma source(%dma_start3A_986 : memref<1x32xf32, #tpu.memory_space<hbm>>) target(%dma_start3A_984 : memref<1x32xf32, #tpu.memory_space<vmem>>) target_semaphore(%arg7 : memref<!tpu.dma_semaphore, #tpu.memory_space<semaphore_mem>>)
    %slice3A_987 = vector.extract_strided_slice %get3A_974 {offsets = [1], sizes = [1], strides = [1]} : vector<16xi32> to vector<1xi32>
    %squeeze3A_988 = vector.extract %slice3A_987[0] : i32 from vector<1xi32>
    %dma_start3A_989 = arith.constant 81 : i32
    %dma_start3A_990 = arith.constant 0 : i32
    %dma_start3A_991 = tpu.memref_slice %arg6[%dma_start3A_989, %dma_start3A_990] : memref<512x32xf32, #tpu.memory_space<vmem>> -> memref<1x32xf32, #tpu.memory_space<vmem>>
    %dma_start3A_992 = arith.constant 0 : i32
    %dma_start3A_993 = tpu.memref_slice %arg3[%squeeze3A_988, %dma_start3A_992] : memref<1000001x32xf32, #tpu.memory_space<hbm>> -> memref<1x32xf32, #tpu.memory_space<hbm>>
    %dma_start3A_994 = arith.constant 81 : i32
    %dma_start3A_995 = arith.constant 0 : i32
    %dma_start3A_996 = tpu.memref_slice %arg6[%dma_start3A_994, %dma_start3A_995] : memref<512x32xf32, #tpu.memory_space<vmem>> -> memref<1x32xf32, #tpu.memory_space<vmem>>
    %dma_start3A_997 = arith.constant 0 : i32
    %dma_start3A_998 = tpu.memref_slice %arg3[%squeeze3A_988, %dma_start3A_997] : memref<1000001x32xf32, #tpu.memory_space<hbm>> -> memref<1x32xf32, #tpu.memory_space<hbm>>
    tpu.enqueue_dma source(%dma_start3A_998 : memref<1x32xf32, #tpu.memory_space<hbm>>) target(%dma_start3A_996 : memref<1x32xf32, #tpu.memory_space<vmem>>) target_semaphore(%arg7 : memref<!tpu.dma_semaphore, #tpu.memory_space<semaphore_mem>>)
    %slice3A_999 = vector.extract_strided_slice %get3A_974 {offsets = [2], sizes = [1], strides = [1]} : vector<16xi32> to vector<1xi32>
    %squeeze3A_1000 = vector.extract %slice3A_999[0] : i32 from vector<1xi32>
    %dma_start3A_1001 = arith.constant 82 : i32
    %dma_start3A_1002 = arith.constant 0 : i32
    %dma_start3A_1003 = tpu.memref_slice %arg6[%dma_start3A_1001, %dma_start3A_1002] : memref<512x32xf32, #tpu.memory_space<vmem>> -> memref<1x32xf32, #tpu.memory_space<vmem>>
    %dma_start3A_1004 = arith.constant 0 : i32
    %dma_start3A_1005 = tpu.memref_slice %arg3[%squeeze3A_1000, %dma_start3A_1004] : memref<1000001x32xf32, #tpu.memory_space<hbm>> -> memref<1x32xf32, #tpu.memory_space<hbm>>
    %dma_start3A_1006 = arith.constant 82 : i32
    %dma_start3A_1007 = arith.constant 0 : i32
    %dma_start3A_1008 = tpu.memref_slice %arg6[%dma_start3A_1006, %dma_start3A_1007] : memref<512x32xf32, #tpu.memory_space<vmem>> -> memref<1x32xf32, #tpu.memory_space<vmem>>
    %dma_start3A_1009 = arith.constant 0 : i32
    %dma_start3A_1010 = tpu.memref_slice %arg3[%squeeze3A_1000, %dma_start3A_1009] : memref<1000001x32xf32, #tpu.memory_space<hbm>> -> memref<1x32xf32, #tpu.memory_space<hbm>>
    tpu.enqueue_dma source(%dma_start3A_1010 : memref<1x32xf32, #tpu.memory_space<hbm>>) target(%dma_start3A_1008 : memref<1x32xf32, #tpu.memory_space<vmem>>) target_semaphore(%arg7 : memref<!tpu.dma_semaphore, #tpu.memory_space<semaphore_mem>>)
    %slice3A_1011 = vector.extract_strided_slice %get3A_974 {offsets = [3], sizes = [1], strides = [1]} : vector<16xi32> to vector<1xi32>
    %squeeze3A_1012 = vector.extract %slice3A_1011[0] : i32 from vector<1xi32>
    %dma_start3A_1013 = arith.constant 83 : i32
    %dma_start3A_1014 = arith.constant 0 : i32
    %dma_start3A_1015 = tpu.memref_slice %arg6[%dma_start3A_1013, %dma_start3A_1014] : memref<512x32xf32, #tpu.memory_space<vmem>> -> memref<1x32xf32, #tpu.memory_space<vmem>>
    %dma_start3A_1016 = arith.constant 0 : i32
    %dma_start3A_1017 = tpu.memref_slice %arg3[%squeeze3A_1012, %dma_start3A_1016] : memref<1000001x32xf32, #tpu.memory_space<hbm>> -> memref<1x32xf32, #tpu.memory_space<hbm>>
    %dma_start3A_1018 = arith.constant 83 : i32
    %dma_start3A_1019 = arith.constant 0 : i32
    %dma_start3A_1020 = tpu.memref_slice %arg6[%dma_start3A_1018, %dma_start3A_1019] : memref<512x32xf32, #tpu.memory_space<vmem>> -> memref<1x32xf32, #tpu.memory_space<vmem>>
    %dma_start3A_1021 = arith.constant 0 : i32
    %dma_start3A_1022 = tpu.memref_slice %arg3[%squeeze3A_1012, %dma_start3A_1021] : memref<1000001x32xf32, #tpu.memory_space<hbm>> -> memref<1x32xf32, #tpu.memory_space<hbm>>
    tpu.enqueue_dma source(%dma_start3A_1022 : memref<1x32xf32, #tpu.memory_space<hbm>>) target(%dma_start3A_1020 : memref<1x32xf32, #tpu.memory_space<vmem>>) target_semaphore(%arg7 : memref<!tpu.dma_semaphore, #tpu.memory_space<semaphore_mem>>)
    %slice3A_1023 = vector.extract_strided_slice %get3A_974 {offsets = [4], sizes = [1], strides = [1]} : vector<16xi32> to vector<1xi32>
    %squeeze3A_1024 = vector.extract %slice3A_1023[0] : i32 from vector<1xi32>
    %dma_start3A_1025 = arith.constant 84 : i32
    %dma_start3A_1026 = arith.constant 0 : i32
    %dma_start3A_1027 = tpu.memref_slice %arg6[%dma_start3A_1025, %dma_start3A_1026] : memref<512x32xf32, #tpu.memory_space<vmem>> -> memref<1x32xf32, #tpu.memory_space<vmem>>
    %dma_start3A_1028 = arith.constant 0 : i32
    %dma_start3A_1029 = tpu.memref_slice %arg3[%squeeze3A_1024, %dma_start3A_1028] : memref<1000001x32xf32, #tpu.memory_space<hbm>> -> memref<1x32xf32, #tpu.memory_space<hbm>>
    %dma_start3A_1030 = arith.constant 84 : i32
    %dma_start3A_1031 = arith.constant 0 : i32
    %dma_start3A_1032 = tpu.memref_slice %arg6[%dma_start3A_1030, %dma_start3A_1031] : memref<512x32xf32, #tpu.memory_space<vmem>> -> memref<1x32xf32, #tpu.memory_space<vmem>>
    %dma_start3A_1033 = arith.constant 0 : i32
    %dma_start3A_1034 = tpu.memref_slice %arg3[%squeeze3A_1024, %dma_start3A_1033] : memref<1000001x32xf32, #tpu.memory_space<hbm>> -> memref<1x32xf32, #tpu.memory_space<hbm>>
    tpu.enqueue_dma source(%dma_start3A_1034 : memref<1x32xf32, #tpu.memory_space<hbm>>) target(%dma_start3A_1032 : memref<1x32xf32, #tpu.memory_space<vmem>>) target_semaphore(%arg7 : memref<!tpu.dma_semaphore, #tpu.memory_space<semaphore_mem>>)
    %slice3A_1035 = vector.extract_strided_slice %get3A_974 {offsets = [5], sizes = [1], strides = [1]} : vector<16xi32> to vector<1xi32>
    %squeeze3A_1036 = vector.extract %slice3A_1035[0] : i32 from vector<1xi32>
    %dma_start3A_1037 = arith.constant 85 : i32
    %dma_start3A_1038 = arith.constant 0 : i32
    %dma_start3A_1039 = tpu.memref_slice %arg6[%dma_start3A_1037, %dma_start3A_1038] : memref<512x32xf32, #tpu.memory_space<vmem>> -> memref<1x32xf32, #tpu.memory_space<vmem>>
    %dma_start3A_1040 = arith.constant 0 : i32
    %dma_start3A_1041 = tpu.memref_slice %arg3[%squeeze3A_1036, %dma_start3A_1040] : memref<1000001x32xf32, #tpu.memory_space<hbm>> -> memref<1x32xf32, #tpu.memory_space<hbm>>
    %dma_start3A_1042 = arith.constant 85 : i32
    %dma_start3A_1043 = arith.constant 0 : i32
    %dma_start3A_1044 = tpu.memref_slice %arg6[%dma_start3A_1042, %dma_start3A_1043] : memref<512x32xf32, #tpu.memory_space<vmem>> -> memref<1x32xf32, #tpu.memory_space<vmem>>
    %dma_start3A_1045 = arith.constant 0 : i32
    %dma_start3A_1046 = tpu.memref_slice %arg3[%squeeze3A_1036, %dma_start3A_1045] : memref<1000001x32xf32, #tpu.memory_space<hbm>> -> memref<1x32xf32, #tpu.memory_space<hbm>>
    tpu.enqueue_dma source(%dma_start3A_1046 : memref<1x32xf32, #tpu.memory_space<hbm>>) target(%dma_start3A_1044 : memref<1x32xf32, #tpu.memory_space<vmem>>) target_semaphore(%arg7 : memref<!tpu.dma_semaphore, #tpu.memory_space<semaphore_mem>>)
    %slice3A_1047 = vector.extract_strided_slice %get3A_974 {offsets = [6], sizes = [1], strides = [1]} : vector<16xi32> to vector<1xi32>
    %squeeze3A_1048 = vector.extract %slice3A_1047[0] : i32 from vector<1xi32>
    %dma_start3A_1049 = arith.constant 86 : i32
    %dma_start3A_1050 = arith.constant 0 : i32
    %dma_start3A_1051 = tpu.memref_slice %arg6[%dma_start3A_1049, %dma_start3A_1050] : memref<512x32xf32, #tpu.memory_space<vmem>> -> memref<1x32xf32, #tpu.memory_space<vmem>>
    %dma_start3A_1052 = arith.constant 0 : i32
    %dma_start3A_1053 = tpu.memref_slice %arg3[%squeeze3A_1048, %dma_start3A_1052] : memref<1000001x32xf32, #tpu.memory_space<hbm>> -> memref<1x32xf32, #tpu.memory_space<hbm>>
    %dma_start3A_1054 = arith.constant 86 : i32
    %dma_start3A_1055 = arith.constant 0 : i32
    %dma_start3A_1056 = tpu.memref_slice %arg6[%dma_start3A_1054, %dma_start3A_1055] : memref<512x32xf32, #tpu.memory_space<vmem>> -> memref<1x32xf32, #tpu.memory_space<vmem>>
    %dma_start3A_1057 = arith.constant 0 : i32
    %dma_start3A_1058 = tpu.memref_slice %arg3[%squeeze3A_1048, %dma_start3A_1057] : memref<1000001x32xf32, #tpu.memory_space<hbm>> -> memref<1x32xf32, #tpu.memory_space<hbm>>
    tpu.enqueue_dma source(%dma_start3A_1058 : memref<1x32xf32, #tpu.memory_space<hbm>>) target(%dma_start3A_1056 : memref<1x32xf32, #tpu.memory_space<vmem>>) target_semaphore(%arg7 : memref<!tpu.dma_semaphore, #tpu.memory_space<semaphore_mem>>)
    %slice3A_1059 = vector.extract_strided_slice %get3A_974 {offsets = [7], sizes = [1], strides = [1]} : vector<16xi32> to vector<1xi32>
    %squeeze3A_1060 = vector.extract %slice3A_1059[0] : i32 from vector<1xi32>
    %dma_start3A_1061 = arith.constant 87 : i32
    %dma_start3A_1062 = arith.constant 0 : i32
    %dma_start3A_1063 = tpu.memref_slice %arg6[%dma_start3A_1061, %dma_start3A_1062] : memref<512x32xf32, #tpu.memory_space<vmem>> -> memref<1x32xf32, #tpu.memory_space<vmem>>
    %dma_start3A_1064 = arith.constant 0 : i32
    %dma_start3A_1065 = tpu.memref_slice %arg3[%squeeze3A_1060, %dma_start3A_1064] : memref<1000001x32xf32, #tpu.memory_space<hbm>> -> memref<1x32xf32, #tpu.memory_space<hbm>>
    %dma_start3A_1066 = arith.constant 87 : i32
    %dma_start3A_1067 = arith.constant 0 : i32
    %dma_start3A_1068 = tpu.memref_slice %arg6[%dma_start3A_1066, %dma_start3A_1067] : memref<512x32xf32, #tpu.memory_space<vmem>> -> memref<1x32xf32, #tpu.memory_space<vmem>>
    %dma_start3A_1069 = arith.constant 0 : i32
    %dma_start3A_1070 = tpu.memref_slice %arg3[%squeeze3A_1060, %dma_start3A_1069] : memref<1000001x32xf32, #tpu.memory_space<hbm>> -> memref<1x32xf32, #tpu.memory_space<hbm>>
    tpu.enqueue_dma source(%dma_start3A_1070 : memref<1x32xf32, #tpu.memory_space<hbm>>) target(%dma_start3A_1068 : memref<1x32xf32, #tpu.memory_space<vmem>>) target_semaphore(%arg7 : memref<!tpu.dma_semaphore, #tpu.memory_space<semaphore_mem>>)
    %slice3A_1071 = vector.extract_strided_slice %get3A_974 {offsets = [8], sizes = [1], strides = [1]} : vector<16xi32> to vector<1xi32>
    %squeeze3A_1072 = vector.extract %slice3A_1071[0] : i32 from vector<1xi32>
    %dma_start3A_1073 = arith.constant 88 : i32
    %dma_start3A_1074 = arith.constant 0 : i32
    %dma_start3A_1075 = tpu.memref_slice %arg6[%dma_start3A_1073, %dma_start3A_1074] : memref<512x32xf32, #tpu.memory_space<vmem>> -> memref<1x32xf32, #tpu.memory_space<vmem>>
    %dma_start3A_1076 = arith.constant 0 : i32
    %dma_start3A_1077 = tpu.memref_slice %arg3[%squeeze3A_1072, %dma_start3A_1076] : memref<1000001x32xf32, #tpu.memory_space<hbm>> -> memref<1x32xf32, #tpu.memory_space<hbm>>
    %dma_start3A_1078 = arith.constant 88 : i32
    %dma_start3A_1079 = arith.constant 0 : i32
    %dma_start3A_1080 = tpu.memref_slice %arg6[%dma_start3A_1078, %dma_start3A_1079] : memref<512x32xf32, #tpu.memory_space<vmem>> -> memref<1x32xf32, #tpu.memory_space<vmem>>
    %dma_start3A_1081 = arith.constant 0 : i32
    %dma_start3A_1082 = tpu.memref_slice %arg3[%squeeze3A_1072, %dma_start3A_1081] : memref<1000001x32xf32, #tpu.memory_space<hbm>> -> memref<1x32xf32, #tpu.memory_space<hbm>>
    tpu.enqueue_dma source(%dma_start3A_1082 : memref<1x32xf32, #tpu.memory_space<hbm>>) target(%dma_start3A_1080 : memref<1x32xf32, #tpu.memory_space<vmem>>) target_semaphore(%arg7 : memref<!tpu.dma_semaphore, #tpu.memory_space<semaphore_mem>>)
    %slice3A_1083 = vector.extract_strided_slice %get3A_974 {offsets = [9], sizes = [1], strides = [1]} : vector<16xi32> to vector<1xi32>
    %squeeze3A_1084 = vector.extract %slice3A_1083[0] : i32 from vector<1xi32>
    %dma_start3A_1085 = arith.constant 89 : i32
    %dma_start3A_1086 = arith.constant 0 : i32
    %dma_start3A_1087 = tpu.memref_slice %arg6[%dma_start3A_1085, %dma_start3A_1086] : memref<512x32xf32, #tpu.memory_space<vmem>> -> memref<1x32xf32, #tpu.memory_space<vmem>>
    %dma_start3A_1088 = arith.constant 0 : i32
    %dma_start3A_1089 = tpu.memref_slice %arg3[%squeeze3A_1084, %dma_start3A_1088] : memref<1000001x32xf32, #tpu.memory_space<hbm>> -> memref<1x32xf32, #tpu.memory_space<hbm>>
    %dma_start3A_1090 = arith.constant 89 : i32
    %dma_start3A_1091 = arith.constant 0 : i32
    %dma_start3A_1092 = tpu.memref_slice %arg6[%dma_start3A_1090, %dma_start3A_1091] : memref<512x32xf32, #tpu.memory_space<vmem>> -> memref<1x32xf32, #tpu.memory_space<vmem>>
    %dma_start3A_1093 = arith.constant 0 : i32
    %dma_start3A_1094 = tpu.memref_slice %arg3[%squeeze3A_1084, %dma_start3A_1093] : memref<1000001x32xf32, #tpu.memory_space<hbm>> -> memref<1x32xf32, #tpu.memory_space<hbm>>
    tpu.enqueue_dma source(%dma_start3A_1094 : memref<1x32xf32, #tpu.memory_space<hbm>>) target(%dma_start3A_1092 : memref<1x32xf32, #tpu.memory_space<vmem>>) target_semaphore(%arg7 : memref<!tpu.dma_semaphore, #tpu.memory_space<semaphore_mem>>)
    %slice3A_1095 = vector.extract_strided_slice %get3A_974 {offsets = [10], sizes = [1], strides = [1]} : vector<16xi32> to vector<1xi32>
    %squeeze3A_1096 = vector.extract %slice3A_1095[0] : i32 from vector<1xi32>
    %dma_start3A_1097 = arith.constant 90 : i32
    %dma_start3A_1098 = arith.constant 0 : i32
    %dma_start3A_1099 = tpu.memref_slice %arg6[%dma_start3A_1097, %dma_start3A_1098] : memref<512x32xf32, #tpu.memory_space<vmem>> -> memref<1x32xf32, #tpu.memory_space<vmem>>
    %dma_start3A_1100 = arith.constant 0 : i32
    %dma_start3A_1101 = tpu.memref_slice %arg3[%squeeze3A_1096, %dma_start3A_1100] : memref<1000001x32xf32, #tpu.memory_space<hbm>> -> memref<1x32xf32, #tpu.memory_space<hbm>>
    %dma_start3A_1102 = arith.constant 90 : i32
    %dma_start3A_1103 = arith.constant 0 : i32
    %dma_start3A_1104 = tpu.memref_slice %arg6[%dma_start3A_1102, %dma_start3A_1103] : memref<512x32xf32, #tpu.memory_space<vmem>> -> memref<1x32xf32, #tpu.memory_space<vmem>>
    %dma_start3A_1105 = arith.constant 0 : i32
    %dma_start3A_1106 = tpu.memref_slice %arg3[%squeeze3A_1096, %dma_start3A_1105] : memref<1000001x32xf32, #tpu.memory_space<hbm>> -> memref<1x32xf32, #tpu.memory_space<hbm>>
    tpu.enqueue_dma source(%dma_start3A_1106 : memref<1x32xf32, #tpu.memory_space<hbm>>) target(%dma_start3A_1104 : memref<1x32xf32, #tpu.memory_space<vmem>>) target_semaphore(%arg7 : memref<!tpu.dma_semaphore, #tpu.memory_space<semaphore_mem>>)
    %slice3A_1107 = vector.extract_strided_slice %get3A_974 {offsets = [11], sizes = [1], strides = [1]} : vector<16xi32> to vector<1xi32>
    %squeeze3A_1108 = vector.extract %slice3A_1107[0] : i32 from vector<1xi32>
    %dma_start3A_1109 = arith.constant 91 : i32
    %dma_start3A_1110 = arith.constant 0 : i32
    %dma_start3A_1111 = tpu.memref_slice %arg6[%dma_start3A_1109, %dma_start3A_1110] : memref<512x32xf32, #tpu.memory_space<vmem>> -> memref<1x32xf32, #tpu.memory_space<vmem>>
    %dma_start3A_1112 = arith.constant 0 : i32
    %dma_start3A_1113 = tpu.memref_slice %arg3[%squeeze3A_1108, %dma_start3A_1112] : memref<1000001x32xf32, #tpu.memory_space<hbm>> -> memref<1x32xf32, #tpu.memory_space<hbm>>
    %dma_start3A_1114 = arith.constant 91 : i32
    %dma_start3A_1115 = arith.constant 0 : i32
    %dma_start3A_1116 = tpu.memref_slice %arg6[%dma_start3A_1114, %dma_start3A_1115] : memref<512x32xf32, #tpu.memory_space<vmem>> -> memref<1x32xf32, #tpu.memory_space<vmem>>
    %dma_start3A_1117 = arith.constant 0 : i32
    %dma_start3A_1118 = tpu.memref_slice %arg3[%squeeze3A_1108, %dma_start3A_1117] : memref<1000001x32xf32, #tpu.memory_space<hbm>> -> memref<1x32xf32, #tpu.memory_space<hbm>>
    tpu.enqueue_dma source(%dma_start3A_1118 : memref<1x32xf32, #tpu.memory_space<hbm>>) target(%dma_start3A_1116 : memref<1x32xf32, #tpu.memory_space<vmem>>) target_semaphore(%arg7 : memref<!tpu.dma_semaphore, #tpu.memory_space<semaphore_mem>>)
    %slice3A_1119 = vector.extract_strided_slice %get3A_974 {offsets = [12], sizes = [1], strides = [1]} : vector<16xi32> to vector<1xi32>
    %squeeze3A_1120 = vector.extract %slice3A_1119[0] : i32 from vector<1xi32>
    %dma_start3A_1121 = arith.constant 92 : i32
    %dma_start3A_1122 = arith.constant 0 : i32
    %dma_start3A_1123 = tpu.memref_slice %arg6[%dma_start3A_1121, %dma_start3A_1122] : memref<512x32xf32, #tpu.memory_space<vmem>> -> memref<1x32xf32, #tpu.memory_space<vmem>>
    %dma_start3A_1124 = arith.constant 0 : i32
    %dma_start3A_1125 = tpu.memref_slice %arg3[%squeeze3A_1120, %dma_start3A_1124] : memref<1000001x32xf32, #tpu.memory_space<hbm>> -> memref<1x32xf32, #tpu.memory_space<hbm>>
    %dma_start3A_1126 = arith.constant 92 : i32
    %dma_start3A_1127 = arith.constant 0 : i32
    %dma_start3A_1128 = tpu.memref_slice %arg6[%dma_start3A_1126, %dma_start3A_1127] : memref<512x32xf32, #tpu.memory_space<vmem>> -> memref<1x32xf32, #tpu.memory_space<vmem>>
    %dma_start3A_1129 = arith.constant 0 : i32
    %dma_start3A_1130 = tpu.memref_slice %arg3[%squeeze3A_1120, %dma_start3A_1129] : memref<1000001x32xf32, #tpu.memory_space<hbm>> -> memref<1x32xf32, #tpu.memory_space<hbm>>
    tpu.enqueue_dma source(%dma_start3A_1130 : memref<1x32xf32, #tpu.memory_space<hbm>>) target(%dma_start3A_1128 : memref<1x32xf32, #tpu.memory_space<vmem>>) target_semaphore(%arg7 : memref<!tpu.dma_semaphore, #tpu.memory_space<semaphore_mem>>)
    %slice3A_1131 = vector.extract_strided_slice %get3A_974 {offsets = [13], sizes = [1], strides = [1]} : vector<16xi32> to vector<1xi32>
    %squeeze3A_1132 = vector.extract %slice3A_1131[0] : i32 from vector<1xi32>
    %dma_start3A_1133 = arith.constant 93 : i32
    %dma_start3A_1134 = arith.constant 0 : i32
    %dma_start3A_1135 = tpu.memref_slice %arg6[%dma_start3A_1133, %dma_start3A_1134] : memref<512x32xf32, #tpu.memory_space<vmem>> -> memref<1x32xf32, #tpu.memory_space<vmem>>
    %dma_start3A_1136 = arith.constant 0 : i32
    %dma_start3A_1137 = tpu.memref_slice %arg3[%squeeze3A_1132, %dma_start3A_1136] : memref<1000001x32xf32, #tpu.memory_space<hbm>> -> memref<1x32xf32, #tpu.memory_space<hbm>>
    %dma_start3A_1138 = arith.constant 93 : i32
    %dma_start3A_1139 = arith.constant 0 : i32
    %dma_start3A_1140 = tpu.memref_slice %arg6[%dma_start3A_1138, %dma_start3A_1139] : memref<512x32xf32, #tpu.memory_space<vmem>> -> memref<1x32xf32, #tpu.memory_space<vmem>>
    %dma_start3A_1141 = arith.constant 0 : i32
    %dma_start3A_1142 = tpu.memref_slice %arg3[%squeeze3A_1132, %dma_start3A_1141] : memref<1000001x32xf32, #tpu.memory_space<hbm>> -> memref<1x32xf32, #tpu.memory_space<hbm>>
    tpu.enqueue_dma source(%dma_start3A_1142 : memref<1x32xf32, #tpu.memory_space<hbm>>) target(%dma_start3A_1140 : memref<1x32xf32, #tpu.memory_space<vmem>>) target_semaphore(%arg7 : memref<!tpu.dma_semaphore, #tpu.memory_space<semaphore_mem>>)
    %slice3A_1143 = vector.extract_strided_slice %get3A_974 {offsets = [14], sizes = [1], strides = [1]} : vector<16xi32> to vector<1xi32>
    %squeeze3A_1144 = vector.extract %slice3A_1143[0] : i32 from vector<1xi32>
    %dma_start3A_1145 = arith.constant 94 : i32
    %dma_start3A_1146 = arith.constant 0 : i32
    %dma_start3A_1147 = tpu.memref_slice %arg6[%dma_start3A_1145, %dma_start3A_1146] : memref<512x32xf32, #tpu.memory_space<vmem>> -> memref<1x32xf32, #tpu.memory_space<vmem>>
    %dma_start3A_1148 = arith.constant 0 : i32
    %dma_start3A_1149 = tpu.memref_slice %arg3[%squeeze3A_1144, %dma_start3A_1148] : memref<1000001x32xf32, #tpu.memory_space<hbm>> -> memref<1x32xf32, #tpu.memory_space<hbm>>
    %dma_start3A_1150 = arith.constant 94 : i32
    %dma_start3A_1151 = arith.constant 0 : i32
    %dma_start3A_1152 = tpu.memref_slice %arg6[%dma_start3A_1150, %dma_start3A_1151] : memref<512x32xf32, #tpu.memory_space<vmem>> -> memref<1x32xf32, #tpu.memory_space<vmem>>
    %dma_start3A_1153 = arith.constant 0 : i32
    %dma_start3A_1154 = tpu.memref_slice %arg3[%squeeze3A_1144, %dma_start3A_1153] : memref<1000001x32xf32, #tpu.memory_space<hbm>> -> memref<1x32xf32, #tpu.memory_space<hbm>>
    tpu.enqueue_dma source(%dma_start3A_1154 : memref<1x32xf32, #tpu.memory_space<hbm>>) target(%dma_start3A_1152 : memref<1x32xf32, #tpu.memory_space<vmem>>) target_semaphore(%arg7 : memref<!tpu.dma_semaphore, #tpu.memory_space<semaphore_mem>>)
    %slice3A_1155 = vector.extract_strided_slice %get3A_974 {offsets = [15], sizes = [1], strides = [1]} : vector<16xi32> to vector<1xi32>
    %squeeze3A_1156 = vector.extract %slice3A_1155[0] : i32 from vector<1xi32>
    %dma_start3A_1157 = arith.constant 95 : i32
    %dma_start3A_1158 = arith.constant 0 : i32
    %dma_start3A_1159 = tpu.memref_slice %arg6[%dma_start3A_1157, %dma_start3A_1158] : memref<512x32xf32, #tpu.memory_space<vmem>> -> memref<1x32xf32, #tpu.memory_space<vmem>>
    %dma_start3A_1160 = arith.constant 0 : i32
    %dma_start3A_1161 = tpu.memref_slice %arg3[%squeeze3A_1156, %dma_start3A_1160] : memref<1000001x32xf32, #tpu.memory_space<hbm>> -> memref<1x32xf32, #tpu.memory_space<hbm>>
    %dma_start3A_1162 = arith.constant 95 : i32
    %dma_start3A_1163 = arith.constant 0 : i32
    %dma_start3A_1164 = tpu.memref_slice %arg6[%dma_start3A_1162, %dma_start3A_1163] : memref<512x32xf32, #tpu.memory_space<vmem>> -> memref<1x32xf32, #tpu.memory_space<vmem>>
    %dma_start3A_1165 = arith.constant 0 : i32
    %dma_start3A_1166 = tpu.memref_slice %arg3[%squeeze3A_1156, %dma_start3A_1165] : memref<1000001x32xf32, #tpu.memory_space<hbm>> -> memref<1x32xf32, #tpu.memory_space<hbm>>
    tpu.enqueue_dma source(%dma_start3A_1166 : memref<1x32xf32, #tpu.memory_space<hbm>>) target(%dma_start3A_1164 : memref<1x32xf32, #tpu.memory_space<vmem>>) target_semaphore(%arg7 : memref<!tpu.dma_semaphore, #tpu.memory_space<semaphore_mem>>)
    %get3A_1167 = arith.constant 96 : index
    %get3A_1168 = tpu.vector_load %arg5[%get3A_1167] {strides = array<i32>} : memref<512xi32, #tpu.memory_space<vmem>>, vector<16xi32>,
    %get3A_1169 = vector.shape_cast %get3A_1168 : vector<16xi32> to vector<16xi32>
    %slice3A_1170 = vector.extract_strided_slice %get3A_1169 {offsets = [0], sizes = [1], strides = [1]} : vector<16xi32> to vector<1xi32>
    %squeeze3A_1171 = vector.extract %slice3A_1170[0] : i32 from vector<1xi32>
    %dma_start3A_1172 = arith.constant 96 : i32
    %dma_start3A_1173 = arith.constant 0 : i32
    %dma_start3A_1174 = tpu.memref_slice %arg6[%dma_start3A_1172, %dma_start3A_1173] : memref<512x32xf32, #tpu.memory_space<vmem>> -> memref<1x32xf32, #tpu.memory_space<vmem>>
    %dma_start3A_1175 = arith.constant 0 : i32
    %dma_start3A_1176 = tpu.memref_slice %arg3[%squeeze3A_1171, %dma_start3A_1175] : memref<1000001x32xf32, #tpu.memory_space<hbm>> -> memref<1x32xf32, #tpu.memory_space<hbm>>
    %dma_start3A_1177 = arith.constant 96 : i32
    %dma_start3A_1178 = arith.constant 0 : i32
    %dma_start3A_1179 = tpu.memref_slice %arg6[%dma_start3A_1177, %dma_start3A_1178] : memref<512x32xf32, #tpu.memory_space<vmem>> -> memref<1x32xf32, #tpu.memory_space<vmem>>
    %dma_start3A_1180 = arith.constant 0 : i32
    %dma_start3A_1181 = tpu.memref_slice %arg3[%squeeze3A_1171, %dma_start3A_1180] : memref<1000001x32xf32, #tpu.memory_space<hbm>> -> memref<1x32xf32, #tpu.memory_space<hbm>>
    tpu.enqueue_dma source(%dma_start3A_1181 : memref<1x32xf32, #tpu.memory_space<hbm>>) target(%dma_start3A_1179 : memref<1x32xf32, #tpu.memory_space<vmem>>) target_semaphore(%arg7 : memref<!tpu.dma_semaphore, #tpu.memory_space<semaphore_mem>>)
    %slice3A_1182 = vector.extract_strided_slice %get3A_1169 {offsets = [1], sizes = [1], strides = [1]} : vector<16xi32> to vector<1xi32>
    %squeeze3A_1183 = vector.extract %slice3A_1182[0] : i32 from vector<1xi32>
    %dma_start3A_1184 = arith.constant 97 : i32
    %dma_start3A_1185 = arith.constant 0 : i32
    %dma_start3A_1186 = tpu.memref_slice %arg6[%dma_start3A_1184, %dma_start3A_1185] : memref<512x32xf32, #tpu.memory_space<vmem>> -> memref<1x32xf32, #tpu.memory_space<vmem>>
    %dma_start3A_1187 = arith.constant 0 : i32
    %dma_start3A_1188 = tpu.memref_slice %arg3[%squeeze3A_1183, %dma_start3A_1187] : memref<1000001x32xf32, #tpu.memory_space<hbm>> -> memref<1x32xf32, #tpu.memory_space<hbm>>
    %dma_start3A_1189 = arith.constant 97 : i32
    %dma_start3A_1190 = arith.constant 0 : i32
    %dma_start3A_1191 = tpu.memref_slice %arg6[%dma_start3A_1189, %dma_start3A_1190] : memref<512x32xf32, #tpu.memory_space<vmem>> -> memref<1x32xf32, #tpu.memory_space<vmem>>
    %dma_start3A_1192 = arith.constant 0 : i32
    %dma_start3A_1193 = tpu.memref_slice %arg3[%squeeze3A_1183, %dma_start3A_1192] : memref<1000001x32xf32, #tpu.memory_space<hbm>> -> memref<1x32xf32, #tpu.memory_space<hbm>>
    tpu.enqueue_dma source(%dma_start3A_1193 : memref<1x32xf32, #tpu.memory_space<hbm>>) target(%dma_start3A_1191 : memref<1x32xf32, #tpu.memory_space<vmem>>) target_semaphore(%arg7 : memref<!tpu.dma_semaphore, #tpu.memory_space<semaphore_mem>>)
    %slice3A_1194 = vector.extract_strided_slice %get3A_1169 {offsets = [2], sizes = [1], strides = [1]} : vector<16xi32> to vector<1xi32>
    %squeeze3A_1195 = vector.extract %slice3A_1194[0] : i32 from vector<1xi32>
    %dma_start3A_1196 = arith.constant 98 : i32
    %dma_start3A_1197 = arith.constant 0 : i32
    %dma_start3A_1198 = tpu.memref_slice %arg6[%dma_start3A_1196, %dma_start3A_1197] : memref<512x32xf32, #tpu.memory_space<vmem>> -> memref<1x32xf32, #tpu.memory_space<vmem>>
    %dma_start3A_1199 = arith.constant 0 : i32
    %dma_start3A_1200 = tpu.memref_slice %arg3[%squeeze3A_1195, %dma_start3A_1199] : memref<1000001x32xf32, #tpu.memory_space<hbm>> -> memref<1x32xf32, #tpu.memory_space<hbm>>
    %dma_start3A_1201 = arith.constant 98 : i32
    %dma_start3A_1202 = arith.constant 0 : i32
    %dma_start3A_1203 = tpu.memref_slice %arg6[%dma_start3A_1201, %dma_start3A_1202] : memref<512x32xf32, #tpu.memory_space<vmem>> -> memref<1x32xf32, #tpu.memory_space<vmem>>
    %dma_start3A_1204 = arith.constant 0 : i32
    %dma_start3A_1205 = tpu.memref_slice %arg3[%squeeze3A_1195, %dma_start3A_1204] : memref<1000001x32xf32, #tpu.memory_space<hbm>> -> memref<1x32xf32, #tpu.memory_space<hbm>>
    tpu.enqueue_dma source(%dma_start3A_1205 : memref<1x32xf32, #tpu.memory_space<hbm>>) target(%dma_start3A_1203 : memref<1x32xf32, #tpu.memory_space<vmem>>) target_semaphore(%arg7 : memref<!tpu.dma_semaphore, #tpu.memory_space<semaphore_mem>>)
    %slice3A_1206 = vector.extract_strided_slice %get3A_1169 {offsets = [3], sizes = [1], strides = [1]} : vector<16xi32> to vector<1xi32>
    %squeeze3A_1207 = vector.extract %slice3A_1206[0] : i32 from vector<1xi32>
    %dma_start3A_1208 = arith.constant 99 : i32
    %dma_start3A_1209 = arith.constant 0 : i32
    %dma_start3A_1210 = tpu.memref_slice %arg6[%dma_start3A_1208, %dma_start3A_1209] : memref<512x32xf32, #tpu.memory_space<vmem>> -> memref<1x32xf32, #tpu.memory_space<vmem>>
    %dma_start3A_1211 = arith.constant 0 : i32
    %dma_start3A_1212 = tpu.memref_slice %arg3[%squeeze3A_1207, %dma_start3A_1211] : memref<1000001x32xf32, #tpu.memory_space<hbm>> -> memref<1x32xf32, #tpu.memory_space<hbm>>
    %dma_start3A_1213 = arith.constant 99 : i32
    %dma_start3A_1214 = arith.constant 0 : i32
    %dma_start3A_1215 = tpu.memref_slice %arg6[%dma_start3A_1213, %dma_start3A_1214] : memref<512x32xf32, #tpu.memory_space<vmem>> -> memref<1x32xf32, #tpu.memory_space<vmem>>
    %dma_start3A_1216 = arith.constant 0 : i32
    %dma_start3A_1217 = tpu.memref_slice %arg3[%squeeze3A_1207, %dma_start3A_1216] : memref<1000001x32xf32, #tpu.memory_space<hbm>> -> memref<1x32xf32, #tpu.memory_space<hbm>>
    tpu.enqueue_dma source(%dma_start3A_1217 : memref<1x32xf32, #tpu.memory_space<hbm>>) target(%dma_start3A_1215 : memref<1x32xf32, #tpu.memory_space<vmem>>) target_semaphore(%arg7 : memref<!tpu.dma_semaphore, #tpu.memory_space<semaphore_mem>>)
    %slice3A_1218 = vector.extract_strided_slice %get3A_1169 {offsets = [4], sizes = [1], strides = [1]} : vector<16xi32> to vector<1xi32>
    %squeeze3A_1219 = vector.extract %slice3A_1218[0] : i32 from vector<1xi32>
    %dma_start3A_1220 = arith.constant 100 : i32
    %dma_start3A_1221 = arith.constant 0 : i32
    %dma_start3A_1222 = tpu.memref_slice %arg6[%dma_start3A_1220, %dma_start3A_1221] : memref<512x32xf32, #tpu.memory_space<vmem>> -> memref<1x32xf32, #tpu.memory_space<vmem>>
    %dma_start3A_1223 = arith.constant 0 : i32
    %dma_start3A_1224 = tpu.memref_slice %arg3[%squeeze3A_1219, %dma_start3A_1223] : memref<1000001x32xf32, #tpu.memory_space<hbm>> -> memref<1x32xf32, #tpu.memory_space<hbm>>
    %dma_start3A_1225 = arith.constant 100 : i32
    %dma_start3A_1226 = arith.constant 0 : i32
    %dma_start3A_1227 = tpu.memref_slice %arg6[%dma_start3A_1225, %dma_start3A_1226] : memref<512x32xf32, #tpu.memory_space<vmem>> -> memref<1x32xf32, #tpu.memory_space<vmem>>
    %dma_start3A_1228 = arith.constant 0 : i32
    %dma_start3A_1229 = tpu.memref_slice %arg3[%squeeze3A_1219, %dma_start3A_1228] : memref<1000001x32xf32, #tpu.memory_space<hbm>> -> memref<1x32xf32, #tpu.memory_space<hbm>>
    tpu.enqueue_dma source(%dma_start3A_1229 : memref<1x32xf32, #tpu.memory_space<hbm>>) target(%dma_start3A_1227 : memref<1x32xf32, #tpu.memory_space<vmem>>) target_semaphore(%arg7 : memref<!tpu.dma_semaphore, #tpu.memory_space<semaphore_mem>>)
    %slice3A_1230 = vector.extract_strided_slice %get3A_1169 {offsets = [5], sizes = [1], strides = [1]} : vector<16xi32> to vector<1xi32>
    %squeeze3A_1231 = vector.extract %slice3A_1230[0] : i32 from vector<1xi32>
    %dma_start3A_1232 = arith.constant 101 : i32
    %dma_start3A_1233 = arith.constant 0 : i32
    %dma_start3A_1234 = tpu.memref_slice %arg6[%dma_start3A_1232, %dma_start3A_1233] : memref<512x32xf32, #tpu.memory_space<vmem>> -> memref<1x32xf32, #tpu.memory_space<vmem>>
    %dma_start3A_1235 = arith.constant 0 : i32
    %dma_start3A_1236 = tpu.memref_slice %arg3[%squeeze3A_1231, %dma_start3A_1235] : memref<1000001x32xf32, #tpu.memory_space<hbm>> -> memref<1x32xf32, #tpu.memory_space<hbm>>
    %dma_start3A_1237 = arith.constant 101 : i32
    %dma_start3A_1238 = arith.constant 0 : i32
    %dma_start3A_1239 = tpu.memref_slice %arg6[%dma_start3A_1237, %dma_start3A_1238] : memref<512x32xf32, #tpu.memory_space<vmem>> -> memref<1x32xf32, #tpu.memory_space<vmem>>
    %dma_start3A_1240 = arith.constant 0 : i32
    %dma_start3A_1241 = tpu.memref_slice %arg3[%squeeze3A_1231, %dma_start3A_1240] : memref<1000001x32xf32, #tpu.memory_space<hbm>> -> memref<1x32xf32, #tpu.memory_space<hbm>>
    tpu.enqueue_dma source(%dma_start3A_1241 : memref<1x32xf32, #tpu.memory_space<hbm>>) target(%dma_start3A_1239 : memref<1x32xf32, #tpu.memory_space<vmem>>) target_semaphore(%arg7 : memref<!tpu.dma_semaphore, #tpu.memory_space<semaphore_mem>>)
    %slice3A_1242 = vector.extract_strided_slice %get3A_1169 {offsets = [6], sizes = [1], strides = [1]} : vector<16xi32> to vector<1xi32>
    %squeeze3A_1243 = vector.extract %slice3A_1242[0] : i32 from vector<1xi32>
    %dma_start3A_1244 = arith.constant 102 : i32
    %dma_start3A_1245 = arith.constant 0 : i32
    %dma_start3A_1246 = tpu.memref_slice %arg6[%dma_start3A_1244, %dma_start3A_1245] : memref<512x32xf32, #tpu.memory_space<vmem>> -> memref<1x32xf32, #tpu.memory_space<vmem>>
    %dma_start3A_1247 = arith.constant 0 : i32
    %dma_start3A_1248 = tpu.memref_slice %arg3[%squeeze3A_1243, %dma_start3A_1247] : memref<1000001x32xf32, #tpu.memory_space<hbm>> -> memref<1x32xf32, #tpu.memory_space<hbm>>
    %dma_start3A_1249 = arith.constant 102 : i32
    %dma_start3A_1250 = arith.constant 0 : i32
    %dma_start3A_1251 = tpu.memref_slice %arg6[%dma_start3A_1249, %dma_start3A_1250] : memref<512x32xf32, #tpu.memory_space<vmem>> -> memref<1x32xf32, #tpu.memory_space<vmem>>
    %dma_start3A_1252 = arith.constant 0 : i32
    %dma_start3A_1253 = tpu.memref_slice %arg3[%squeeze3A_1243, %dma_start3A_1252] : memref<1000001x32xf32, #tpu.memory_space<hbm>> -> memref<1x32xf32, #tpu.memory_space<hbm>>
    tpu.enqueue_dma source(%dma_start3A_1253 : memref<1x32xf32, #tpu.memory_space<hbm>>) target(%dma_start3A_1251 : memref<1x32xf32, #tpu.memory_space<vmem>>) target_semaphore(%arg7 : memref<!tpu.dma_semaphore, #tpu.memory_space<semaphore_mem>>)
    %slice3A_1254 = vector.extract_strided_slice %get3A_1169 {offsets = [7], sizes = [1], strides = [1]} : vector<16xi32> to vector<1xi32>
    %squeeze3A_1255 = vector.extract %slice3A_1254[0] : i32 from vector<1xi32>
    %dma_start3A_1256 = arith.constant 103 : i32
    %dma_start3A_1257 = arith.constant 0 : i32
    %dma_start3A_1258 = tpu.memref_slice %arg6[%dma_start3A_1256, %dma_start3A_1257] : memref<512x32xf32, #tpu.memory_space<vmem>> -> memref<1x32xf32, #tpu.memory_space<vmem>>
    %dma_start3A_1259 = arith.constant 0 : i32
    %dma_start3A_1260 = tpu.memref_slice %arg3[%squeeze3A_1255, %dma_start3A_1259] : memref<1000001x32xf32, #tpu.memory_space<hbm>> -> memref<1x32xf32, #tpu.memory_space<hbm>>
    %dma_start3A_1261 = arith.constant 103 : i32
    %dma_start3A_1262 = arith.constant 0 : i32
    %dma_start3A_1263 = tpu.memref_slice %arg6[%dma_start3A_1261, %dma_start3A_1262] : memref<512x32xf32, #tpu.memory_space<vmem>> -> memref<1x32xf32, #tpu.memory_space<vmem>>
    %dma_start3A_1264 = arith.constant 0 : i32
    %dma_start3A_1265 = tpu.memref_slice %arg3[%squeeze3A_1255, %dma_start3A_1264] : memref<1000001x32xf32, #tpu.memory_space<hbm>> -> memref<1x32xf32, #tpu.memory_space<hbm>>
    tpu.enqueue_dma source(%dma_start3A_1265 : memref<1x32xf32, #tpu.memory_space<hbm>>) target(%dma_start3A_1263 : memref<1x32xf32, #tpu.memory_space<vmem>>) target_semaphore(%arg7 : memref<!tpu.dma_semaphore, #tpu.memory_space<semaphore_mem>>)
    %slice3A_1266 = vector.extract_strided_slice %get3A_1169 {offsets = [8], sizes = [1], strides = [1]} : vector<16xi32> to vector<1xi32>
    %squeeze3A_1267 = vector.extract %slice3A_1266[0] : i32 from vector<1xi32>
    %dma_start3A_1268 = arith.constant 104 : i32
    %dma_start3A_1269 = arith.constant 0 : i32
    %dma_start3A_1270 = tpu.memref_slice %arg6[%dma_start3A_1268, %dma_start3A_1269] : memref<512x32xf32, #tpu.memory_space<vmem>> -> memref<1x32xf32, #tpu.memory_space<vmem>>
    %dma_start3A_1271 = arith.constant 0 : i32
    %dma_start3A_1272 = tpu.memref_slice %arg3[%squeeze3A_1267, %dma_start3A_1271] : memref<1000001x32xf32, #tpu.memory_space<hbm>> -> memref<1x32xf32, #tpu.memory_space<hbm>>
    %dma_start3A_1273 = arith.constant 104 : i32
    %dma_start3A_1274 = arith.constant 0 : i32
    %dma_start3A_1275 = tpu.memref_slice %arg6[%dma_start3A_1273, %dma_start3A_1274] : memref<512x32xf32, #tpu.memory_space<vmem>> -> memref<1x32xf32, #tpu.memory_space<vmem>>
    %dma_start3A_1276 = arith.constant 0 : i32
    %dma_start3A_1277 = tpu.memref_slice %arg3[%squeeze3A_1267, %dma_start3A_1276] : memref<1000001x32xf32, #tpu.memory_space<hbm>> -> memref<1x32xf32, #tpu.memory_space<hbm>>
    tpu.enqueue_dma source(%dma_start3A_1277 : memref<1x32xf32, #tpu.memory_space<hbm>>) target(%dma_start3A_1275 : memref<1x32xf32, #tpu.memory_space<vmem>>) target_semaphore(%arg7 : memref<!tpu.dma_semaphore, #tpu.memory_space<semaphore_mem>>)
    %slice3A_1278 = vector.extract_strided_slice %get3A_1169 {offsets = [9], sizes = [1], strides = [1]} : vector<16xi32> to vector<1xi32>
    %squeeze3A_1279 = vector.extract %slice3A_1278[0] : i32 from vector<1xi32>
    %dma_start3A_1280 = arith.constant 105 : i32
    %dma_start3A_1281 = arith.constant 0 : i32
    %dma_start3A_1282 = tpu.memref_slice %arg6[%dma_start3A_1280, %dma_start3A_1281] : memref<512x32xf32, #tpu.memory_space<vmem>> -> memref<1x32xf32, #tpu.memory_space<vmem>>
    %dma_start3A_1283 = arith.constant 0 : i32
    %dma_start3A_1284 = tpu.memref_slice %arg3[%squeeze3A_1279, %dma_start3A_1283] : memref<1000001x32xf32, #tpu.memory_space<hbm>> -> memref<1x32xf32, #tpu.memory_space<hbm>>
    %dma_start3A_1285 = arith.constant 105 : i32
    %dma_start3A_1286 = arith.constant 0 : i32
    %dma_start3A_1287 = tpu.memref_slice %arg6[%dma_start3A_1285, %dma_start3A_1286] : memref<512x32xf32, #tpu.memory_space<vmem>> -> memref<1x32xf32, #tpu.memory_space<vmem>>
    %dma_start3A_1288 = arith.constant 0 : i32
    %dma_start3A_1289 = tpu.memref_slice %arg3[%squeeze3A_1279, %dma_start3A_1288] : memref<1000001x32xf32, #tpu.memory_space<hbm>> -> memref<1x32xf32, #tpu.memory_space<hbm>>
    tpu.enqueue_dma source(%dma_start3A_1289 : memref<1x32xf32, #tpu.memory_space<hbm>>) target(%dma_start3A_1287 : memref<1x32xf32, #tpu.memory_space<vmem>>) target_semaphore(%arg7 : memref<!tpu.dma_semaphore, #tpu.memory_space<semaphore_mem>>)
    %slice3A_1290 = vector.extract_strided_slice %get3A_1169 {offsets = [10], sizes = [1], strides = [1]} : vector<16xi32> to vector<1xi32>
    %squeeze3A_1291 = vector.extract %slice3A_1290[0] : i32 from vector<1xi32>
    %dma_start3A_1292 = arith.constant 106 : i32
    %dma_start3A_1293 = arith.constant 0 : i32
    %dma_start3A_1294 = tpu.memref_slice %arg6[%dma_start3A_1292, %dma_start3A_1293] : memref<512x32xf32, #tpu.memory_space<vmem>> -> memref<1x32xf32, #tpu.memory_space<vmem>>
    %dma_start3A_1295 = arith.constant 0 : i32
    %dma_start3A_1296 = tpu.memref_slice %arg3[%squeeze3A_1291, %dma_start3A_1295] : memref<1000001x32xf32, #tpu.memory_space<hbm>> -> memref<1x32xf32, #tpu.memory_space<hbm>>
    %dma_start3A_1297 = arith.constant 106 : i32
    %dma_start3A_1298 = arith.constant 0 : i32
    %dma_start3A_1299 = tpu.memref_slice %arg6[%dma_start3A_1297, %dma_start3A_1298] : memref<512x32xf32, #tpu.memory_space<vmem>> -> memref<1x32xf32, #tpu.memory_space<vmem>>
    %dma_start3A_1300 = arith.constant 0 : i32
    %dma_start3A_1301 = tpu.memref_slice %arg3[%squeeze3A_1291, %dma_start3A_1300] : memref<1000001x32xf32, #tpu.memory_space<hbm>> -> memref<1x32xf32, #tpu.memory_space<hbm>>
    tpu.enqueue_dma source(%dma_start3A_1301 : memref<1x32xf32, #tpu.memory_space<hbm>>) target(%dma_start3A_1299 : memref<1x32xf32, #tpu.memory_space<vmem>>) target_semaphore(%arg7 : memref<!tpu.dma_semaphore, #tpu.memory_space<semaphore_mem>>)
    %slice3A_1302 = vector.extract_strided_slice %get3A_1169 {offsets = [11], sizes = [1], strides = [1]} : vector<16xi32> to vector<1xi32>
    %squeeze3A_1303 = vector.extract %slice3A_1302[0] : i32 from vector<1xi32>
    %dma_start3A_1304 = arith.constant 107 : i32
    %dma_start3A_1305 = arith.constant 0 : i32
    %dma_start3A_1306 = tpu.memref_slice %arg6[%dma_start3A_1304, %dma_start3A_1305] : memref<512x32xf32, #tpu.memory_space<vmem>> -> memref<1x32xf32, #tpu.memory_space<vmem>>
    %dma_start3A_1307 = arith.constant 0 : i32
    %dma_start3A_1308 = tpu.memref_slice %arg3[%squeeze3A_1303, %dma_start3A_1307] : memref<1000001x32xf32, #tpu.memory_space<hbm>> -> memref<1x32xf32, #tpu.memory_space<hbm>>
    %dma_start3A_1309 = arith.constant 107 : i32
    %dma_start3A_1310 = arith.constant 0 : i32
    %dma_start3A_1311 = tpu.memref_slice %arg6[%dma_start3A_1309, %dma_start3A_1310] : memref<512x32xf32, #tpu.memory_space<vmem>> -> memref<1x32xf32, #tpu.memory_space<vmem>>
    %dma_start3A_1312 = arith.constant 0 : i32
    %dma_start3A_1313 = tpu.memref_slice %arg3[%squeeze3A_1303, %dma_start3A_1312] : memref<1000001x32xf32, #tpu.memory_space<hbm>> -> memref<1x32xf32, #tpu.memory_space<hbm>>
    tpu.enqueue_dma source(%dma_start3A_1313 : memref<1x32xf32, #tpu.memory_space<hbm>>) target(%dma_start3A_1311 : memref<1x32xf32, #tpu.memory_space<vmem>>) target_semaphore(%arg7 : memref<!tpu.dma_semaphore, #tpu.memory_space<semaphore_mem>>)
    %slice3A_1314 = vector.extract_strided_slice %get3A_1169 {offsets = [12], sizes = [1], strides = [1]} : vector<16xi32> to vector<1xi32>
    %squeeze3A_1315 = vector.extract %slice3A_1314[0] : i32 from vector<1xi32>
    %dma_start3A_1316 = arith.constant 108 : i32
    %dma_start3A_1317 = arith.constant 0 : i32
    %dma_start3A_1318 = tpu.memref_slice %arg6[%dma_start3A_1316, %dma_start3A_1317] : memref<512x32xf32, #tpu.memory_space<vmem>> -> memref<1x32xf32, #tpu.memory_space<vmem>>
    %dma_start3A_1319 = arith.constant 0 : i32
    %dma_start3A_1320 = tpu.memref_slice %arg3[%squeeze3A_1315, %dma_start3A_1319] : memref<1000001x32xf32, #tpu.memory_space<hbm>> -> memref<1x32xf32, #tpu.memory_space<hbm>>
    %dma_start3A_1321 = arith.constant 108 : i32
    %dma_start3A_1322 = arith.constant 0 : i32
    %dma_start3A_1323 = tpu.memref_slice %arg6[%dma_start3A_1321, %dma_start3A_1322] : memref<512x32xf32, #tpu.memory_space<vmem>> -> memref<1x32xf32, #tpu.memory_space<vmem>>
    %dma_start3A_1324 = arith.constant 0 : i32
    %dma_start3A_1325 = tpu.memref_slice %arg3[%squeeze3A_1315, %dma_start3A_1324] : memref<1000001x32xf32, #tpu.memory_space<hbm>> -> memref<1x32xf32, #tpu.memory_space<hbm>>
    tpu.enqueue_dma source(%dma_start3A_1325 : memref<1x32xf32, #tpu.memory_space<hbm>>) target(%dma_start3A_1323 : memref<1x32xf32, #tpu.memory_space<vmem>>) target_semaphore(%arg7 : memref<!tpu.dma_semaphore, #tpu.memory_space<semaphore_mem>>)
    %slice3A_1326 = vector.extract_strided_slice %get3A_1169 {offsets = [13], sizes = [1], strides = [1]} : vector<16xi32> to vector<1xi32>
    %squeeze3A_1327 = vector.extract %slice3A_1326[0] : i32 from vector<1xi32>
    %dma_start3A_1328 = arith.constant 109 : i32
    %dma_start3A_1329 = arith.constant 0 : i32
    %dma_start3A_1330 = tpu.memref_slice %arg6[%dma_start3A_1328, %dma_start3A_1329] : memref<512x32xf32, #tpu.memory_space<vmem>> -> memref<1x32xf32, #tpu.memory_space<vmem>>
    %dma_start3A_1331 = arith.constant 0 : i32
    %dma_start3A_1332 = tpu.memref_slice %arg3[%squeeze3A_1327, %dma_start3A_1331] : memref<1000001x32xf32, #tpu.memory_space<hbm>> -> memref<1x32xf32, #tpu.memory_space<hbm>>
    %dma_start3A_1333 = arith.constant 109 : i32
    %dma_start3A_1334 = arith.constant 0 : i32
    %dma_start3A_1335 = tpu.memref_slice %arg6[%dma_start3A_1333, %dma_start3A_1334] : memref<512x32xf32, #tpu.memory_space<vmem>> -> memref<1x32xf32, #tpu.memory_space<vmem>>
    %dma_start3A_1336 = arith.constant 0 : i32
    %dma_start3A_1337 = tpu.memref_slice %arg3[%squeeze3A_1327, %dma_start3A_1336] : memref<1000001x32xf32, #tpu.memory_space<hbm>> -> memref<1x32xf32, #tpu.memory_space<hbm>>
    tpu.enqueue_dma source(%dma_start3A_1337 : memref<1x32xf32, #tpu.memory_space<hbm>>) target(%dma_start3A_1335 : memref<1x32xf32, #tpu.memory_space<vmem>>) target_semaphore(%arg7 : memref<!tpu.dma_semaphore, #tpu.memory_space<semaphore_mem>>)
    %slice3A_1338 = vector.extract_strided_slice %get3A_1169 {offsets = [14], sizes = [1], strides = [1]} : vector<16xi32> to vector<1xi32>
    %squeeze3A_1339 = vector.extract %slice3A_1338[0] : i32 from vector<1xi32>
    %dma_start3A_1340 = arith.constant 110 : i32
    %dma_start3A_1341 = arith.constant 0 : i32
    %dma_start3A_1342 = tpu.memref_slice %arg6[%dma_start3A_1340, %dma_start3A_1341] : memref<512x32xf32, #tpu.memory_space<vmem>> -> memref<1x32xf32, #tpu.memory_space<vmem>>
    %dma_start3A_1343 = arith.constant 0 : i32
    %dma_start3A_1344 = tpu.memref_slice %arg3[%squeeze3A_1339, %dma_start3A_1343] : memref<1000001x32xf32, #tpu.memory_space<hbm>> -> memref<1x32xf32, #tpu.memory_space<hbm>>
    %dma_start3A_1345 = arith.constant 110 : i32
    %dma_start3A_1346 = arith.constant 0 : i32
    %dma_start3A_1347 = tpu.memref_slice %arg6[%dma_start3A_1345, %dma_start3A_1346] : memref<512x32xf32, #tpu.memory_space<vmem>> -> memref<1x32xf32, #tpu.memory_space<vmem>>
    %dma_start3A_1348 = arith.constant 0 : i32
    %dma_start3A_1349 = tpu.memref_slice %arg3[%squeeze3A_1339, %dma_start3A_1348] : memref<1000001x32xf32, #tpu.memory_space<hbm>> -> memref<1x32xf32, #tpu.memory_space<hbm>>
    tpu.enqueue_dma source(%dma_start3A_1349 : memref<1x32xf32, #tpu.memory_space<hbm>>) target(%dma_start3A_1347 : memref<1x32xf32, #tpu.memory_space<vmem>>) target_semaphore(%arg7 : memref<!tpu.dma_semaphore, #tpu.memory_space<semaphore_mem>>)
    %slice3A_1350 = vector.extract_strided_slice %get3A_1169 {offsets = [15], sizes = [1], strides = [1]} : vector<16xi32> to vector<1xi32>
    %squeeze3A_1351 = vector.extract %slice3A_1350[0] : i32 from vector<1xi32>
    %dma_start3A_1352 = arith.constant 111 : i32
    %dma_start3A_1353 = arith.constant 0 : i32
    %dma_start3A_1354 = tpu.memref_slice %arg6[%dma_start3A_1352, %dma_start3A_1353] : memref<512x32xf32, #tpu.memory_space<vmem>> -> memref<1x32xf32, #tpu.memory_space<vmem>>
    %dma_start3A_1355 = arith.constant 0 : i32
    %dma_start3A_1356 = tpu.memref_slice %arg3[%squeeze3A_1351, %dma_start3A_1355] : memref<1000001x32xf32, #tpu.memory_space<hbm>> -> memref<1x32xf32, #tpu.memory_space<hbm>>
    %dma_start3A_1357 = arith.constant 111 : i32
    %dma_start3A_1358 = arith.constant 0 : i32
    %dma_start3A_1359 = tpu.memref_slice %arg6[%dma_start3A_1357, %dma_start3A_1358] : memref<512x32xf32, #tpu.memory_space<vmem>> -> memref<1x32xf32, #tpu.memory_space<vmem>>
    %dma_start3A_1360 = arith.constant 0 : i32
    %dma_start3A_1361 = tpu.memref_slice %arg3[%squeeze3A_1351, %dma_start3A_1360] : memref<1000001x32xf32, #tpu.memory_space<hbm>> -> memref<1x32xf32, #tpu.memory_space<hbm>>
    tpu.enqueue_dma source(%dma_start3A_1361 : memref<1x32xf32, #tpu.memory_space<hbm>>) target(%dma_start3A_1359 : memref<1x32xf32, #tpu.memory_space<vmem>>) target_semaphore(%arg7 : memref<!tpu.dma_semaphore, #tpu.memory_space<semaphore_mem>>)
    %get3A_1362 = arith.constant 112 : index
    %get3A_1363 = tpu.vector_load %arg5[%get3A_1362] {strides = array<i32>} : memref<512xi32, #tpu.memory_space<vmem>>, vector<16xi32>,
    %get3A_1364 = vector.shape_cast %get3A_1363 : vector<16xi32> to vector<16xi32>
    %slice3A_1365 = vector.extract_strided_slice %get3A_1364 {offsets = [0], sizes = [1], strides = [1]} : vector<16xi32> to vector<1xi32>
    %squeeze3A_1366 = vector.extract %slice3A_1365[0] : i32 from vector<1xi32>
    %dma_start3A_1367 = arith.constant 112 : i32
    %dma_start3A_1368 = arith.constant 0 : i32
    %dma_start3A_1369 = tpu.memref_slice %arg6[%dma_start3A_1367, %dma_start3A_1368] : memref<512x32xf32, #tpu.memory_space<vmem>> -> memref<1x32xf32, #tpu.memory_space<vmem>>
    %dma_start3A_1370 = arith.constant 0 : i32
    %dma_start3A_1371 = tpu.memref_slice %arg3[%squeeze3A_1366, %dma_start3A_1370] : memref<1000001x32xf32, #tpu.memory_space<hbm>> -> memref<1x32xf32, #tpu.memory_space<hbm>>
    %dma_start3A_1372 = arith.constant 112 : i32
    %dma_start3A_1373 = arith.constant 0 : i32
    %dma_start3A_1374 = tpu.memref_slice %arg6[%dma_start3A_1372, %dma_start3A_1373] : memref<512x32xf32, #tpu.memory_space<vmem>> -> memref<1x32xf32, #tpu.memory_space<vmem>>
    %dma_start3A_1375 = arith.constant 0 : i32
    %dma_start3A_1376 = tpu.memref_slice %arg3[%squeeze3A_1366, %dma_start3A_1375] : memref<1000001x32xf32, #tpu.memory_space<hbm>> -> memref<1x32xf32, #tpu.memory_space<hbm>>
    tpu.enqueue_dma source(%dma_start3A_1376 : memref<1x32xf32, #tpu.memory_space<hbm>>) target(%dma_start3A_1374 : memref<1x32xf32, #tpu.memory_space<vmem>>) target_semaphore(%arg7 : memref<!tpu.dma_semaphore, #tpu.memory_space<semaphore_mem>>)
    %slice3A_1377 = vector.extract_strided_slice %get3A_1364 {offsets = [1], sizes = [1], strides = [1]} : vector<16xi32> to vector<1xi32>
    %squeeze3A_1378 = vector.extract %slice3A_1377[0] : i32 from vector<1xi32>
    %dma_start3A_1379 = arith.constant 113 : i32
    %dma_start3A_1380 = arith.constant 0 : i32
    %dma_start3A_1381 = tpu.memref_slice %arg6[%dma_start3A_1379, %dma_start3A_1380] : memref<512x32xf32, #tpu.memory_space<vmem>> -> memref<1x32xf32, #tpu.memory_space<vmem>>
    %dma_start3A_1382 = arith.constant 0 : i32
    %dma_start3A_1383 = tpu.memref_slice %arg3[%squeeze3A_1378, %dma_start3A_1382] : memref<1000001x32xf32, #tpu.memory_space<hbm>> -> memref<1x32xf32, #tpu.memory_space<hbm>>
    %dma_start3A_1384 = arith.constant 113 : i32
    %dma_start3A_1385 = arith.constant 0 : i32
    %dma_start3A_1386 = tpu.memref_slice %arg6[%dma_start3A_1384, %dma_start3A_1385] : memref<512x32xf32, #tpu.memory_space<vmem>> -> memref<1x32xf32, #tpu.memory_space<vmem>>
    %dma_start3A_1387 = arith.constant 0 : i32
    %dma_start3A_1388 = tpu.memref_slice %arg3[%squeeze3A_1378, %dma_start3A_1387] : memref<1000001x32xf32, #tpu.memory_space<hbm>> -> memref<1x32xf32, #tpu.memory_space<hbm>>
    tpu.enqueue_dma source(%dma_start3A_1388 : memref<1x32xf32, #tpu.memory_space<hbm>>) target(%dma_start3A_1386 : memref<1x32xf32, #tpu.memory_space<vmem>>) target_semaphore(%arg7 : memref<!tpu.dma_semaphore, #tpu.memory_space<semaphore_mem>>)
    %slice3A_1389 = vector.extract_strided_slice %get3A_1364 {offsets = [2], sizes = [1], strides = [1]} : vector<16xi32> to vector<1xi32>
    %squeeze3A_1390 = vector.extract %slice3A_1389[0] : i32 from vector<1xi32>
    %dma_start3A_1391 = arith.constant 114 : i32
    %dma_start3A_1392 = arith.constant 0 : i32
    %dma_start3A_1393 = tpu.memref_slice %arg6[%dma_start3A_1391, %dma_start3A_1392] : memref<512x32xf32, #tpu.memory_space<vmem>> -> memref<1x32xf32, #tpu.memory_space<vmem>>
    %dma_start3A_1394 = arith.constant 0 : i32
    %dma_start3A_1395 = tpu.memref_slice %arg3[%squeeze3A_1390, %dma_start3A_1394] : memref<1000001x32xf32, #tpu.memory_space<hbm>> -> memref<1x32xf32, #tpu.memory_space<hbm>>
    %dma_start3A_1396 = arith.constant 114 : i32
    %dma_start3A_1397 = arith.constant 0 : i32
    %dma_start3A_1398 = tpu.memref_slice %arg6[%dma_start3A_1396, %dma_start3A_1397] : memref<512x32xf32, #tpu.memory_space<vmem>> -> memref<1x32xf32, #tpu.memory_space<vmem>>
    %dma_start3A_1399 = arith.constant 0 : i32
    %dma_start3A_1400 = tpu.memref_slice %arg3[%squeeze3A_1390, %dma_start3A_1399] : memref<1000001x32xf32, #tpu.memory_space<hbm>> -> memref<1x32xf32, #tpu.memory_space<hbm>>
    tpu.enqueue_dma source(%dma_start3A_1400 : memref<1x32xf32, #tpu.memory_space<hbm>>) target(%dma_start3A_1398 : memref<1x32xf32, #tpu.memory_space<vmem>>) target_semaphore(%arg7 : memref<!tpu.dma_semaphore, #tpu.memory_space<semaphore_mem>>)
    %slice3A_1401 = vector.extract_strided_slice %get3A_1364 {offsets = [3], sizes = [1], strides = [1]} : vector<16xi32> to vector<1xi32>
    %squeeze3A_1402 = vector.extract %slice3A_1401[0] : i32 from vector<1xi32>
    %dma_start3A_1403 = arith.constant 115 : i32
    %dma_start3A_1404 = arith.constant 0 : i32
    %dma_start3A_1405 = tpu.memref_slice %arg6[%dma_start3A_1403, %dma_start3A_1404] : memref<512x32xf32, #tpu.memory_space<vmem>> -> memref<1x32xf32, #tpu.memory_space<vmem>>
    %dma_start3A_1406 = arith.constant 0 : i32
    %dma_start3A_1407 = tpu.memref_slice %arg3[%squeeze3A_1402, %dma_start3A_1406] : memref<1000001x32xf32, #tpu.memory_space<hbm>> -> memref<1x32xf32, #tpu.memory_space<hbm>>
    %dma_start3A_1408 = arith.constant 115 : i32
    %dma_start3A_1409 = arith.constant 0 : i32
    %dma_start3A_1410 = tpu.memref_slice %arg6[%dma_start3A_1408, %dma_start3A_1409] : memref<512x32xf32, #tpu.memory_space<vmem>> -> memref<1x32xf32, #tpu.memory_space<vmem>>
    %dma_start3A_1411 = arith.constant 0 : i32
    %dma_start3A_1412 = tpu.memref_slice %arg3[%squeeze3A_1402, %dma_start3A_1411] : memref<1000001x32xf32, #tpu.memory_space<hbm>> -> memref<1x32xf32, #tpu.memory_space<hbm>>
    tpu.enqueue_dma source(%dma_start3A_1412 : memref<1x32xf32, #tpu.memory_space<hbm>>) target(%dma_start3A_1410 : memref<1x32xf32, #tpu.memory_space<vmem>>) target_semaphore(%arg7 : memref<!tpu.dma_semaphore, #tpu.memory_space<semaphore_mem>>)
    %slice3A_1413 = vector.extract_strided_slice %get3A_1364 {offsets = [4], sizes = [1], strides = [1]} : vector<16xi32> to vector<1xi32>
    %squeeze3A_1414 = vector.extract %slice3A_1413[0] : i32 from vector<1xi32>
    %dma_start3A_1415 = arith.constant 116 : i32
    %dma_start3A_1416 = arith.constant 0 : i32
    %dma_start3A_1417 = tpu.memref_slice %arg6[%dma_start3A_1415, %dma_start3A_1416] : memref<512x32xf32, #tpu.memory_space<vmem>> -> memref<1x32xf32, #tpu.memory_space<vmem>>
    %dma_start3A_1418 = arith.constant 0 : i32
    %dma_start3A_1419 = tpu.memref_slice %arg3[%squeeze3A_1414, %dma_start3A_1418] : memref<1000001x32xf32, #tpu.memory_space<hbm>> -> memref<1x32xf32, #tpu.memory_space<hbm>>
    %dma_start3A_1420 = arith.constant 116 : i32
    %dma_start3A_1421 = arith.constant 0 : i32
    %dma_start3A_1422 = tpu.memref_slice %arg6[%dma_start3A_1420, %dma_start3A_1421] : memref<512x32xf32, #tpu.memory_space<vmem>> -> memref<1x32xf32, #tpu.memory_space<vmem>>
    %dma_start3A_1423 = arith.constant 0 : i32
    %dma_start3A_1424 = tpu.memref_slice %arg3[%squeeze3A_1414, %dma_start3A_1423] : memref<1000001x32xf32, #tpu.memory_space<hbm>> -> memref<1x32xf32, #tpu.memory_space<hbm>>
    tpu.enqueue_dma source(%dma_start3A_1424 : memref<1x32xf32, #tpu.memory_space<hbm>>) target(%dma_start3A_1422 : memref<1x32xf32, #tpu.memory_space<vmem>>) target_semaphore(%arg7 : memref<!tpu.dma_semaphore, #tpu.memory_space<semaphore_mem>>)
    %slice3A_1425 = vector.extract_strided_slice %get3A_1364 {offsets = [5], sizes = [1], strides = [1]} : vector<16xi32> to vector<1xi32>
    %squeeze3A_1426 = vector.extract %slice3A_1425[0] : i32 from vector<1xi32>
    %dma_start3A_1427 = arith.constant 117 : i32
    %dma_start3A_1428 = arith.constant 0 : i32
    %dma_start3A_1429 = tpu.memref_slice %arg6[%dma_start3A_1427, %dma_start3A_1428] : memref<512x32xf32, #tpu.memory_space<vmem>> -> memref<1x32xf32, #tpu.memory_space<vmem>>
    %dma_start3A_1430 = arith.constant 0 : i32
    %dma_start3A_1431 = tpu.memref_slice %arg3[%squeeze3A_1426, %dma_start3A_1430] : memref<1000001x32xf32, #tpu.memory_space<hbm>> -> memref<1x32xf32, #tpu.memory_space<hbm>>
    %dma_start3A_1432 = arith.constant 117 : i32
    %dma_start3A_1433 = arith.constant 0 : i32
    %dma_start3A_1434 = tpu.memref_slice %arg6[%dma_start3A_1432, %dma_start3A_1433] : memref<512x32xf32, #tpu.memory_space<vmem>> -> memref<1x32xf32, #tpu.memory_space<vmem>>
    %dma_start3A_1435 = arith.constant 0 : i32
    %dma_start3A_1436 = tpu.memref_slice %arg3[%squeeze3A_1426, %dma_start3A_1435] : memref<1000001x32xf32, #tpu.memory_space<hbm>> -> memref<1x32xf32, #tpu.memory_space<hbm>>
    tpu.enqueue_dma source(%dma_start3A_1436 : memref<1x32xf32, #tpu.memory_space<hbm>>) target(%dma_start3A_1434 : memref<1x32xf32, #tpu.memory_space<vmem>>) target_semaphore(%arg7 : memref<!tpu.dma_semaphore, #tpu.memory_space<semaphore_mem>>)
    %slice3A_1437 = vector.extract_strided_slice %get3A_1364 {offsets = [6], sizes = [1], strides = [1]} : vector<16xi32> to vector<1xi32>
    %squeeze3A_1438 = vector.extract %slice3A_1437[0] : i32 from vector<1xi32>
    %dma_start3A_1439 = arith.constant 118 : i32
    %dma_start3A_1440 = arith.constant 0 : i32
    %dma_start3A_1441 = tpu.memref_slice %arg6[%dma_start3A_1439, %dma_start3A_1440] : memref<512x32xf32, #tpu.memory_space<vmem>> -> memref<1x32xf32, #tpu.memory_space<vmem>>
    %dma_start3A_1442 = arith.constant 0 : i32
    %dma_start3A_1443 = tpu.memref_slice %arg3[%squeeze3A_1438, %dma_start3A_1442] : memref<1000001x32xf32, #tpu.memory_space<hbm>> -> memref<1x32xf32, #tpu.memory_space<hbm>>
    %dma_start3A_1444 = arith.constant 118 : i32
    %dma_start3A_1445 = arith.constant 0 : i32
    %dma_start3A_1446 = tpu.memref_slice %arg6[%dma_start3A_1444, %dma_start3A_1445] : memref<512x32xf32, #tpu.memory_space<vmem>> -> memref<1x32xf32, #tpu.memory_space<vmem>>
    %dma_start3A_1447 = arith.constant 0 : i32
    %dma_start3A_1448 = tpu.memref_slice %arg3[%squeeze3A_1438, %dma_start3A_1447] : memref<1000001x32xf32, #tpu.memory_space<hbm>> -> memref<1x32xf32, #tpu.memory_space<hbm>>
    tpu.enqueue_dma source(%dma_start3A_1448 : memref<1x32xf32, #tpu.memory_space<hbm>>) target(%dma_start3A_1446 : memref<1x32xf32, #tpu.memory_space<vmem>>) target_semaphore(%arg7 : memref<!tpu.dma_semaphore, #tpu.memory_space<semaphore_mem>>)
    %slice3A_1449 = vector.extract_strided_slice %get3A_1364 {offsets = [7], sizes = [1], strides = [1]} : vector<16xi32> to vector<1xi32>
    %squeeze3A_1450 = vector.extract %slice3A_1449[0] : i32 from vector<1xi32>
    %dma_start3A_1451 = arith.constant 119 : i32
    %dma_start3A_1452 = arith.constant 0 : i32
    %dma_start3A_1453 = tpu.memref_slice %arg6[%dma_start3A_1451, %dma_start3A_1452] : memref<512x32xf32, #tpu.memory_space<vmem>> -> memref<1x32xf32, #tpu.memory_space<vmem>>
    %dma_start3A_1454 = arith.constant 0 : i32
    %dma_start3A_1455 = tpu.memref_slice %arg3[%squeeze3A_1450, %dma_start3A_1454] : memref<1000001x32xf32, #tpu.memory_space<hbm>> -> memref<1x32xf32, #tpu.memory_space<hbm>>
    %dma_start3A_1456 = arith.constant 119 : i32
    %dma_start3A_1457 = arith.constant 0 : i32
    %dma_start3A_1458 = tpu.memref_slice %arg6[%dma_start3A_1456, %dma_start3A_1457] : memref<512x32xf32, #tpu.memory_space<vmem>> -> memref<1x32xf32, #tpu.memory_space<vmem>>
    %dma_start3A_1459 = arith.constant 0 : i32
    %dma_start3A_1460 = tpu.memref_slice %arg3[%squeeze3A_1450, %dma_start3A_1459] : memref<1000001x32xf32, #tpu.memory_space<hbm>> -> memref<1x32xf32, #tpu.memory_space<hbm>>
    tpu.enqueue_dma source(%dma_start3A_1460 : memref<1x32xf32, #tpu.memory_space<hbm>>) target(%dma_start3A_1458 : memref<1x32xf32, #tpu.memory_space<vmem>>) target_semaphore(%arg7 : memref<!tpu.dma_semaphore, #tpu.memory_space<semaphore_mem>>)
    %slice3A_1461 = vector.extract_strided_slice %get3A_1364 {offsets = [8], sizes = [1], strides = [1]} : vector<16xi32> to vector<1xi32>
    %squeeze3A_1462 = vector.extract %slice3A_1461[0] : i32 from vector<1xi32>
    %dma_start3A_1463 = arith.constant 120 : i32
    %dma_start3A_1464 = arith.constant 0 : i32
    %dma_start3A_1465 = tpu.memref_slice %arg6[%dma_start3A_1463, %dma_start3A_1464] : memref<512x32xf32, #tpu.memory_space<vmem>> -> memref<1x32xf32, #tpu.memory_space<vmem>>
    %dma_start3A_1466 = arith.constant 0 : i32
    %dma_start3A_1467 = tpu.memref_slice %arg3[%squeeze3A_1462, %dma_start3A_1466] : memref<1000001x32xf32, #tpu.memory_space<hbm>> -> memref<1x32xf32, #tpu.memory_space<hbm>>
    %dma_start3A_1468 = arith.constant 120 : i32
    %dma_start3A_1469 = arith.constant 0 : i32
    %dma_start3A_1470 = tpu.memref_slice %arg6[%dma_start3A_1468, %dma_start3A_1469] : memref<512x32xf32, #tpu.memory_space<vmem>> -> memref<1x32xf32, #tpu.memory_space<vmem>>
    %dma_start3A_1471 = arith.constant 0 : i32
    %dma_start3A_1472 = tpu.memref_slice %arg3[%squeeze3A_1462, %dma_start3A_1471] : memref<1000001x32xf32, #tpu.memory_space<hbm>> -> memref<1x32xf32, #tpu.memory_space<hbm>>
    tpu.enqueue_dma source(%dma_start3A_1472 : memref<1x32xf32, #tpu.memory_space<hbm>>) target(%dma_start3A_1470 : memref<1x32xf32, #tpu.memory_space<vmem>>) target_semaphore(%arg7 : memref<!tpu.dma_semaphore, #tpu.memory_space<semaphore_mem>>)
    %slice3A_1473 = vector.extract_strided_slice %get3A_1364 {offsets = [9], sizes = [1], strides = [1]} : vector<16xi32> to vector<1xi32>
    %squeeze3A_1474 = vector.extract %slice3A_1473[0] : i32 from vector<1xi32>
    %dma_start3A_1475 = arith.constant 121 : i32
    %dma_start3A_1476 = arith.constant 0 : i32
    %dma_start3A_1477 = tpu.memref_slice %arg6[%dma_start3A_1475, %dma_start3A_1476] : memref<512x32xf32, #tpu.memory_space<vmem>> -> memref<1x32xf32, #tpu.memory_space<vmem>>
    %dma_start3A_1478 = arith.constant 0 : i32
    %dma_start3A_1479 = tpu.memref_slice %arg3[%squeeze3A_1474, %dma_start3A_1478] : memref<1000001x32xf32, #tpu.memory_space<hbm>> -> memref<1x32xf32, #tpu.memory_space<hbm>>
    %dma_start3A_1480 = arith.constant 121 : i32
    %dma_start3A_1481 = arith.constant 0 : i32
    %dma_start3A_1482 = tpu.memref_slice %arg6[%dma_start3A_1480, %dma_start3A_1481] : memref<512x32xf32, #tpu.memory_space<vmem>> -> memref<1x32xf32, #tpu.memory_space<vmem>>
    %dma_start3A_1483 = arith.constant 0 : i32
    %dma_start3A_1484 = tpu.memref_slice %arg3[%squeeze3A_1474, %dma_start3A_1483] : memref<1000001x32xf32, #tpu.memory_space<hbm>> -> memref<1x32xf32, #tpu.memory_space<hbm>>
    tpu.enqueue_dma source(%dma_start3A_1484 : memref<1x32xf32, #tpu.memory_space<hbm>>) target(%dma_start3A_1482 : memref<1x32xf32, #tpu.memory_space<vmem>>) target_semaphore(%arg7 : memref<!tpu.dma_semaphore, #tpu.memory_space<semaphore_mem>>)
    %slice3A_1485 = vector.extract_strided_slice %get3A_1364 {offsets = [10], sizes = [1], strides = [1]} : vector<16xi32> to vector<1xi32>
    %squeeze3A_1486 = vector.extract %slice3A_1485[0] : i32 from vector<1xi32>
    %dma_start3A_1487 = arith.constant 122 : i32
    %dma_start3A_1488 = arith.constant 0 : i32
    %dma_start3A_1489 = tpu.memref_slice %arg6[%dma_start3A_1487, %dma_start3A_1488] : memref<512x32xf32, #tpu.memory_space<vmem>> -> memref<1x32xf32, #tpu.memory_space<vmem>>
    %dma_start3A_1490 = arith.constant 0 : i32
    %dma_start3A_1491 = tpu.memref_slice %arg3[%squeeze3A_1486, %dma_start3A_1490] : memref<1000001x32xf32, #tpu.memory_space<hbm>> -> memref<1x32xf32, #tpu.memory_space<hbm>>
    %dma_start3A_1492 = arith.constant 122 : i32
    %dma_start3A_1493 = arith.constant 0 : i32
    %dma_start3A_1494 = tpu.memref_slice %arg6[%dma_start3A_1492, %dma_start3A_1493] : memref<512x32xf32, #tpu.memory_space<vmem>> -> memref<1x32xf32, #tpu.memory_space<vmem>>
    %dma_start3A_1495 = arith.constant 0 : i32
    %dma_start3A_1496 = tpu.memref_slice %arg3[%squeeze3A_1486, %dma_start3A_1495] : memref<1000001x32xf32, #tpu.memory_space<hbm>> -> memref<1x32xf32, #tpu.memory_space<hbm>>
    tpu.enqueue_dma source(%dma_start3A_1496 : memref<1x32xf32, #tpu.memory_space<hbm>>) target(%dma_start3A_1494 : memref<1x32xf32, #tpu.memory_space<vmem>>) target_semaphore(%arg7 : memref<!tpu.dma_semaphore, #tpu.memory_space<semaphore_mem>>)
    %slice3A_1497 = vector.extract_strided_slice %get3A_1364 {offsets = [11], sizes = [1], strides = [1]} : vector<16xi32> to vector<1xi32>
    %squeeze3A_1498 = vector.extract %slice3A_1497[0] : i32 from vector<1xi32>
    %dma_start3A_1499 = arith.constant 123 : i32
    %dma_start3A_1500 = arith.constant 0 : i32
    %dma_start3A_1501 = tpu.memref_slice %arg6[%dma_start3A_1499, %dma_start3A_1500] : memref<512x32xf32, #tpu.memory_space<vmem>> -> memref<1x32xf32, #tpu.memory_space<vmem>>
    %dma_start3A_1502 = arith.constant 0 : i32
    %dma_start3A_1503 = tpu.memref_slice %arg3[%squeeze3A_1498, %dma_start3A_1502] : memref<1000001x32xf32, #tpu.memory_space<hbm>> -> memref<1x32xf32, #tpu.memory_space<hbm>>
    %dma_start3A_1504 = arith.constant 123 : i32
    %dma_start3A_1505 = arith.constant 0 : i32
    %dma_start3A_1506 = tpu.memref_slice %arg6[%dma_start3A_1504, %dma_start3A_1505] : memref<512x32xf32, #tpu.memory_space<vmem>> -> memref<1x32xf32, #tpu.memory_space<vmem>>
    %dma_start3A_1507 = arith.constant 0 : i32
    %dma_start3A_1508 = tpu.memref_slice %arg3[%squeeze3A_1498, %dma_start3A_1507] : memref<1000001x32xf32, #tpu.memory_space<hbm>> -> memref<1x32xf32, #tpu.memory_space<hbm>>
    tpu.enqueue_dma source(%dma_start3A_1508 : memref<1x32xf32, #tpu.memory_space<hbm>>) target(%dma_start3A_1506 : memref<1x32xf32, #tpu.memory_space<vmem>>) target_semaphore(%arg7 : memref<!tpu.dma_semaphore, #tpu.memory_space<semaphore_mem>>)
    %slice3A_1509 = vector.extract_strided_slice %get3A_1364 {offsets = [12], sizes = [1], strides = [1]} : vector<16xi32> to vector<1xi32>
    %squeeze3A_1510 = vector.extract %slice3A_1509[0] : i32 from vector<1xi32>
    %dma_start3A_1511 = arith.constant 124 : i32
    %dma_start3A_1512 = arith.constant 0 : i32
    %dma_start3A_1513 = tpu.memref_slice %arg6[%dma_start3A_1511, %dma_start3A_1512] : memref<512x32xf32, #tpu.memory_space<vmem>> -> memref<1x32xf32, #tpu.memory_space<vmem>>
    %dma_start3A_1514 = arith.constant 0 : i32
    %dma_start3A_1515 = tpu.memref_slice %arg3[%squeeze3A_1510, %dma_start3A_1514] : memref<1000001x32xf32, #tpu.memory_space<hbm>> -> memref<1x32xf32, #tpu.memory_space<hbm>>
    %dma_start3A_1516 = arith.constant 124 : i32
    %dma_start3A_1517 = arith.constant 0 : i32
    %dma_start3A_1518 = tpu.memref_slice %arg6[%dma_start3A_1516, %dma_start3A_1517] : memref<512x32xf32, #tpu.memory_space<vmem>> -> memref<1x32xf32, #tpu.memory_space<vmem>>
    %dma_start3A_1519 = arith.constant 0 : i32
    %dma_start3A_1520 = tpu.memref_slice %arg3[%squeeze3A_1510, %dma_start3A_1519] : memref<1000001x32xf32, #tpu.memory_space<hbm>> -> memref<1x32xf32, #tpu.memory_space<hbm>>
    tpu.enqueue_dma source(%dma_start3A_1520 : memref<1x32xf32, #tpu.memory_space<hbm>>) target(%dma_start3A_1518 : memref<1x32xf32, #tpu.memory_space<vmem>>) target_semaphore(%arg7 : memref<!tpu.dma_semaphore, #tpu.memory_space<semaphore_mem>>)
    %slice3A_1521 = vector.extract_strided_slice %get3A_1364 {offsets = [13], sizes = [1], strides = [1]} : vector<16xi32> to vector<1xi32>
    %squeeze3A_1522 = vector.extract %slice3A_1521[0] : i32 from vector<1xi32>
    %dma_start3A_1523 = arith.constant 125 : i32
    %dma_start3A_1524 = arith.constant 0 : i32
    %dma_start3A_1525 = tpu.memref_slice %arg6[%dma_start3A_1523, %dma_start3A_1524] : memref<512x32xf32, #tpu.memory_space<vmem>> -> memref<1x32xf32, #tpu.memory_space<vmem>>
    %dma_start3A_1526 = arith.constant 0 : i32
    %dma_start3A_1527 = tpu.memref_slice %arg3[%squeeze3A_1522, %dma_start3A_1526] : memref<1000001x32xf32, #tpu.memory_space<hbm>> -> memref<1x32xf32, #tpu.memory_space<hbm>>
    %dma_start3A_1528 = arith.constant 125 : i32
    %dma_start3A_1529 = arith.constant 0 : i32
    %dma_start3A_1530 = tpu.memref_slice %arg6[%dma_start3A_1528, %dma_start3A_1529] : memref<512x32xf32, #tpu.memory_space<vmem>> -> memref<1x32xf32, #tpu.memory_space<vmem>>
    %dma_start3A_1531 = arith.constant 0 : i32
    %dma_start3A_1532 = tpu.memref_slice %arg3[%squeeze3A_1522, %dma_start3A_1531] : memref<1000001x32xf32, #tpu.memory_space<hbm>> -> memref<1x32xf32, #tpu.memory_space<hbm>>
    tpu.enqueue_dma source(%dma_start3A_1532 : memref<1x32xf32, #tpu.memory_space<hbm>>) target(%dma_start3A_1530 : memref<1x32xf32, #tpu.memory_space<vmem>>) target_semaphore(%arg7 : memref<!tpu.dma_semaphore, #tpu.memory_space<semaphore_mem>>)
    %slice3A_1533 = vector.extract_strided_slice %get3A_1364 {offsets = [14], sizes = [1], strides = [1]} : vector<16xi32> to vector<1xi32>
    %squeeze3A_1534 = vector.extract %slice3A_1533[0] : i32 from vector<1xi32>
    %dma_start3A_1535 = arith.constant 126 : i32
    %dma_start3A_1536 = arith.constant 0 : i32
    %dma_start3A_1537 = tpu.memref_slice %arg6[%dma_start3A_1535, %dma_start3A_1536] : memref<512x32xf32, #tpu.memory_space<vmem>> -> memref<1x32xf32, #tpu.memory_space<vmem>>
    %dma_start3A_1538 = arith.constant 0 : i32
    %dma_start3A_1539 = tpu.memref_slice %arg3[%squeeze3A_1534, %dma_start3A_1538] : memref<1000001x32xf32, #tpu.memory_space<hbm>> -> memref<1x32xf32, #tpu.memory_space<hbm>>
    %dma_start3A_1540 = arith.constant 126 : i32
    %dma_start3A_1541 = arith.constant 0 : i32
    %dma_start3A_1542 = tpu.memref_slice %arg6[%dma_start3A_1540, %dma_start3A_1541] : memref<512x32xf32, #tpu.memory_space<vmem>> -> memref<1x32xf32, #tpu.memory_space<vmem>>
    %dma_start3A_1543 = arith.constant 0 : i32
    %dma_start3A_1544 = tpu.memref_slice %arg3[%squeeze3A_1534, %dma_start3A_1543] : memref<1000001x32xf32, #tpu.memory_space<hbm>> -> memref<1x32xf32, #tpu.memory_space<hbm>>
    tpu.enqueue_dma source(%dma_start3A_1544 : memref<1x32xf32, #tpu.memory_space<hbm>>) target(%dma_start3A_1542 : memref<1x32xf32, #tpu.memory_space<vmem>>) target_semaphore(%arg7 : memref<!tpu.dma_semaphore, #tpu.memory_space<semaphore_mem>>)
    %slice3A_1545 = vector.extract_strided_slice %get3A_1364 {offsets = [15], sizes = [1], strides = [1]} : vector<16xi32> to vector<1xi32>
    %squeeze3A_1546 = vector.extract %slice3A_1545[0] : i32 from vector<1xi32>
    %dma_start3A_1547 = arith.constant 127 : i32
    %dma_start3A_1548 = arith.constant 0 : i32
    %dma_start3A_1549 = tpu.memref_slice %arg6[%dma_start3A_1547, %dma_start3A_1548] : memref<512x32xf32, #tpu.memory_space<vmem>> -> memref<1x32xf32, #tpu.memory_space<vmem>>
    %dma_start3A_1550 = arith.constant 0 : i32
    %dma_start3A_1551 = tpu.memref_slice %arg3[%squeeze3A_1546, %dma_start3A_1550] : memref<1000001x32xf32, #tpu.memory_space<hbm>> -> memref<1x32xf32, #tpu.memory_space<hbm>>
    %dma_start3A_1552 = arith.constant 127 : i32
    %dma_start3A_1553 = arith.constant 0 : i32
    %dma_start3A_1554 = tpu.memref_slice %arg6[%dma_start3A_1552, %dma_start3A_1553] : memref<512x32xf32, #tpu.memory_space<vmem>> -> memref<1x32xf32, #tpu.memory_space<vmem>>
    %dma_start3A_1555 = arith.constant 0 : i32
    %dma_start3A_1556 = tpu.memref_slice %arg3[%squeeze3A_1546, %dma_start3A_1555] : memref<1000001x32xf32, #tpu.memory_space<hbm>> -> memref<1x32xf32, #tpu.memory_space<hbm>>
    tpu.enqueue_dma source(%dma_start3A_1556 : memref<1x32xf32, #tpu.memory_space<hbm>>) target(%dma_start3A_1554 : memref<1x32xf32, #tpu.memory_space<vmem>>) target_semaphore(%arg7 : memref<!tpu.dma_semaphore, #tpu.memory_space<semaphore_mem>>)
    %scan3A = arith.constant 0 : i32
    %scan3A_1557 = arith.constant 24 : i32
    %scan3A_1558 = arith.addi %scan3A, %scan3A_1557 : i32
    %scan3A_1559 = arith.constant 1 : i32
    scf.for %scan3A_1656 = %scan3A to %scan3A_1558 step %scan3A_1559  : i32 {
      %mul3A_1657 = arith.constant 1 : i32
      %mul3A_1658 = arith.muli %scan3A_1656, %mul3A_1657 : i32
      %add3A_1659 = arith.constant 0 : i32
      %add3A_1660 = arith.addi %add3A_1659, %mul3A_1658 : i32
      %add3A_1661 = arith.constant 8 : i32
      %add3A_1662 = arith.addi %add3A_1660, %add3A_1661 : i32
      %mul3A_1663 = arith.constant 16 : i32
      %mul3A_1664 = arith.muli %add3A_1662, %mul3A_1663 : i32
      %get3A_1665 = arith.index_cast %mul3A_1664 : i32 to index
      %get3A_1666 = tpu.vector_load %arg5[%get3A_1665] {strides = array<i32>} : memref<512xi32, #tpu.memory_space<vmem>>, vector<16xi32>,
      %get3A_1667 = vector.shape_cast %get3A_1666 : vector<16xi32> to vector<16xi32>
      %slice3A_1668 = vector.extract_strided_slice %get3A_1667 {offsets = [0], sizes = [1], strides = [1]} : vector<16xi32> to vector<1xi32>
      %squeeze3A_1669 = vector.extract %slice3A_1668[0] : i32 from vector<1xi32>
      %add3A_1670 = arith.constant 0 : i32
      %add3A_1671 = arith.addi %mul3A_1664, %add3A_1670 : i32
      %dma_start3A_1672 = arith.constant 0 : i32
      %dma_start3A_1673 = tpu.memref_slice %arg6[%add3A_1671, %dma_start3A_1672] : memref<512x32xf32, #tpu.memory_space<vmem>> -> memref<1x32xf32, #tpu.memory_space<vmem>>
      %dma_start3A_1674 = arith.constant 0 : i32
      %dma_start3A_1675 = tpu.memref_slice %arg3[%squeeze3A_1669, %dma_start3A_1674] : memref<1000001x32xf32, #tpu.memory_space<hbm>> -> memref<1x32xf32, #tpu.memory_space<hbm>>
      %dma_start3A_1676 = arith.constant 0 : i32
      %dma_start3A_1677 = tpu.memref_slice %arg6[%add3A_1671, %dma_start3A_1676] : memref<512x32xf32, #tpu.memory_space<vmem>> -> memref<1x32xf32, #tpu.memory_space<vmem>>
      %dma_start3A_1678 = arith.constant 0 : i32
      %dma_start3A_1679 = tpu.memref_slice %arg3[%squeeze3A_1669, %dma_start3A_1678] : memref<1000001x32xf32, #tpu.memory_space<hbm>> -> memref<1x32xf32, #tpu.memory_space<hbm>>
      tpu.enqueue_dma source(%dma_start3A_1679 : memref<1x32xf32, #tpu.memory_space<hbm>>) target(%dma_start3A_1677 : memref<1x32xf32, #tpu.memory_space<vmem>>) target_semaphore(%arg7 : memref<!tpu.dma_semaphore, #tpu.memory_space<semaphore_mem>>)
      %slice3A_1680 = vector.extract_strided_slice %get3A_1667 {offsets = [1], sizes = [1], strides = [1]} : vector<16xi32> to vector<1xi32>
      %squeeze3A_1681 = vector.extract %slice3A_1680[0] : i32 from vector<1xi32>
      %add3A_1682 = arith.constant 1 : i32
      %add3A_1683 = arith.addi %mul3A_1664, %add3A_1682 : i32
      %dma_start3A_1684 = arith.constant 0 : i32
      %dma_start3A_1685 = tpu.memref_slice %arg6[%add3A_1683, %dma_start3A_1684] : memref<512x32xf32, #tpu.memory_space<vmem>> -> memref<1x32xf32, #tpu.memory_space<vmem>>
      %dma_start3A_1686 = arith.constant 0 : i32
      %dma_start3A_1687 = tpu.memref_slice %arg3[%squeeze3A_1681, %dma_start3A_1686] : memref<1000001x32xf32, #tpu.memory_space<hbm>> -> memref<1x32xf32, #tpu.memory_space<hbm>>
      %dma_start3A_1688 = arith.constant 0 : i32
      %dma_start3A_1689 = tpu.memref_slice %arg6[%add3A_1683, %dma_start3A_1688] : memref<512x32xf32, #tpu.memory_space<vmem>> -> memref<1x32xf32, #tpu.memory_space<vmem>>
      %dma_start3A_1690 = arith.constant 0 : i32
      %dma_start3A_1691 = tpu.memref_slice %arg3[%squeeze3A_1681, %dma_start3A_1690] : memref<1000001x32xf32, #tpu.memory_space<hbm>> -> memref<1x32xf32, #tpu.memory_space<hbm>>
      tpu.enqueue_dma source(%dma_start3A_1691 : memref<1x32xf32, #tpu.memory_space<hbm>>) target(%dma_start3A_1689 : memref<1x32xf32, #tpu.memory_space<vmem>>) target_semaphore(%arg7 : memref<!tpu.dma_semaphore, #tpu.memory_space<semaphore_mem>>)
      %slice3A_1692 = vector.extract_strided_slice %get3A_1667 {offsets = [2], sizes = [1], strides = [1]} : vector<16xi32> to vector<1xi32>
      %squeeze3A_1693 = vector.extract %slice3A_1692[0] : i32 from vector<1xi32>
      %add3A_1694 = arith.constant 2 : i32
      %add3A_1695 = arith.addi %mul3A_1664, %add3A_1694 : i32
      %dma_start3A_1696 = arith.constant 0 : i32
      %dma_start3A_1697 = tpu.memref_slice %arg6[%add3A_1695, %dma_start3A_1696] : memref<512x32xf32, #tpu.memory_space<vmem>> -> memref<1x32xf32, #tpu.memory_space<vmem>>
      %dma_start3A_1698 = arith.constant 0 : i32
      %dma_start3A_1699 = tpu.memref_slice %arg3[%squeeze3A_1693, %dma_start3A_1698] : memref<1000001x32xf32, #tpu.memory_space<hbm>> -> memref<1x32xf32, #tpu.memory_space<hbm>>
      %dma_start3A_1700 = arith.constant 0 : i32
      %dma_start3A_1701 = tpu.memref_slice %arg6[%add3A_1695, %dma_start3A_1700] : memref<512x32xf32, #tpu.memory_space<vmem>> -> memref<1x32xf32, #tpu.memory_space<vmem>>
      %dma_start3A_1702 = arith.constant 0 : i32
      %dma_start3A_1703 = tpu.memref_slice %arg3[%squeeze3A_1693, %dma_start3A_1702] : memref<1000001x32xf32, #tpu.memory_space<hbm>> -> memref<1x32xf32, #tpu.memory_space<hbm>>
      tpu.enqueue_dma source(%dma_start3A_1703 : memref<1x32xf32, #tpu.memory_space<hbm>>) target(%dma_start3A_1701 : memref<1x32xf32, #tpu.memory_space<vmem>>) target_semaphore(%arg7 : memref<!tpu.dma_semaphore, #tpu.memory_space<semaphore_mem>>)
      %slice3A_1704 = vector.extract_strided_slice %get3A_1667 {offsets = [3], sizes = [1], strides = [1]} : vector<16xi32> to vector<1xi32>
      %squeeze3A_1705 = vector.extract %slice3A_1704[0] : i32 from vector<1xi32>
      %add3A_1706 = arith.constant 3 : i32
      %add3A_1707 = arith.addi %mul3A_1664, %add3A_1706 : i32
      %dma_start3A_1708 = arith.constant 0 : i32
      %dma_start3A_1709 = tpu.memref_slice %arg6[%add3A_1707, %dma_start3A_1708] : memref<512x32xf32, #tpu.memory_space<vmem>> -> memref<1x32xf32, #tpu.memory_space<vmem>>
      %dma_start3A_1710 = arith.constant 0 : i32
      %dma_start3A_1711 = tpu.memref_slice %arg3[%squeeze3A_1705, %dma_start3A_1710] : memref<1000001x32xf32, #tpu.memory_space<hbm>> -> memref<1x32xf32, #tpu.memory_space<hbm>>
      %dma_start3A_1712 = arith.constant 0 : i32
      %dma_start3A_1713 = tpu.memref_slice %arg6[%add3A_1707, %dma_start3A_1712] : memref<512x32xf32, #tpu.memory_space<vmem>> -> memref<1x32xf32, #tpu.memory_space<vmem>>
      %dma_start3A_1714 = arith.constant 0 : i32
      %dma_start3A_1715 = tpu.memref_slice %arg3[%squeeze3A_1705, %dma_start3A_1714] : memref<1000001x32xf32, #tpu.memory_space<hbm>> -> memref<1x32xf32, #tpu.memory_space<hbm>>
      tpu.enqueue_dma source(%dma_start3A_1715 : memref<1x32xf32, #tpu.memory_space<hbm>>) target(%dma_start3A_1713 : memref<1x32xf32, #tpu.memory_space<vmem>>) target_semaphore(%arg7 : memref<!tpu.dma_semaphore, #tpu.memory_space<semaphore_mem>>)
      %slice3A_1716 = vector.extract_strided_slice %get3A_1667 {offsets = [4], sizes = [1], strides = [1]} : vector<16xi32> to vector<1xi32>
      %squeeze3A_1717 = vector.extract %slice3A_1716[0] : i32 from vector<1xi32>
      %add3A_1718 = arith.constant 4 : i32
      %add3A_1719 = arith.addi %mul3A_1664, %add3A_1718 : i32
      %dma_start3A_1720 = arith.constant 0 : i32
      %dma_start3A_1721 = tpu.memref_slice %arg6[%add3A_1719, %dma_start3A_1720] : memref<512x32xf32, #tpu.memory_space<vmem>> -> memref<1x32xf32, #tpu.memory_space<vmem>>
      %dma_start3A_1722 = arith.constant 0 : i32
      %dma_start3A_1723 = tpu.memref_slice %arg3[%squeeze3A_1717, %dma_start3A_1722] : memref<1000001x32xf32, #tpu.memory_space<hbm>> -> memref<1x32xf32, #tpu.memory_space<hbm>>
      %dma_start3A_1724 = arith.constant 0 : i32
      %dma_start3A_1725 = tpu.memref_slice %arg6[%add3A_1719, %dma_start3A_1724] : memref<512x32xf32, #tpu.memory_space<vmem>> -> memref<1x32xf32, #tpu.memory_space<vmem>>
      %dma_start3A_1726 = arith.constant 0 : i32
      %dma_start3A_1727 = tpu.memref_slice %arg3[%squeeze3A_1717, %dma_start3A_1726] : memref<1000001x32xf32, #tpu.memory_space<hbm>> -> memref<1x32xf32, #tpu.memory_space<hbm>>
      tpu.enqueue_dma source(%dma_start3A_1727 : memref<1x32xf32, #tpu.memory_space<hbm>>) target(%dma_start3A_1725 : memref<1x32xf32, #tpu.memory_space<vmem>>) target_semaphore(%arg7 : memref<!tpu.dma_semaphore, #tpu.memory_space<semaphore_mem>>)
      %slice3A_1728 = vector.extract_strided_slice %get3A_1667 {offsets = [5], sizes = [1], strides = [1]} : vector<16xi32> to vector<1xi32>
      %squeeze3A_1729 = vector.extract %slice3A_1728[0] : i32 from vector<1xi32>
      %add3A_1730 = arith.constant 5 : i32
      %add3A_1731 = arith.addi %mul3A_1664, %add3A_1730 : i32
      %dma_start3A_1732 = arith.constant 0 : i32
      %dma_start3A_1733 = tpu.memref_slice %arg6[%add3A_1731, %dma_start3A_1732] : memref<512x32xf32, #tpu.memory_space<vmem>> -> memref<1x32xf32, #tpu.memory_space<vmem>>
      %dma_start3A_1734 = arith.constant 0 : i32
      %dma_start3A_1735 = tpu.memref_slice %arg3[%squeeze3A_1729, %dma_start3A_1734] : memref<1000001x32xf32, #tpu.memory_space<hbm>> -> memref<1x32xf32, #tpu.memory_space<hbm>>
      %dma_start3A_1736 = arith.constant 0 : i32
      %dma_start3A_1737 = tpu.memref_slice %arg6[%add3A_1731, %dma_start3A_1736] : memref<512x32xf32, #tpu.memory_space<vmem>> -> memref<1x32xf32, #tpu.memory_space<vmem>>
      %dma_start3A_1738 = arith.constant 0 : i32
      %dma_start3A_1739 = tpu.memref_slice %arg3[%squeeze3A_1729, %dma_start3A_1738] : memref<1000001x32xf32, #tpu.memory_space<hbm>> -> memref<1x32xf32, #tpu.memory_space<hbm>>
      tpu.enqueue_dma source(%dma_start3A_1739 : memref<1x32xf32, #tpu.memory_space<hbm>>) target(%dma_start3A_1737 : memref<1x32xf32, #tpu.memory_space<vmem>>) target_semaphore(%arg7 : memref<!tpu.dma_semaphore, #tpu.memory_space<semaphore_mem>>)
      %slice3A_1740 = vector.extract_strided_slice %get3A_1667 {offsets = [6], sizes = [1], strides = [1]} : vector<16xi32> to vector<1xi32>
      %squeeze3A_1741 = vector.extract %slice3A_1740[0] : i32 from vector<1xi32>
      %add3A_1742 = arith.constant 6 : i32
      %add3A_1743 = arith.addi %mul3A_1664, %add3A_1742 : i32
      %dma_start3A_1744 = arith.constant 0 : i32
      %dma_start3A_1745 = tpu.memref_slice %arg6[%add3A_1743, %dma_start3A_1744] : memref<512x32xf32, #tpu.memory_space<vmem>> -> memref<1x32xf32, #tpu.memory_space<vmem>>
      %dma_start3A_1746 = arith.constant 0 : i32
      %dma_start3A_1747 = tpu.memref_slice %arg3[%squeeze3A_1741, %dma_start3A_1746] : memref<1000001x32xf32, #tpu.memory_space<hbm>> -> memref<1x32xf32, #tpu.memory_space<hbm>>
      %dma_start3A_1748 = arith.constant 0 : i32
      %dma_start3A_1749 = tpu.memref_slice %arg6[%add3A_1743, %dma_start3A_1748] : memref<512x32xf32, #tpu.memory_space<vmem>> -> memref<1x32xf32, #tpu.memory_space<vmem>>
      %dma_start3A_1750 = arith.constant 0 : i32
      %dma_start3A_1751 = tpu.memref_slice %arg3[%squeeze3A_1741, %dma_start3A_1750] : memref<1000001x32xf32, #tpu.memory_space<hbm>> -> memref<1x32xf32, #tpu.memory_space<hbm>>
      tpu.enqueue_dma source(%dma_start3A_1751 : memref<1x32xf32, #tpu.memory_space<hbm>>) target(%dma_start3A_1749 : memref<1x32xf32, #tpu.memory_space<vmem>>) target_semaphore(%arg7 : memref<!tpu.dma_semaphore, #tpu.memory_space<semaphore_mem>>)
      %slice3A_1752 = vector.extract_strided_slice %get3A_1667 {offsets = [7], sizes = [1], strides = [1]} : vector<16xi32> to vector<1xi32>
      %squeeze3A_1753 = vector.extract %slice3A_1752[0] : i32 from vector<1xi32>
      %add3A_1754 = arith.constant 7 : i32
      %add3A_1755 = arith.addi %mul3A_1664, %add3A_1754 : i32
      %dma_start3A_1756 = arith.constant 0 : i32
      %dma_start3A_1757 = tpu.memref_slice %arg6[%add3A_1755, %dma_start3A_1756] : memref<512x32xf32, #tpu.memory_space<vmem>> -> memref<1x32xf32, #tpu.memory_space<vmem>>
      %dma_start3A_1758 = arith.constant 0 : i32
      %dma_start3A_1759 = tpu.memref_slice %arg3[%squeeze3A_1753, %dma_start3A_1758] : memref<1000001x32xf32, #tpu.memory_space<hbm>> -> memref<1x32xf32, #tpu.memory_space<hbm>>
      %dma_start3A_1760 = arith.constant 0 : i32
      %dma_start3A_1761 = tpu.memref_slice %arg6[%add3A_1755, %dma_start3A_1760] : memref<512x32xf32, #tpu.memory_space<vmem>> -> memref<1x32xf32, #tpu.memory_space<vmem>>
      %dma_start3A_1762 = arith.constant 0 : i32
      %dma_start3A_1763 = tpu.memref_slice %arg3[%squeeze3A_1753, %dma_start3A_1762] : memref<1000001x32xf32, #tpu.memory_space<hbm>> -> memref<1x32xf32, #tpu.memory_space<hbm>>
      tpu.enqueue_dma source(%dma_start3A_1763 : memref<1x32xf32, #tpu.memory_space<hbm>>) target(%dma_start3A_1761 : memref<1x32xf32, #tpu.memory_space<vmem>>) target_semaphore(%arg7 : memref<!tpu.dma_semaphore, #tpu.memory_space<semaphore_mem>>)
      %slice3A_1764 = vector.extract_strided_slice %get3A_1667 {offsets = [8], sizes = [1], strides = [1]} : vector<16xi32> to vector<1xi32>
      %squeeze3A_1765 = vector.extract %slice3A_1764[0] : i32 from vector<1xi32>
      %add3A_1766 = arith.constant 8 : i32
      %add3A_1767 = arith.addi %mul3A_1664, %add3A_1766 : i32
      %dma_start3A_1768 = arith.constant 0 : i32
      %dma_start3A_1769 = tpu.memref_slice %arg6[%add3A_1767, %dma_start3A_1768] : memref<512x32xf32, #tpu.memory_space<vmem>> -> memref<1x32xf32, #tpu.memory_space<vmem>>
      %dma_start3A_1770 = arith.constant 0 : i32
      %dma_start3A_1771 = tpu.memref_slice %arg3[%squeeze3A_1765, %dma_start3A_1770] : memref<1000001x32xf32, #tpu.memory_space<hbm>> -> memref<1x32xf32, #tpu.memory_space<hbm>>
      %dma_start3A_1772 = arith.constant 0 : i32
      %dma_start3A_1773 = tpu.memref_slice %arg6[%add3A_1767, %dma_start3A_1772] : memref<512x32xf32, #tpu.memory_space<vmem>> -> memref<1x32xf32, #tpu.memory_space<vmem>>
      %dma_start3A_1774 = arith.constant 0 : i32
      %dma_start3A_1775 = tpu.memref_slice %arg3[%squeeze3A_1765, %dma_start3A_1774] : memref<1000001x32xf32, #tpu.memory_space<hbm>> -> memref<1x32xf32, #tpu.memory_space<hbm>>
      tpu.enqueue_dma source(%dma_start3A_1775 : memref<1x32xf32, #tpu.memory_space<hbm>>) target(%dma_start3A_1773 : memref<1x32xf32, #tpu.memory_space<vmem>>) target_semaphore(%arg7 : memref<!tpu.dma_semaphore, #tpu.memory_space<semaphore_mem>>)
      %slice3A_1776 = vector.extract_strided_slice %get3A_1667 {offsets = [9], sizes = [1], strides = [1]} : vector<16xi32> to vector<1xi32>
      %squeeze3A_1777 = vector.extract %slice3A_1776[0] : i32 from vector<1xi32>
      %add3A_1778 = arith.constant 9 : i32
      %add3A_1779 = arith.addi %mul3A_1664, %add3A_1778 : i32
      %dma_start3A_1780 = arith.constant 0 : i32
      %dma_start3A_1781 = tpu.memref_slice %arg6[%add3A_1779, %dma_start3A_1780] : memref<512x32xf32, #tpu.memory_space<vmem>> -> memref<1x32xf32, #tpu.memory_space<vmem>>
      %dma_start3A_1782 = arith.constant 0 : i32
      %dma_start3A_1783 = tpu.memref_slice %arg3[%squeeze3A_1777, %dma_start3A_1782] : memref<1000001x32xf32, #tpu.memory_space<hbm>> -> memref<1x32xf32, #tpu.memory_space<hbm>>
      %dma_start3A_1784 = arith.constant 0 : i32
      %dma_start3A_1785 = tpu.memref_slice %arg6[%add3A_1779, %dma_start3A_1784] : memref<512x32xf32, #tpu.memory_space<vmem>> -> memref<1x32xf32, #tpu.memory_space<vmem>>
      %dma_start3A_1786 = arith.constant 0 : i32
      %dma_start3A_1787 = tpu.memref_slice %arg3[%squeeze3A_1777, %dma_start3A_1786] : memref<1000001x32xf32, #tpu.memory_space<hbm>> -> memref<1x32xf32, #tpu.memory_space<hbm>>
      tpu.enqueue_dma source(%dma_start3A_1787 : memref<1x32xf32, #tpu.memory_space<hbm>>) target(%dma_start3A_1785 : memref<1x32xf32, #tpu.memory_space<vmem>>) target_semaphore(%arg7 : memref<!tpu.dma_semaphore, #tpu.memory_space<semaphore_mem>>)
      %slice3A_1788 = vector.extract_strided_slice %get3A_1667 {offsets = [10], sizes = [1], strides = [1]} : vector<16xi32> to vector<1xi32>
      %squeeze3A_1789 = vector.extract %slice3A_1788[0] : i32 from vector<1xi32>
      %add3A_1790 = arith.constant 10 : i32
      %add3A_1791 = arith.addi %mul3A_1664, %add3A_1790 : i32
      %dma_start3A_1792 = arith.constant 0 : i32
      %dma_start3A_1793 = tpu.memref_slice %arg6[%add3A_1791, %dma_start3A_1792] : memref<512x32xf32, #tpu.memory_space<vmem>> -> memref<1x32xf32, #tpu.memory_space<vmem>>
      %dma_start3A_1794 = arith.constant 0 : i32
      %dma_start3A_1795 = tpu.memref_slice %arg3[%squeeze3A_1789, %dma_start3A_1794] : memref<1000001x32xf32, #tpu.memory_space<hbm>> -> memref<1x32xf32, #tpu.memory_space<hbm>>
      %dma_start3A_1796 = arith.constant 0 : i32
      %dma_start3A_1797 = tpu.memref_slice %arg6[%add3A_1791, %dma_start3A_1796] : memref<512x32xf32, #tpu.memory_space<vmem>> -> memref<1x32xf32, #tpu.memory_space<vmem>>
      %dma_start3A_1798 = arith.constant 0 : i32
      %dma_start3A_1799 = tpu.memref_slice %arg3[%squeeze3A_1789, %dma_start3A_1798] : memref<1000001x32xf32, #tpu.memory_space<hbm>> -> memref<1x32xf32, #tpu.memory_space<hbm>>
      tpu.enqueue_dma source(%dma_start3A_1799 : memref<1x32xf32, #tpu.memory_space<hbm>>) target(%dma_start3A_1797 : memref<1x32xf32, #tpu.memory_space<vmem>>) target_semaphore(%arg7 : memref<!tpu.dma_semaphore, #tpu.memory_space<semaphore_mem>>)
      %slice3A_1800 = vector.extract_strided_slice %get3A_1667 {offsets = [11], sizes = [1], strides = [1]} : vector<16xi32> to vector<1xi32>
      %squeeze3A_1801 = vector.extract %slice3A_1800[0] : i32 from vector<1xi32>
      %add3A_1802 = arith.constant 11 : i32
      %add3A_1803 = arith.addi %mul3A_1664, %add3A_1802 : i32
      %dma_start3A_1804 = arith.constant 0 : i32
      %dma_start3A_1805 = tpu.memref_slice %arg6[%add3A_1803, %dma_start3A_1804] : memref<512x32xf32, #tpu.memory_space<vmem>> -> memref<1x32xf32, #tpu.memory_space<vmem>>
      %dma_start3A_1806 = arith.constant 0 : i32
      %dma_start3A_1807 = tpu.memref_slice %arg3[%squeeze3A_1801, %dma_start3A_1806] : memref<1000001x32xf32, #tpu.memory_space<hbm>> -> memref<1x32xf32, #tpu.memory_space<hbm>>
      %dma_start3A_1808 = arith.constant 0 : i32
      %dma_start3A_1809 = tpu.memref_slice %arg6[%add3A_1803, %dma_start3A_1808] : memref<512x32xf32, #tpu.memory_space<vmem>> -> memref<1x32xf32, #tpu.memory_space<vmem>>
      %dma_start3A_1810 = arith.constant 0 : i32
      %dma_start3A_1811 = tpu.memref_slice %arg3[%squeeze3A_1801, %dma_start3A_1810] : memref<1000001x32xf32, #tpu.memory_space<hbm>> -> memref<1x32xf32, #tpu.memory_space<hbm>>
      tpu.enqueue_dma source(%dma_start3A_1811 : memref<1x32xf32, #tpu.memory_space<hbm>>) target(%dma_start3A_1809 : memref<1x32xf32, #tpu.memory_space<vmem>>) target_semaphore(%arg7 : memref<!tpu.dma_semaphore, #tpu.memory_space<semaphore_mem>>)
      %slice3A_1812 = vector.extract_strided_slice %get3A_1667 {offsets = [12], sizes = [1], strides = [1]} : vector<16xi32> to vector<1xi32>
      %squeeze3A_1813 = vector.extract %slice3A_1812[0] : i32 from vector<1xi32>
      %add3A_1814 = arith.constant 12 : i32
      %add3A_1815 = arith.addi %mul3A_1664, %add3A_1814 : i32
      %dma_start3A_1816 = arith.constant 0 : i32
      %dma_start3A_1817 = tpu.memref_slice %arg6[%add3A_1815, %dma_start3A_1816] : memref<512x32xf32, #tpu.memory_space<vmem>> -> memref<1x32xf32, #tpu.memory_space<vmem>>
      %dma_start3A_1818 = arith.constant 0 : i32
      %dma_start3A_1819 = tpu.memref_slice %arg3[%squeeze3A_1813, %dma_start3A_1818] : memref<1000001x32xf32, #tpu.memory_space<hbm>> -> memref<1x32xf32, #tpu.memory_space<hbm>>
      %dma_start3A_1820 = arith.constant 0 : i32
      %dma_start3A_1821 = tpu.memref_slice %arg6[%add3A_1815, %dma_start3A_1820] : memref<512x32xf32, #tpu.memory_space<vmem>> -> memref<1x32xf32, #tpu.memory_space<vmem>>
      %dma_start3A_1822 = arith.constant 0 : i32
      %dma_start3A_1823 = tpu.memref_slice %arg3[%squeeze3A_1813, %dma_start3A_1822] : memref<1000001x32xf32, #tpu.memory_space<hbm>> -> memref<1x32xf32, #tpu.memory_space<hbm>>
      tpu.enqueue_dma source(%dma_start3A_1823 : memref<1x32xf32, #tpu.memory_space<hbm>>) target(%dma_start3A_1821 : memref<1x32xf32, #tpu.memory_space<vmem>>) target_semaphore(%arg7 : memref<!tpu.dma_semaphore, #tpu.memory_space<semaphore_mem>>)
      %slice3A_1824 = vector.extract_strided_slice %get3A_1667 {offsets = [13], sizes = [1], strides = [1]} : vector<16xi32> to vector<1xi32>
      %squeeze3A_1825 = vector.extract %slice3A_1824[0] : i32 from vector<1xi32>
      %add3A_1826 = arith.constant 13 : i32
      %add3A_1827 = arith.addi %mul3A_1664, %add3A_1826 : i32
      %dma_start3A_1828 = arith.constant 0 : i32
      %dma_start3A_1829 = tpu.memref_slice %arg6[%add3A_1827, %dma_start3A_1828] : memref<512x32xf32, #tpu.memory_space<vmem>> -> memref<1x32xf32, #tpu.memory_space<vmem>>
      %dma_start3A_1830 = arith.constant 0 : i32
      %dma_start3A_1831 = tpu.memref_slice %arg3[%squeeze3A_1825, %dma_start3A_1830] : memref<1000001x32xf32, #tpu.memory_space<hbm>> -> memref<1x32xf32, #tpu.memory_space<hbm>>
      %dma_start3A_1832 = arith.constant 0 : i32
      %dma_start3A_1833 = tpu.memref_slice %arg6[%add3A_1827, %dma_start3A_1832] : memref<512x32xf32, #tpu.memory_space<vmem>> -> memref<1x32xf32, #tpu.memory_space<vmem>>
      %dma_start3A_1834 = arith.constant 0 : i32
      %dma_start3A_1835 = tpu.memref_slice %arg3[%squeeze3A_1825, %dma_start3A_1834] : memref<1000001x32xf32, #tpu.memory_space<hbm>> -> memref<1x32xf32, #tpu.memory_space<hbm>>
      tpu.enqueue_dma source(%dma_start3A_1835 : memref<1x32xf32, #tpu.memory_space<hbm>>) target(%dma_start3A_1833 : memref<1x32xf32, #tpu.memory_space<vmem>>) target_semaphore(%arg7 : memref<!tpu.dma_semaphore, #tpu.memory_space<semaphore_mem>>)
      %slice3A_1836 = vector.extract_strided_slice %get3A_1667 {offsets = [14], sizes = [1], strides = [1]} : vector<16xi32> to vector<1xi32>
      %squeeze3A_1837 = vector.extract %slice3A_1836[0] : i32 from vector<1xi32>
      %add3A_1838 = arith.constant 14 : i32
      %add3A_1839 = arith.addi %mul3A_1664, %add3A_1838 : i32
      %dma_start3A_1840 = arith.constant 0 : i32
      %dma_start3A_1841 = tpu.memref_slice %arg6[%add3A_1839, %dma_start3A_1840] : memref<512x32xf32, #tpu.memory_space<vmem>> -> memref<1x32xf32, #tpu.memory_space<vmem>>
      %dma_start3A_1842 = arith.constant 0 : i32
      %dma_start3A_1843 = tpu.memref_slice %arg3[%squeeze3A_1837, %dma_start3A_1842] : memref<1000001x32xf32, #tpu.memory_space<hbm>> -> memref<1x32xf32, #tpu.memory_space<hbm>>
      %dma_start3A_1844 = arith.constant 0 : i32
      %dma_start3A_1845 = tpu.memref_slice %arg6[%add3A_1839, %dma_start3A_1844] : memref<512x32xf32, #tpu.memory_space<vmem>> -> memref<1x32xf32, #tpu.memory_space<vmem>>
      %dma_start3A_1846 = arith.constant 0 : i32
      %dma_start3A_1847 = tpu.memref_slice %arg3[%squeeze3A_1837, %dma_start3A_1846] : memref<1000001x32xf32, #tpu.memory_space<hbm>> -> memref<1x32xf32, #tpu.memory_space<hbm>>
      tpu.enqueue_dma source(%dma_start3A_1847 : memref<1x32xf32, #tpu.memory_space<hbm>>) target(%dma_start3A_1845 : memref<1x32xf32, #tpu.memory_space<vmem>>) target_semaphore(%arg7 : memref<!tpu.dma_semaphore, #tpu.memory_space<semaphore_mem>>)
      %slice3A_1848 = vector.extract_strided_slice %get3A_1667 {offsets = [15], sizes = [1], strides = [1]} : vector<16xi32> to vector<1xi32>
      %squeeze3A_1849 = vector.extract %slice3A_1848[0] : i32 from vector<1xi32>
      %add3A_1850 = arith.constant 15 : i32
      %add3A_1851 = arith.addi %mul3A_1664, %add3A_1850 : i32
      %dma_start3A_1852 = arith.constant 0 : i32
      %dma_start3A_1853 = tpu.memref_slice %arg6[%add3A_1851, %dma_start3A_1852] : memref<512x32xf32, #tpu.memory_space<vmem>> -> memref<1x32xf32, #tpu.memory_space<vmem>>
      %dma_start3A_1854 = arith.constant 0 : i32
      %dma_start3A_1855 = tpu.memref_slice %arg3[%squeeze3A_1849, %dma_start3A_1854] : memref<1000001x32xf32, #tpu.memory_space<hbm>> -> memref<1x32xf32, #tpu.memory_space<hbm>>
      %dma_start3A_1856 = arith.constant 0 : i32
      %dma_start3A_1857 = tpu.memref_slice %arg6[%add3A_1851, %dma_start3A_1856] : memref<512x32xf32, #tpu.memory_space<vmem>> -> memref<1x32xf32, #tpu.memory_space<vmem>>
      %dma_start3A_1858 = arith.constant 0 : i32
      %dma_start3A_1859 = tpu.memref_slice %arg3[%squeeze3A_1849, %dma_start3A_1858] : memref<1000001x32xf32, #tpu.memory_space<hbm>> -> memref<1x32xf32, #tpu.memory_space<hbm>>
      tpu.enqueue_dma source(%dma_start3A_1859 : memref<1x32xf32, #tpu.memory_space<hbm>>) target(%dma_start3A_1857 : memref<1x32xf32, #tpu.memory_space<vmem>>) target_semaphore(%arg7 : memref<!tpu.dma_semaphore, #tpu.memory_space<semaphore_mem>>)
      %dma_wait3A_1860 = arith.constant 0 : i32
      %dma_wait3A_1861 = arith.constant 0 : i32
      %dma_wait3A_1862 = tpu.memref_slice %arg6[%dma_wait3A_1860, %dma_wait3A_1861] : memref<512x32xf32, #tpu.memory_space<vmem>> -> memref<16x32xf32, #tpu.memory_space<vmem>>
      %dma_wait3A_1863 = arith.constant 0 : i32
      %dma_wait3A_1864 = arith.constant 0 : i32
      %dma_wait3A_1865 = tpu.memref_slice %arg3[%dma_wait3A_1863, %dma_wait3A_1864] : memref<1000001x32xf32, #tpu.memory_space<hbm>> -> memref<16x32xf32, #tpu.memory_space<hbm>>
      %dma_wait3A_1866 = arith.constant 0 : i32
      %dma_wait3A_1867 = arith.constant 0 : i32
      %dma_wait3A_1868 = tpu.memref_slice %arg6[%dma_wait3A_1866, %dma_wait3A_1867] : memref<512x32xf32, #tpu.memory_space<vmem>> -> memref<16x32xf32, #tpu.memory_space<vmem>>
      %dma_wait3A_1869 = arith.constant 0 : i32
      %dma_wait3A_1870 = arith.constant 0 : i32
      %dma_wait3A_1871 = tpu.memref_slice %arg3[%dma_wait3A_1869, %dma_wait3A_1870] : memref<1000001x32xf32, #tpu.memory_space<hbm>> -> memref<16x32xf32, #tpu.memory_space<hbm>>
      tpu.wait_dma2 semaphore(%arg7 : memref<!tpu.dma_semaphore, #tpu.memory_space<semaphore_mem>>) src(%dma_wait3A_1871 : memref<16x32xf32, #tpu.memory_space<hbm>>) dst(%dma_wait3A_1868 : memref<16x32xf32, #tpu.memory_space<vmem>>)
    }
    %scan3A_1560 = arith.constant 24 : i32
    %dma_wait3A = arith.constant 0 : i32
    %dma_wait3A_1561 = arith.constant 0 : i32
    %dma_wait3A_1562 = tpu.memref_slice %arg6[%dma_wait3A, %dma_wait3A_1561] : memref<512x32xf32, #tpu.memory_space<vmem>> -> memref<16x32xf32, #tpu.memory_space<vmem>>
    %dma_wait3A_1563 = arith.constant 0 : i32
    %dma_wait3A_1564 = arith.constant 0 : i32
    %dma_wait3A_1565 = tpu.memref_slice %arg3[%dma_wait3A_1563, %dma_wait3A_1564] : memref<1000001x32xf32, #tpu.memory_space<hbm>> -> memref<16x32xf32, #tpu.memory_space<hbm>>
    %dma_wait3A_1566 = arith.constant 0 : i32
    %dma_wait3A_1567 = arith.constant 0 : i32
    %dma_wait3A_1568 = tpu.memref_slice %arg6[%dma_wait3A_1566, %dma_wait3A_1567] : memref<512x32xf32, #tpu.memory_space<vmem>> -> memref<16x32xf32, #tpu.memory_space<vmem>>
    %dma_wait3A_1569 = arith.constant 0 : i32
    %dma_wait3A_1570 = arith.constant 0 : i32
    %dma_wait3A_1571 = tpu.memref_slice %arg3[%dma_wait3A_1569, %dma_wait3A_1570] : memref<1000001x32xf32, #tpu.memory_space<hbm>> -> memref<16x32xf32, #tpu.memory_space<hbm>>
    tpu.wait_dma2 semaphore(%arg7 : memref<!tpu.dma_semaphore, #tpu.memory_space<semaphore_mem>>) src(%dma_wait3A_1571 : memref<16x32xf32, #tpu.memory_space<hbm>>) dst(%dma_wait3A_1568 : memref<16x32xf32, #tpu.memory_space<vmem>>)
    %dma_wait3A_1572 = arith.constant 0 : i32
    %dma_wait3A_1573 = arith.constant 0 : i32
    %dma_wait3A_1574 = tpu.memref_slice %arg6[%dma_wait3A_1572, %dma_wait3A_1573] : memref<512x32xf32, #tpu.memory_space<vmem>> -> memref<16x32xf32, #tpu.memory_space<vmem>>
    %dma_wait3A_1575 = arith.constant 0 : i32
    %dma_wait3A_1576 = arith.constant 0 : i32
    %dma_wait3A_1577 = tpu.memref_slice %arg3[%dma_wait3A_1575, %dma_wait3A_1576] : memref<1000001x32xf32, #tpu.memory_space<hbm>> -> memref<16x32xf32, #tpu.memory_space<hbm>>
    %dma_wait3A_1578 = arith.constant 0 : i32
    %dma_wait3A_1579 = arith.constant 0 : i32
    %dma_wait3A_1580 = tpu.memref_slice %arg6[%dma_wait3A_1578, %dma_wait3A_1579] : memref<512x32xf32, #tpu.memory_space<vmem>> -> memref<16x32xf32, #tpu.memory_space<vmem>>
    %dma_wait3A_1581 = arith.constant 0 : i32
    %dma_wait3A_1582 = arith.constant 0 : i32
    %dma_wait3A_1583 = tpu.memref_slice %arg3[%dma_wait3A_1581, %dma_wait3A_1582] : memref<1000001x32xf32, #tpu.memory_space<hbm>> -> memref<16x32xf32, #tpu.memory_space<hbm>>
    tpu.wait_dma2 semaphore(%arg7 : memref<!tpu.dma_semaphore, #tpu.memory_space<semaphore_mem>>) src(%dma_wait3A_1583 : memref<16x32xf32, #tpu.memory_space<hbm>>) dst(%dma_wait3A_1580 : memref<16x32xf32, #tpu.memory_space<vmem>>)
    %dma_wait3A_1584 = arith.constant 0 : i32
    %dma_wait3A_1585 = arith.constant 0 : i32
    %dma_wait3A_1586 = tpu.memref_slice %arg6[%dma_wait3A_1584, %dma_wait3A_1585] : memref<512x32xf32, #tpu.memory_space<vmem>> -> memref<16x32xf32, #tpu.memory_space<vmem>>
    %dma_wait3A_1587 = arith.constant 0 : i32
    %dma_wait3A_1588 = arith.constant 0 : i32
    %dma_wait3A_1589 = tpu.memref_slice %arg3[%dma_wait3A_1587, %dma_wait3A_1588] : memref<1000001x32xf32, #tpu.memory_space<hbm>> -> memref<16x32xf32, #tpu.memory_space<hbm>>
    %dma_wait3A_1590 = arith.constant 0 : i32
    %dma_wait3A_1591 = arith.constant 0 : i32
    %dma_wait3A_1592 = tpu.memref_slice %arg6[%dma_wait3A_1590, %dma_wait3A_1591] : memref<512x32xf32, #tpu.memory_space<vmem>> -> memref<16x32xf32, #tpu.memory_space<vmem>>
    %dma_wait3A_1593 = arith.constant 0 : i32
    %dma_wait3A_1594 = arith.constant 0 : i32
    %dma_wait3A_1595 = tpu.memref_slice %arg3[%dma_wait3A_1593, %dma_wait3A_1594] : memref<1000001x32xf32, #tpu.memory_space<hbm>> -> memref<16x32xf32, #tpu.memory_space<hbm>>
    tpu.wait_dma2 semaphore(%arg7 : memref<!tpu.dma_semaphore, #tpu.memory_space<semaphore_mem>>) src(%dma_wait3A_1595 : memref<16x32xf32, #tpu.memory_space<hbm>>) dst(%dma_wait3A_1592 : memref<16x32xf32, #tpu.memory_space<vmem>>)
    %dma_wait3A_1596 = arith.constant 0 : i32
    %dma_wait3A_1597 = arith.constant 0 : i32
    %dma_wait3A_1598 = tpu.memref_slice %arg6[%dma_wait3A_1596, %dma_wait3A_1597] : memref<512x32xf32, #tpu.memory_space<vmem>> -> memref<16x32xf32, #tpu.memory_space<vmem>>
    %dma_wait3A_1599 = arith.constant 0 : i32
    %dma_wait3A_1600 = arith.constant 0 : i32
    %dma_wait3A_1601 = tpu.memref_slice %arg3[%dma_wait3A_1599, %dma_wait3A_1600] : memref<1000001x32xf32, #tpu.memory_space<hbm>> -> memref<16x32xf32, #tpu.memory_space<hbm>>
    %dma_wait3A_1602 = arith.constant 0 : i32
    %dma_wait3A_1603 = arith.constant 0 : i32
    %dma_wait3A_1604 = tpu.memref_slice %arg6[%dma_wait3A_1602, %dma_wait3A_1603] : memref<512x32xf32, #tpu.memory_space<vmem>> -> memref<16x32xf32, #tpu.memory_space<vmem>>
    %dma_wait3A_1605 = arith.constant 0 : i32
    %dma_wait3A_1606 = arith.constant 0 : i32
    %dma_wait3A_1607 = tpu.memref_slice %arg3[%dma_wait3A_1605, %dma_wait3A_1606] : memref<1000001x32xf32, #tpu.memory_space<hbm>> -> memref<16x32xf32, #tpu.memory_space<hbm>>
    tpu.wait_dma2 semaphore(%arg7 : memref<!tpu.dma_semaphore, #tpu.memory_space<semaphore_mem>>) src(%dma_wait3A_1607 : memref<16x32xf32, #tpu.memory_space<hbm>>) dst(%dma_wait3A_1604 : memref<16x32xf32, #tpu.memory_space<vmem>>)
    %dma_wait3A_1608 = arith.constant 0 : i32
    %dma_wait3A_1609 = arith.constant 0 : i32
    %dma_wait3A_1610 = tpu.memref_slice %arg6[%dma_wait3A_1608, %dma_wait3A_1609] : memref<512x32xf32, #tpu.memory_space<vmem>> -> memref<16x32xf32, #tpu.memory_space<vmem>>
    %dma_wait3A_1611 = arith.constant 0 : i32
    %dma_wait3A_1612 = arith.constant 0 : i32
    %dma_wait3A_1613 = tpu.memref_slice %arg3[%dma_wait3A_1611, %dma_wait3A_1612] : memref<1000001x32xf32, #tpu.memory_space<hbm>> -> memref<16x32xf32, #tpu.memory_space<hbm>>
    %dma_wait3A_1614 = arith.constant 0 : i32
    %dma_wait3A_1615 = arith.constant 0 : i32
    %dma_wait3A_1616 = tpu.memref_slice %arg6[%dma_wait3A_1614, %dma_wait3A_1615] : memref<512x32xf32, #tpu.memory_space<vmem>> -> memref<16x32xf32, #tpu.memory_space<vmem>>
    %dma_wait3A_1617 = arith.constant 0 : i32
    %dma_wait3A_1618 = arith.constant 0 : i32
    %dma_wait3A_1619 = tpu.memref_slice %arg3[%dma_wait3A_1617, %dma_wait3A_1618] : memref<1000001x32xf32, #tpu.memory_space<hbm>> -> memref<16x32xf32, #tpu.memory_space<hbm>>
    tpu.wait_dma2 semaphore(%arg7 : memref<!tpu.dma_semaphore, #tpu.memory_space<semaphore_mem>>) src(%dma_wait3A_1619 : memref<16x32xf32, #tpu.memory_space<hbm>>) dst(%dma_wait3A_1616 : memref<16x32xf32, #tpu.memory_space<vmem>>)
    %dma_wait3A_1620 = arith.constant 0 : i32
    %dma_wait3A_1621 = arith.constant 0 : i32
    %dma_wait3A_1622 = tpu.memref_slice %arg6[%dma_wait3A_1620, %dma_wait3A_1621] : memref<512x32xf32, #tpu.memory_space<vmem>> -> memref<16x32xf32, #tpu.memory_space<vmem>>
    %dma_wait3A_1623 = arith.constant 0 : i32
    %dma_wait3A_1624 = arith.constant 0 : i32
    %dma_wait3A_1625 = tpu.memref_slice %arg3[%dma_wait3A_1623, %dma_wait3A_1624] : memref<1000001x32xf32, #tpu.memory_space<hbm>> -> memref<16x32xf32, #tpu.memory_space<hbm>>
    %dma_wait3A_1626 = arith.constant 0 : i32
    %dma_wait3A_1627 = arith.constant 0 : i32
    %dma_wait3A_1628 = tpu.memref_slice %arg6[%dma_wait3A_1626, %dma_wait3A_1627] : memref<512x32xf32, #tpu.memory_space<vmem>> -> memref<16x32xf32, #tpu.memory_space<vmem>>
    %dma_wait3A_1629 = arith.constant 0 : i32
    %dma_wait3A_1630 = arith.constant 0 : i32
    %dma_wait3A_1631 = tpu.memref_slice %arg3[%dma_wait3A_1629, %dma_wait3A_1630] : memref<1000001x32xf32, #tpu.memory_space<hbm>> -> memref<16x32xf32, #tpu.memory_space<hbm>>
    tpu.wait_dma2 semaphore(%arg7 : memref<!tpu.dma_semaphore, #tpu.memory_space<semaphore_mem>>) src(%dma_wait3A_1631 : memref<16x32xf32, #tpu.memory_space<hbm>>) dst(%dma_wait3A_1628 : memref<16x32xf32, #tpu.memory_space<vmem>>)
    %dma_wait3A_1632 = arith.constant 0 : i32
    %dma_wait3A_1633 = arith.constant 0 : i32
    %dma_wait3A_1634 = tpu.memref_slice %arg6[%dma_wait3A_1632, %dma_wait3A_1633] : memref<512x32xf32, #tpu.memory_space<vmem>> -> memref<16x32xf32, #tpu.memory_space<vmem>>
    %dma_wait3A_1635 = arith.constant 0 : i32
    %dma_wait3A_1636 = arith.constant 0 : i32
    %dma_wait3A_1637 = tpu.memref_slice %arg3[%dma_wait3A_1635, %dma_wait3A_1636] : memref<1000001x32xf32, #tpu.memory_space<hbm>> -> memref<16x32xf32, #tpu.memory_space<hbm>>
    %dma_wait3A_1638 = arith.constant 0 : i32
    %dma_wait3A_1639 = arith.constant 0 : i32
    %dma_wait3A_1640 = tpu.memref_slice %arg6[%dma_wait3A_1638, %dma_wait3A_1639] : memref<512x32xf32, #tpu.memory_space<vmem>> -> memref<16x32xf32, #tpu.memory_space<vmem>>
    %dma_wait3A_1641 = arith.constant 0 : i32
    %dma_wait3A_1642 = arith.constant 0 : i32
    %dma_wait3A_1643 = tpu.memref_slice %arg3[%dma_wait3A_1641, %dma_wait3A_1642] : memref<1000001x32xf32, #tpu.memory_space<hbm>> -> memref<16x32xf32, #tpu.memory_space<hbm>>
    tpu.wait_dma2 semaphore(%arg7 : memref<!tpu.dma_semaphore, #tpu.memory_space<semaphore_mem>>) src(%dma_wait3A_1643 : memref<16x32xf32, #tpu.memory_space<hbm>>) dst(%dma_wait3A_1640 : memref<16x32xf32, #tpu.memory_space<vmem>>)
    %dma_wait3A_1644 = arith.constant 0 : i32
    %dma_wait3A_1645 = arith.constant 0 : i32
    %dma_wait3A_1646 = tpu.memref_slice %arg6[%dma_wait3A_1644, %dma_wait3A_1645] : memref<512x32xf32, #tpu.memory_space<vmem>> -> memref<16x32xf32, #tpu.memory_space<vmem>>
    %dma_wait3A_1647 = arith.constant 0 : i32
    %dma_wait3A_1648 = arith.constant 0 : i32
    %dma_wait3A_1649 = tpu.memref_slice %arg3[%dma_wait3A_1647, %dma_wait3A_1648] : memref<1000001x32xf32, #tpu.memory_space<hbm>> -> memref<16x32xf32, #tpu.memory_space<hbm>>
    %dma_wait3A_1650 = arith.constant 0 : i32
    %dma_wait3A_1651 = arith.constant 0 : i32
    %dma_wait3A_1652 = tpu.memref_slice %arg6[%dma_wait3A_1650, %dma_wait3A_1651] : memref<512x32xf32, #tpu.memory_space<vmem>> -> memref<16x32xf32, #tpu.memory_space<vmem>>
    %dma_wait3A_1653 = arith.constant 0 : i32
    %dma_wait3A_1654 = arith.constant 0 : i32
    %dma_wait3A_1655 = tpu.memref_slice %arg3[%dma_wait3A_1653, %dma_wait3A_1654] : memref<1000001x32xf32, #tpu.memory_space<hbm>> -> memref<16x32xf32, #tpu.memory_space<hbm>>
    tpu.wait_dma2 semaphore(%arg7 : memref<!tpu.dma_semaphore, #tpu.memory_space<semaphore_mem>>) src(%dma_wait3A_1655 : memref<16x32xf32, #tpu.memory_space<hbm>>) dst(%dma_wait3A_1652 : memref<16x32xf32, #tpu.memory_space<vmem>>)
    "tpu.region"() ({
      %run_scoped3A = tpu.sem_alloc : memref<!tpu.dma_semaphore, #tpu.memory_space<semaphore_mem>>
      %dma_start3A_1656 = arith.constant 0 : i32
      %dma_start3A_1657 = arith.constant 0 : i32
      %dma_start3A_1658 = tpu.memref_slice %arg4[%add3A, %dma_start3A_1656, %dma_start3A_1657] : memref<32x512x32xf32, #tpu.memory_space<hbm>> -> memref<1x512x32xf32, #tpu.memory_space<hbm>>
      %dma_start3A_1659 = tpu.memref_squeeze %dma_start3A_1658 : memref<1x512x32xf32, #tpu.memory_space<hbm>> -> memref<512x32xf32, #tpu.memory_space<hbm>>
      %dma_start3A_1660 = arith.constant 0 : i32
      %dma_start3A_1661 = arith.constant 0 : i32
      %dma_start3A_1662 = tpu.memref_slice %arg4[%add3A, %dma_start3A_1660, %dma_start3A_1661] : memref<32x512x32xf32, #tpu.memory_space<hbm>> -> memref<1x512x32xf32, #tpu.memory_space<hbm>>
      %dma_start3A_1663 = tpu.memref_squeeze %dma_start3A_1662 : memref<1x512x32xf32, #tpu.memory_space<hbm>> -> memref<512x32xf32, #tpu.memory_space<hbm>>
      tpu.enqueue_dma source(%arg6 : memref<512x32xf32, #tpu.memory_space<vmem>>) target(%dma_start3A_1663 : memref<512x32xf32, #tpu.memory_space<hbm>>) target_semaphore(%run_scoped3A : memref<!tpu.dma_semaphore, #tpu.memory_space<semaphore_mem>>)
      %dma_wait3A_1664 = arith.constant 0 : i32
      %dma_wait3A_1665 = arith.constant 0 : i32
      %dma_wait3A_1666 = tpu.memref_slice %arg4[%add3A, %dma_wait3A_1664, %dma_wait3A_1665] : memref<32x512x32xf32, #tpu.memory_space<hbm>> -> memref<1x512x32xf32, #tpu.memory_space<hbm>>
      %dma_wait3A_1667 = tpu.memref_squeeze %dma_wait3A_1666 : memref<1x512x32xf32, #tpu.memory_space<hbm>> -> memref<512x32xf32, #tpu.memory_space<hbm>>
      %dma_wait3A_1668 = arith.constant 0 : i32
      %dma_wait3A_1669 = arith.constant 0 : i32
      %dma_wait3A_1670 = tpu.memref_slice %arg4[%add3A, %dma_wait3A_1668, %dma_wait3A_1669] : memref<32x512x32xf32, #tpu.memory_space<hbm>> -> memref<1x512x32xf32, #tpu.memory_space<hbm>>
      %dma_wait3A_1671 = tpu.memref_squeeze %dma_wait3A_1670 : memref<1x512x32xf32, #tpu.memory_space<hbm>> -> memref<512x32xf32, #tpu.memory_space<hbm>>
      tpu.wait_dma2 semaphore(%run_scoped3A : memref<!tpu.dma_semaphore, #tpu.memory_space<semaphore_mem>>) src(%arg6 : memref<512x32xf32, #tpu.memory_space<vmem>>) dst(%dma_wait3A_1671 : memref<512x32xf32, #tpu.memory_space<hbm>>)
      tpu.yield
    }) : () -> ()
    return
  }
}

</mosaic_0001>

<sc_bundles>
// kernel: _embed.3.cloned.1.call-start
scs
__scs_entry_jumppad:
0x0: {  	(pc) =	sbr.rel $0x88, $3  }
0x1: {  	(tag) =	ssettag $0x0;
	lr =	simm.s32 $0x1  }
0x2: {  	[smem:$0x3F9F] =	sst lr;
	_ =	strace $0xD0000000  }
0x3: {  	_ = 	snop  }
0x4: {  	_ = 	snop  }
0x5: {  	_ = 	snop  }
0x6: {  	_ = 	snop  }
0x7: {  	_ = 	snop  }
__scs_overlays_trampoline_lowered:
0x8: {  	[smem:$0x3FAE] =	sst s0  }
0x9: {  	[smem:$0x3FAF] =	sst s1  }
0xa: {  	[smem:$0x3FB0] =	sst s2  }
0xb: {  	[smem:$0x3FB1] =	sst s3  }
0xc: {  	[smem:$0x3FB2] =	sst s4  }
0xd: {  	[smem:$0x3FB3] =	sst s5  }
0xe: {  	[smem:$0x3FB4] =	sst s6  }
0xf: {  	[smem:$0x3FB5] =	sst s7  }
0x10: {  	[smem:$0x3FB6] =	sst s8  }
0x11: {  	[smem:$0x3FB7] =	sst s9;
	s0 =	simm.s32 @!p0 $0x0  }
0x12: {  	s1 =	sld [smem:$0x3F9D];
	s0 =	simm.s32 @p0 $0x1  }
0x13: {  	[smem:$0x3FB8] =	sst s0;
	s0 =	simm.s32 @!p1 $0x0  }
0x14: {  	s2 =	sld [smem:$0x3F9C];
	s0 =	simm.s32 @p1 $0x1  }
0x15: {  	[smem:$0x3FB9] =	sst s0;
	s0 =	simm.s32 @!p2 $0x0  }
0x16: {  	s3 =	sld [smem:$0x3FDB];
	s0 =	simm.s32 @p2 $0x1  }
0x17: {  	s4 =	simm.s32 $0x1BF5;
	[smem:$0x3FBB] =	sst s0  }
0x18: {  	s0 =	sld [smem:$0x3F9E];
	_ =	swait.ge [sflag:s4], $0x0  }
0x19: {  	s7 =	sld [smem:$0x3F9F]  }
0x1a: {  	s8 =	sadd.s32 $0xFFFFE003, lr  }
0x1b: {  	s9 =	sadd.s32 $0xFFFFFEF7, lr;
	s5 =	simm.s32 $0xFFFFFFFF;
	p2 =	slt.u32 s8, $0xFFFFF086  }
0x1c: {  	p1 =	slt.u32 s9, $0xF7A;
	s5 =	simm.s32 @!p2 $0x0  }
0x1d: {  	s5 =	simm.s32 @p1 $0x1;
	p0 =	seq.s32 s7, s2  }
0x1e: {  	s7 =	smul.u32 @!p0 $0xF7A, s2;
	p2 =	seq.s32 @!p0 s5, $0x0  }
0x1f: {  	s9 =	smul.u32 $0xF7A, s1;
	s8 =	simm.s32 @!p0 $0x1BF5;
	p2 =	por !p2, p0  }
0x20: {  	[sflag:s8] =	ssyncset.s32 @!p0 $0xFFFFF086;
	s6 =	sadd.s32 @!p0 s3, s7;
	s7 =	simm.s32 @!p0 $0x108  }
0x21: {  	s3 =	sadd.s32 s3, s9;
	s6 =	sadd.s32 @!p0 $0x88, s6;
	s7 =	simm.s32 @p2 $0x1082  }
0x22: {  	[simem:s7], [sflag:s8] =	dma.local @!p0 [hbm:s6], $0xF7A  }
0x23: {  	s9 =	sor.u32 $0xD0000000, s2;
	s6 =	simm.s32 $0x108;
	_ =	swait.ge @!p0 [sflag:s8], $0x0  }
0x24: {  	s3 =	sadd.s32 $0x88, s3;
	s6 =	simm.s32 @!p1 $0x1082;
	[sflag:s4] =	ssyncset.s32 $0xFFFFF086  }
0x25: {  	[simem:s6], [sflag:s4] =	dma.local [hbm:s3], $0xF7A  }
0x26: {  	[smem:$0x3F9F] =	sst s1;
	(tag) =	ssettag s2;
	_ =	strace s9  }
0x27: {  	s1 =	sld [smem:$0x3FAF]  }
0x28: {  	s2 =	sld [smem:$0x3FB0]  }
0x29: {  	s4 =	sld [smem:$0x3FB2]  }
0x2a: {  	p0 =	seq.s32 s5, $0x0;
	s5 =	sld [smem:$0x3FB3]  }
0x2b: {  	s6 =	sld [smem:$0x3FB4]  }
0x2c: {  	s7 =	sld [smem:$0x3FB5]  }
0x2d: {  	s3 =	simm.s32 $0x108;
	s8 =	sld [smem:$0x3FB6]  }
0x2e: {  	s3 =	simm.s32 @!p0 $0x1082;
	s9 =	sld [smem:$0x3FB7]  }
0x2f: {  	lr =	sadd.s32 s0, s3;
	s0 =	sld [smem:$0x3FAE]  }
0x30: {  	s3 =	sld [smem:$0x3FB1]  }
0x31: {  	[smem:$0x3FBA] =	sst s10  }
0x32: {  	s10 =	sld [smem:$0x3FB8];
	_ =	sdelay $0x3  }
0x33: {  	p0 =	seq.s32 s10, $0x1;
	s10 =	sld [smem:$0x3FBA];
	_ =	sdelay $0x3  }
0x34: {  	[smem:$0x3FBA] =	sst s10  }
0x35: {  	s10 =	sld [smem:$0x3FB9];
	_ =	sdelay $0x3  }
0x36: {  	p1 =	seq.s32 s10, $0x1;
	s10 =	sld [smem:$0x3FBA];
	_ =	sdelay $0x3  }
0x37: {  	[smem:$0x3FBA] =	sst s10  }
0x38: {  	s10 =	sld [smem:$0x3FBB]  }
0x39: {  	_ = 	snop;
	(pc) =	sbr.ind lr, $3  }
0x3a: {  	_ = 	snop  }
0x3b: {  	_ = 	snop  }
0x3c: {  	p2 =	seq.s32 s10, $0x1;
	s10 =	sld [smem:$0x3FBA]  }
0x3d: {  	_ =	shalt  }
0x3e: {  	_ =	shalt  }
0x3f: {  	_ =	shalt  }
0x40: {  	_ =	shalt  }
0x41: {  	_ =	shalt  }
0x42: {  	_ =	shalt  }
0x43: {  	_ =	shalt  }
0x44: {  	_ =	shalt  }
0x45: {  	_ =	shalt  }
0x46: {  	_ =	shalt  }
0x47: {  	_ =	shalt  }
0x48: {  	_ =	shalt  }
0x49: {  	_ =	shalt  }
0x4a: {  	_ =	shalt  }
0x4b: {  	_ =	shalt  }
0x4c: {  	_ =	shalt  }
0x4d: {  	_ =	shalt  }
0x4e: {  	_ =	shalt  }
0x4f: {  	_ =	shalt  }
0x50: {  	_ =	shalt  }
0x51: {  	_ =	shalt  }
0x52: {  	_ =	shalt  }
0x53: {  	_ =	shalt  }
0x54: {  	_ =	shalt  }
0x55: {  	_ =	shalt  }
0x56: {  	_ =	shalt  }
0x57: {  	_ =	shalt  }
0x58: {  	_ =	shalt  }
0x59: {  	_ =	shalt  }
0x5a: {  	_ =	shalt  }
0x5b: {  	_ =	shalt  }
0x5c: {  	_ =	shalt  }
0x5d: {  	_ =	shalt  }
0x5e: {  	_ =	shalt  }
0x5f: {  	_ =	shalt  }
0x60: {  	_ =	shalt  }
0x61: {  	_ =	shalt  }
0x62: {  	_ =	shalt  }
0x63: {  	_ =	shalt  }
0x64: {  	_ =	shalt  }
0x65: {  	_ =	shalt  }
0x66: {  	_ =	shalt  }
0x67: {  	_ =	shalt  }
0x68: {  	_ =	shalt  }
0x69: {  	_ =	shalt  }
0x6a: {  	_ =	shalt  }
0x6b: {  	_ =	shalt  }
0x6c: {  	_ =	shalt  }
0x6d: {  	_ =	shalt  }
0x6e: {  	_ =	shalt  }
0x6f: {  	_ =	shalt  }
0x70: {  	_ =	shalt  }
0x71: {  	_ =	shalt  }
0x72: {  	_ =	shalt  }
0x73: {  	_ =	shalt  }
0x74: {  	_ =	shalt  }
0x75: {  	_ =	shalt  }
0x76: {  	_ =	shalt  }
0x77: {  	_ =	shalt  }
0x78: {  	_ =	shalt  }
0x79: {  	_ =	shalt  }
0x7a: {  	_ =	shalt  }
0x7b: {  	_ =	shalt  }
0x7c: {  	_ =	shalt  }
0x7d: {  	_ =	shalt  }
0x7e: {  	_ =	shalt  }
0x7f: {  	_ =	shalt  }
0x80: {  	_ =	shalt  }
0x81: {  	_ =	shalt  }
0x82: {  	_ =	shalt  }
0x83: {  	_ =	shalt  }
0x84: {  	_ =	shalt  }
0x85: {  	_ =	shalt  }
0x86: {  	_ =	shalt  }
0x87: {  	_ =	shalt  }
.Lfunc_end0:
.L_simem_size_0:
called_computation_lowered:
.L_overlay_start_0:
0x88: {  	s2 =	sld [smem:$0x3FD9]  }
0x89: {  	s3 =	sld [smem:$0x3FFE];
	_ =	sdelay $0x1  }
0x8a: {  	s1 =	srdreg.scid  }
0x8b: {  	s0 =	sand.u32 $0x1, s1  }
0x8c: {  	s17 =	sshll.u32 s0, $0xA;
	s2 =	sadd.s32 s3, s2  }
0x8d: {  	s2 =	sadd.s32 s2, s17  }
0x8e: {  	[smem:$0x3FC6] =	sst s2  }
0x8f: {  	_ = 	snop  }
0x90: {  	s2 =	sld [smem:$0x3FC9];
	(tm) =	ssettm $0x1  }
0x91: {  	s18 =	sld [smem:$0x3FFB];
	_ =	sdelay $0x3  }
0x92: {  	_ =	strace s18  }
0x93: {  	s3 =	sld [smem:$0x3FFC];
	_ =	sdelay $0x3  }
0x94: {  	_ =	strace s3  }
0x95: {  	s3 =	sld [smem:$0x3FFD];
	_ =	sdelay $0x3  }
0x96: {  	_ =	strace s3  }
0x97: {  	_ =	strace $0x8FFFFFFF  }
0x98: {  	s19 =	sld [smem:$0x3FDB];
	_ =	sdelay $0x1  }
0x99: {  	s4 =	simm.s32 $_scs_section_size  }
0x9a: {  	s5 =	simm.s32 $_size__tile_overlayer_lowered;
	s6 =	simm.s32 $_tile_overlayer_lowered  }
0x9b: {  	s22 =	simm.s32 $0x1BFF;
	s21 =	sshll.u32 s6, $0x1;
	s3 =	sadd.s32 s4, s19  }
0x9c: {  	s7 =	simm.s32 $0x0;
	s20 =	sshll.u32 s5, $0x1;
	s5 =	sadd.s32 s21, s3  }
0x9d: {  	[timem:s7], [sflag:s22] =	dma.local [hbm:s5], s20  }
0x9e: {  	_ =	swait.ge [sflag:s22], s20  }
0x9f: {  	s4 =	ssub.s32 $0x0, s20;
	[sflag:s22] =	ssyncset.done $0x0  }
0xa0: {  	[sflag:s22] =	ssyncadd.s32 s4;
	_ =	sdelay $0x1  }
0xa1: {  	s23 =	simm.s32 $0x1B8B  }
0xa2: {  	_ =	swait.ge [sflag:s23], $0x1  }
0xa3: {  	[sflag:s23] =	ssyncset.done $0x0  }
0xa4: {  	s25 =	simm.s32 $0x1B8E;
	s24 =	sld [smem:$0x3FFE];
	[sflag:s23] =	ssyncadd.s32 $0xFFFFFFFF  }
0xa5: {  	s26 =	simm.s32 $execute0_lowered;
	[smem:$0x3FD2] =	sst s25  }
0xa6: {  	s5 =	sshll.u32 s26, $0x1;
	_ =	strace $0x80000046;
	[dreg:$0x1] =	wrdreg $0xFFFFFFFF  }
0xa7: {  	s28 =	simm.s32 $_size_execute0_lowered;
	s3 =	sadd.s32 s3, s5;
	[dreg:$0x0] =	wrdreg $0x0  }
0xa8: {  	s5 =	sshll.u32 s28, $0x1;
	[dreg:$0x2] =	wrdreg s3  }
0xa9: {  	[dreg:$0x3] =	wrdreg s5  }
0xaa: {  	[dreg:$0x4] =	wrdreg $0xC0  }
0xab: {  	_ =	task [dreg:s7], $0x5FFFF  }
0xac: {  	[dreg:$0x1] =	wrdreg $0xFFFFFFFF  }
0xad: {  	[dreg:$0x0] =	wrdreg $0x60  }
0xae: {  	[dreg:$0x2] =	wrdreg s2  }
0xaf: {  	[dreg:$0x3] =	wrdreg s24  }
0xb0: {  	[dreg:$0x4] =	wrdreg $0x9  }
0xb1: {  	_ =	task.clear_ibuf [dreg:s7], $0x5FFFF;
	_ =	strace $0x90000046  }
0xb2: {  	s29 =	simm.s32 $0x9;
	_ =	strace $0x80000048  }
0xb3: {  	_ =	swait.ge [sflag:s29], $0x1  }
0xb4: {  	[sflag:s29] =	ssyncadd.s32 $0xFFFFFFFF  }
0xb5: {  	_ =	strace $0x90000048  }
0xb6: {  	_ =	sfence  }
0xb7: {  	s30 =	sld [smem:$0x0];
	_ =	sdelay $0x2  }
0xb8: {  	s31 =	sshll.u32 s1, $0xD;
	s1 =	sshrl.u32 s1, $0x2  }
0xb9: {  	s3 =	sand.u32 $0x4000, s31;
	s1 =	sadd.s32 s1, s30  }
0xba: {  	s0 =	sor.u32 s3, s0;
	s1 =	sshll.u32 s1, $0x11  }
0xbb: {  	s0 =	sor.u32 s1, s0  }
0xbc: {  	s0 =	sadd.s32 $0x8F2B, s0  }
0xbd: {  	[sflag:s0] =	ssyncadd.remote.s32 $0x1  }
0xbe: {  	_ =	sfence.sel $0xFFFF  }
0xbf: {  	[dreg:$0x0] =	wrdreg $0xFFFFFFFF;
	(pc) =	sbr.abs _section_cstart, $3  }
0xc0: {  	[dreg:$0x1] =	wrdreg $0xFFFFFFFF  }
0xc1: {  	_ =	task.clear_ibuf [dreg:s7], $0x2FFFF;
	_ =	strace $0x9FFFFFFF  }
0xc2: {  	(tm) =	ssettm $0x7FFFFFFF  }
0xc3: {  	_ =	shalt  }
tec
execute0_lowered:
.L_overlay_start_1:
0x0: {  	(tag) =	ssettag $0x1  }
0x1: {  	s0 =	rddreg [dreg:$0x0]  }
0x2: {  	s1 =	rddreg [dreg:$0x1]  }
0x3: {  	s3 =	srdreg.scid;
	s7 =	stileid.u32  }
0x4: {  	s2 =	simm.s32 $0x0;
	s9 =	simm.s32 $0x2;
	s10 =	simm.s32 $0x200  }
0x5: {  	s22 =	simm.s32 $0x1;
	s23 =	simm.s32 $0x0;
	s4 =	sand.u32 $0x1, s3  }
0x6: {  	s28 =	sshll.u32 s7, $0x1;
	[smem:$0x7FF] =	sst s2;
	s3 =	sadd.s32 $0x400, s1  }
0x7: {  	s29 =	sshll.u32 s7, $0x7;
	s5 =	sor.u32 s4, s28;
	s4 =	ssub.s32 $0x2, s4  }
0x8: {  	_ =	strace $0x80000047;
	s6 =	sshll.u32 s5, $0xD;
	s30 =	sshrl.u32 s4, $0x1  }
0x9: {  	s5 =	sshll.u32 s5, $0x4;
	s1 =	sadd.s32 s6, s1;
	s6 =	sand.u32 $0x600, s29  }
0xa: {  	s7 =	ssub.s32 s4, s30;
	s31 =	sand.u32 $0x70, s5;
	s0 =	sadd.s32 s0, s6  }
0xb: {  	s5 =	sadd.s32 $0xF42A00, s1;
	s6 =	smax.u32 s7, $0x1;
	s4 =	sadd.s32 s31, s0  }
.LBB2_1:
0xc: {  	s0 =	simm.s32 $0x80;
	s1 =	simm.s32 $0x400  }
0xd: {  	[tilespmem:s2], [sflag:$0x2] =	stream.strided.gather [hbm4b:s4+s0], $0x200, s1, s0, $0x38;
	[tilespmem:$0x10200] =	vst v63  }
0xe: {  	_ =	swait.ge [sflag:s9], $0x200  }
0xf: {  	[sflag:s9] =	ssyncset.done $0x0  }
0x10: {  	[sflag:s9] =	ssyncadd.s32 $0xFFFFFE00  }
0x11: {  	v0 =	vld [tilespmem:$0x0];
	_ =	sdelay $0x4  }
0x12: {  	v0 =	vshll.u32 v0, $0x4  }
0x13: {  	(v2sf) =	vpush v0, $0x0;
	_ =	sdelay $0x1  }
0x14: {  	(v2sf) =	vpush v0, $0x1;
	_ =	sdelay $0x1  }
0x15: {  	(v2sf) =	vpush v0, $0x2;
	_ =	sdelay $0x8  }
0x16: {  	(v2sf) =	vpush v0, $0x3;
	_ =	sdelay $0x1  }
0x17: {  	s25 =	spop (v2sf);
	(v2sf) =	vpush v0, $0x4;
	_ =	sdelay $0x1  }
0x18: {  	s26 =	spop (v2sf);
	(v2sf) =	vpush v0, $0x5;
	_ =	sdelay $0x1  }
0x19: {  	s30 =	spop (v2sf);
	(v2sf) =	vpush v0, $0x6;
	_ =	sdelay $0x1  }
0x1a: {  	s0 =	sand.u32 $0x1FFFFFF0, s25  }
0x1b: {  	s0 =	sadd.s32 s3, s0;
	(v2sf) =	vpush v0, $0x7  }
0x1c: {  	[tilespmem:s10], [sflag:$0x1] =	stream.linear.gather [hbm4b:s0+s2], $0x80, $0x38;
	[tilespmem:$0x10200] =	vst v63  }
0x1d: {  	s0 =	sand.u32 $0x1FFFFFF0, s26  }
0x1e: {  	s7 =	simm.s32 $0x280;
	s0 =	sadd.s32 s3, s0  }
0x1f: {  	[tilespmem:s7], [sflag:$0x1] =	stream.linear.gather [hbm4b:s0+s2], $0x80, $0x38;
	[tilespmem:$0x10200] =	vst v63  }
0x20: {  	s0 =	sand.u32 $0x1FFFFFF0, s30  }
0x21: {  	s31 =	simm.s32 $0x300;
	s8 =	spop (v2sf);
	s0 =	sadd.s32 s3, s0  }
0x22: {  	[tilespmem:s31], [sflag:$0x1] =	stream.linear.gather [hbm4b:s0+s2], $0x80, $0x38;
	[tilespmem:$0x10200] =	vst v63  }
0x23: {  	s12 =	spop (v2sf);
	(v2sf) =	vpush v0, $0x8  }
0x24: {  	s0 =	sand.u32 $0x1FFFFFF0, s8  }
0x25: {  	s11 =	simm.s32 $0x380;
	s0 =	sadd.s32 s3, s0;
	s13 =	spop (v2sf);
	(v2sf) =	vpush v0, $0x9  }
0x26: {  	[tilespmem:s11], [sflag:$0x1] =	stream.linear.gather [hbm4b:s0+s2], $0x80, $0x38;
	[tilespmem:$0x10200] =	vst v63  }
0x27: {  	s0 =	sand.u32 $0x1FFFFFF0, s12;
	s15 =	spop (v2sf);
	(v2sf) =	vpush v0, $0xA  }
0x28: {  	s0 =	sadd.s32 s3, s0  }
0x29: {  	[tilespmem:s1], [sflag:$0x1] =	stream.linear.gather [hbm4b:s0+s2], $0x80, $0x38;
	[tilespmem:$0x10200] =	vst v63  }
0x2a: {  	s17 =	spop (v2sf);
	(v2sf) =	vpush v0, $0xB  }
0x2b: {  	s0 =	sand.u32 $0x1FFFFFF0, s13  }
0x2c: {  	s14 =	simm.s32 $0x480;
	s0 =	sadd.s32 s3, s0  }
0x2d: {  	[tilespmem:s14], [sflag:$0x1] =	stream.linear.gather [hbm4b:s0+s2], $0x80, $0x38;
	[tilespmem:$0x10200] =	vst v63  }
0x2e: {  	s0 =	sand.u32 $0x1FFFFFF0, s15  }
0x2f: {  	s16 =	simm.s32 $0x500;
	s0 =	sadd.s32 s3, s0  }
0x30: {  	[tilespmem:s16], [sflag:$0x1] =	stream.linear.gather [hbm4b:s0+s2], $0x80, $0x38;
	[tilespmem:$0x10200] =	vst v63  }
0x31: {  	s0 =	sand.u32 $0x1FFFFFF0, s17  }
0x32: {  	s18 =	simm.s32 $0x580;
	s0 =	sadd.s32 s3, s0;
	s19 =	spop (v2sf);
	(v2sf) =	vpush v0, $0xC  }
0x33: {  	[tilespmem:s18], [sflag:$0x1] =	stream.linear.gather [hbm4b:s0+s2], $0x80, $0x38;
	[tilespmem:$0x10200] =	vst v63  }
0x34: {  	s21 =	spop (v2sf);
	(v2sf) =	vpush v0, $0xD  }
0x35: {  	s0 =	sand.u32 $0x1FFFFFF0, s19  }
0x36: {  	s20 =	simm.s32 $0x600;
	s0 =	sadd.s32 s3, s0;
	s25 =	spop (v2sf)  }
0x37: {  	(v2sf) =	vpush v0, $0xE;
	[tilespmem:s20], [sflag:$0x1] =	stream.linear.gather [hbm4b:s0+s2], $0x80, $0x38;
	[tilespmem:$0x10200] =	vst v63  }
0x38: {  	s0 =	sand.u32 $0x1FFFFFF0, s21  }
0x39: {  	s24 =	simm.s32 $0x680;
	s30 =	spop (v2sf);
	s0 =	sadd.s32 s3, s0  }
0x3a: {  	(v2sf) =	vpush v0, $0xF;
	[tilespmem:s24], [sflag:$0x1] =	stream.linear.gather [hbm4b:s0+s2], $0x80, $0x38;
	[tilespmem:$0x10200] =	vst v63  }
0x3b: {  	s0 =	sand.u32 $0x1FFFFFF0, s25  }
0x3c: {  	s26 =	simm.s32 $0x700;
	s0 =	sadd.s32 s3, s0  }
0x3d: {  	[tilespmem:s26], [sflag:$0x1] =	stream.linear.gather [hbm4b:s0+s2], $0x80, $0x38;
	[tilespmem:$0x10200] =	vst v63  }
0x3e: {  	s0 =	sand.u32 $0x1FFFFFF0, s30  }
0x3f: {  	s31 =	simm.s32 $0x780;
	s0 =	sadd.s32 s3, s0  }
0x40: {  	[tilespmem:s31], [sflag:$0x1] =	stream.linear.gather [hbm4b:s0+s2], $0x80, $0x38;
	[tilespmem:$0x10200] =	vst v63  }
0x41: {  	s7 =	spop (v2sf)  }
0x42: {  	s0 =	sand.u32 $0x1FFFFFF0, s7  }
0x43: {  	s8 =	simm.s32 $0x800;
	s11 =	spop (v2sf);
	s0 =	sadd.s32 s3, s0  }
0x44: {  	[tilespmem:s8], [sflag:$0x1] =	stream.linear.gather [hbm4b:s0+s2], $0x80, $0x38;
	[tilespmem:$0x10200] =	vst v63  }
0x45: {  	s0 =	sand.u32 $0x1FFFFFF0, s11  }
0x46: {  	s12 =	simm.s32 $0x880;
	s13 =	spop (v2sf);
	s0 =	sadd.s32 s3, s0  }
0x47: {  	[tilespmem:s12], [sflag:$0x1] =	stream.linear.gather [hbm4b:s0+s2], $0x80, $0x38;
	[tilespmem:$0x10200] =	vst v63  }
0x48: {  	s0 =	sand.u32 $0x1FFFFFF0, s13  }
0x49: {  	s14 =	simm.s32 $0x900;
	s15 =	spop (v2sf);
	s0 =	sadd.s32 s3, s0  }
0x4a: {  	[tilespmem:s14], [sflag:$0x1] =	stream.linear.gather [hbm4b:s0+s2], $0x80, $0x38;
	[tilespmem:$0x10200] =	vst v63  }
0x4b: {  	s0 =	sand.u32 $0x1FFFFFF0, s15  }
0x4c: {  	s16 =	simm.s32 $0x980;
	s0 =	sadd.s32 s3, s0  }
0x4d: {  	[tilespmem:s16], [sflag:$0x1] =	stream.linear.gather [hbm4b:s0+s2], $0x80, $0x38;
	[tilespmem:$0x10200] =	vst v63  }
0x4e: {  	v0 =	vld [tilespmem:$0x10];
	_ =	sdelay $0x4  }
0x4f: {  	v0 =	vshll.u32 v0, $0x4  }
0x50: {  	(v2sf) =	vpush v0, $0x0;
	_ =	sdelay $0x1  }
0x51: {  	(v2sf) =	vpush v0, $0x1;
	_ =	sdelay $0x1  }
0x52: {  	(v2sf) =	vpush v0, $0x2  }
0x53: {  	(v2sf) =	vpush v0, $0x3;
	_ =	sdelay $0x3  }
0x54: {  	(v2sf) =	vpush v0, $0x4;
	_ =	sdelay $0x5  }
0x55: {  	s17 =	spop (v2sf);
	(v2sf) =	vpush v0, $0x5;
	_ =	sdelay $0x1  }
0x56: {  	s19 =	spop (v2sf);
	(v2sf) =	vpush v0, $0x6;
	_ =	sdelay $0x1  }
0x57: {  	s21 =	spop (v2sf)  }
0x58: {  	s0 =	sand.u32 $0x1FFFFFF0, s17;
	s25 =	spop (v2sf);
	(v2sf) =	vpush v0, $0x7  }
0x59: {  	s18 =	simm.s32 $0xA00;
	s0 =	sadd.s32 s3, s0  }
0x5a: {  	[tilespmem:s18], [sflag:$0x1] =	stream.linear.gather [hbm4b:s0+s2], $0x80, $0x38;
	[tilespmem:$0x10200] =	vst v63  }
0x5b: {  	s0 =	sand.u32 $0x1FFFFFF0, s19  }
0x5c: {  	s20 =	simm.s32 $0xA80;
	s0 =	sadd.s32 s3, s0;
	s30 =	spop (v2sf);
	(v2sf) =	vpush v0, $0x8  }
0x5d: {  	[tilespmem:s20], [sflag:$0x1] =	stream.linear.gather [hbm4b:s0+s2], $0x80, $0x38;
	[tilespmem:$0x10200] =	vst v63  }
0x5e: {  	s0 =	sand.u32 $0x1FFFFFF0, s21  }
0x5f: {  	s24 =	simm.s32 $0xB00;
	s0 =	sadd.s32 s3, s0  }
0x60: {  	[tilespmem:s24], [sflag:$0x1] =	stream.linear.gather [hbm4b:s0+s2], $0x80, $0x38;
	[tilespmem:$0x10200] =	vst v63  }
0x61: {  	s0 =	sand.u32 $0x1FFFFFF0, s25  }
0x62: {  	s26 =	simm.s32 $0xB80;
	s0 =	sadd.s32 s3, s0;
	s7 =	spop (v2sf);
	(v2sf) =	vpush v0, $0x9  }
0x63: {  	[tilespmem:s26], [sflag:$0x1] =	stream.linear.gather [hbm4b:s0+s2], $0x80, $0x38;
	[tilespmem:$0x10200] =	vst v63  }
0x64: {  	s0 =	sand.u32 $0x1FFFFFF0, s30;
	s11 =	spop (v2sf);
	(v2sf) =	vpush v0, $0xA  }
0x65: {  	s31 =	simm.s32 $0xC00;
	s0 =	sadd.s32 s3, s0  }
0x66: {  	[tilespmem:s31], [sflag:$0x1] =	stream.linear.gather [hbm4b:s0+s2], $0x80, $0x38;
	[tilespmem:$0x10200] =	vst v63  }
0x67: {  	s0 =	sand.u32 $0x1FFFFFF0, s7;
	s13 =	spop (v2sf);
	(v2sf) =	vpush v0, $0xB  }
0x68: {  	s8 =	simm.s32 $0xC80;
	s0 =	sadd.s32 s3, s0  }
0x69: {  	[tilespmem:s8], [sflag:$0x1] =	stream.linear.gather [hbm4b:s0+s2], $0x80, $0x38;
	[tilespmem:$0x10200] =	vst v63  }
0x6a: {  	s0 =	sand.u32 $0x1FFFFFF0, s11  }
0x6b: {  	s12 =	simm.s32 $0xD00;
	s0 =	sadd.s32 s3, s0;
	s15 =	spop (v2sf)  }
0x6c: {  	(v2sf) =	vpush v0, $0xC;
	[tilespmem:s12], [sflag:$0x1] =	stream.linear.gather [hbm4b:s0+s2], $0x80, $0x38;
	[tilespmem:$0x10200] =	vst v63  }
0x6d: {  	s0 =	sand.u32 $0x1FFFFFF0, s13  }
0x6e: {  	s14 =	simm.s32 $0xD80;
	s0 =	sadd.s32 s3, s0  }
0x6f: {  	[tilespmem:s14], [sflag:$0x1] =	stream.linear.gather [hbm4b:s0+s2], $0x80, $0x38;
	[tilespmem:$0x10200] =	vst v63  }
0x70: {  	s0 =	sand.u32 $0x1FFFFFF0, s15  }
0x71: {  	s16 =	simm.s32 $0xE00;
	s0 =	sadd.s32 s3, s0;
	s17 =	spop (v2sf);
	(v2sf) =	vpush v0, $0xD  }
0x72: {  	[tilespmem:s16], [sflag:$0x1] =	stream.linear.gather [hbm4b:s0+s2], $0x80, $0x38;
	[tilespmem:$0x10200] =	vst v63  }
0x73: {  	s0 =	sand.u32 $0x1FFFFFF0, s17;
	s19 =	spop (v2sf);
	(v2sf) =	vpush v0, $0xE  }
0x74: {  	s18 =	simm.s32 $0xE80;
	s0 =	sadd.s32 s3, s0  }
0x75: {  	[tilespmem:s18], [sflag:$0x1] =	stream.linear.gather [hbm4b:s0+s2], $0x80, $0x38;
	[tilespmem:$0x10200] =	vst v63  }
0x76: {  	s21 =	spop (v2sf);
	(v2sf) =	vpush v0, $0xF  }
0x77: {  	s0 =	sand.u32 $0x1FFFFFF0, s19  }
0x78: {  	s20 =	simm.s32 $0xF00;
	s0 =	sadd.s32 s3, s0  }
0x79: {  	[tilespmem:s20], [sflag:$0x1] =	stream.linear.gather [hbm4b:s0+s2], $0x80, $0x38;
	[tilespmem:$0x10200] =	vst v63  }
0x7a: {  	s0 =	sand.u32 $0x1FFFFFF0, s21  }
0x7b: {  	s24 =	simm.s32 $0xF80;
	s25 =	spop (v2sf);
	s0 =	sadd.s32 s3, s0  }
0x7c: {  	[tilespmem:s24], [sflag:$0x1] =	stream.linear.gather [hbm4b:s0+s2], $0x80, $0x38;
	[tilespmem:$0x10200] =	vst v63  }
0x7d: {  	s0 =	sand.u32 $0x1FFFFFF0, s25  }
0x7e: {  	s26 =	simm.s32 $0x1000;
	s0 =	sadd.s32 s3, s0  }
0x7f: {  	[tilespmem:s26], [sflag:$0x1] =	stream.linear.gather [hbm4b:s0+s2], $0x80, $0x38;
	[tilespmem:$0x10200] =	vst v63  }
0x80: {  	s30 =	spop (v2sf)  }
0x81: {  	s0 =	sand.u32 $0x1FFFFFF0, s30  }
0x82: {  	s31 =	simm.s32 $0x1080;
	s7 =	spop (v2sf);
	s0 =	sadd.s32 s3, s0  }
0x83: {  	[tilespmem:s31], [sflag:$0x1] =	stream.linear.gather [hbm4b:s0+s2], $0x80, $0x38;
	[tilespmem:$0x10200] =	vst v63  }
0x84: {  	s0 =	sand.u32 $0x1FFFFFF0, s7  }
0x85: {  	s8 =	simm.s32 $0x1100;
	s11 =	spop (v2sf);
	s0 =	sadd.s32 s3, s0  }
0x86: {  	[tilespmem:s8], [sflag:$0x1] =	stream.linear.gather [hbm4b:s0+s2], $0x80, $0x38;
	[tilespmem:$0x10200] =	vst v63  }
0x87: {  	s0 =	sand.u32 $0x1FFFFFF0, s11  }
0x88: {  	s12 =	simm.s32 $0x1180;
	s0 =	sadd.s32 s3, s0  }
0x89: {  	[tilespmem:s12], [sflag:$0x1] =	stream.linear.gather [hbm4b:s0+s2], $0x80, $0x38;
	[tilespmem:$0x10200] =	vst v63  }
0x8a: {  	v0 =	vld [tilespmem:$0x20];
	_ =	sdelay $0x4  }
0x8b: {  	v0 =	vshll.u32 v0, $0x4  }
0x8c: {  	(v2sf) =	vpush v0, $0x0;
	_ =	sdelay $0x1  }
0x8d: {  	(v2sf) =	vpush v0, $0x1;
	_ =	sdelay $0x1  }
0x8e: {  	(v2sf) =	vpush v0, $0x2  }
0x8f: {  	(v2sf) =	vpush v0, $0x3;
	_ =	sdelay $0x3  }
0x90: {  	(v2sf) =	vpush v0, $0x4;
	_ =	sdelay $0x5  }
0x91: {  	s13 =	spop (v2sf);
	(v2sf) =	vpush v0, $0x5;
	_ =	sdelay $0x1  }
0x92: {  	s15 =	spop (v2sf);
	(v2sf) =	vpush v0, $0x6;
	_ =	sdelay $0x1  }
0x93: {  	s17 =	spop (v2sf)  }
0x94: {  	s0 =	sand.u32 $0x1FFFFFF0, s13;
	s19 =	spop (v2sf);
	(v2sf) =	vpush v0, $0x7  }
0x95: {  	s14 =	simm.s32 $0x1200;
	s0 =	sadd.s32 s3, s0  }
0x96: {  	[tilespmem:s14], [sflag:$0x1] =	stream.linear.gather [hbm4b:s0+s2], $0x80, $0x38;
	[tilespmem:$0x10200] =	vst v63  }
0x97: {  	s0 =	sand.u32 $0x1FFFFFF0, s15  }
0x98: {  	s16 =	simm.s32 $0x1280;
	s0 =	sadd.s32 s3, s0;
	s21 =	spop (v2sf);
	(v2sf) =	vpush v0, $0x8  }
0x99: {  	[tilespmem:s16], [sflag:$0x1] =	stream.linear.gather [hbm4b:s0+s2], $0x80, $0x38;
	[tilespmem:$0x10200] =	vst v63  }
0x9a: {  	s0 =	sand.u32 $0x1FFFFFF0, s17  }
0x9b: {  	s18 =	simm.s32 $0x1300;
	s0 =	sadd.s32 s3, s0  }
0x9c: {  	[tilespmem:s18], [sflag:$0x1] =	stream.linear.gather [hbm4b:s0+s2], $0x80, $0x38;
	[tilespmem:$0x10200] =	vst v63  }
0x9d: {  	s0 =	sand.u32 $0x1FFFFFF0, s19  }
0x9e: {  	s20 =	simm.s32 $0x1380;
	s0 =	sadd.s32 s3, s0;
	s25 =	spop (v2sf);
	(v2sf) =	vpush v0, $0x9  }
0x9f: {  	[tilespmem:s20], [sflag:$0x1] =	stream.linear.gather [hbm4b:s0+s2], $0x80, $0x38;
	[tilespmem:$0x10200] =	vst v63  }
0xa0: {  	s0 =	sand.u32 $0x1FFFFFF0, s21;
	s30 =	spop (v2sf);
	(v2sf) =	vpush v0, $0xA  }
0xa1: {  	s24 =	simm.s32 $0x1400;
	s0 =	sadd.s32 s3, s0  }
0xa2: {  	[tilespmem:s24], [sflag:$0x1] =	stream.linear.gather [hbm4b:s0+s2], $0x80, $0x38;
	[tilespmem:$0x10200] =	vst v63  }
0xa3: {  	s0 =	sand.u32 $0x1FFFFFF0, s25;
	s7 =	spop (v2sf);
	(v2sf) =	vpush v0, $0xB  }
0xa4: {  	s26 =	simm.s32 $0x1480;
	s0 =	sadd.s32 s3, s0  }
0xa5: {  	[tilespmem:s26], [sflag:$0x1] =	stream.linear.gather [hbm4b:s0+s2], $0x80, $0x38;
	[tilespmem:$0x10200] =	vst v63  }
0xa6: {  	s0 =	sand.u32 $0x1FFFFFF0, s30  }
0xa7: {  	s31 =	simm.s32 $0x1500;
	s0 =	sadd.s32 s3, s0;
	s11 =	spop (v2sf)  }
0xa8: {  	(v2sf) =	vpush v0, $0xC;
	[tilespmem:s31], [sflag:$0x1] =	stream.linear.gather [hbm4b:s0+s2], $0x80, $0x38;
	[tilespmem:$0x10200] =	vst v63  }
0xa9: {  	s0 =	sand.u32 $0x1FFFFFF0, s7  }
0xaa: {  	s8 =	simm.s32 $0x1580;
	s0 =	sadd.s32 s3, s0  }
0xab: {  	[tilespmem:s8], [sflag:$0x1] =	stream.linear.gather [hbm4b:s0+s2], $0x80, $0x38;
	[tilespmem:$0x10200] =	vst v63  }
0xac: {  	s0 =	sand.u32 $0x1FFFFFF0, s11  }
0xad: {  	s12 =	simm.s32 $0x1600;
	s0 =	sadd.s32 s3, s0;
	s13 =	spop (v2sf);
	(v2sf) =	vpush v0, $0xD  }
0xae: {  	[tilespmem:s12], [sflag:$0x1] =	stream.linear.gather [hbm4b:s0+s2], $0x80, $0x38;
	[tilespmem:$0x10200] =	vst v63  }
0xaf: {  	s0 =	sand.u32 $0x1FFFFFF0, s13;
	s15 =	spop (v2sf);
	(v2sf) =	vpush v0, $0xE  }
0xb0: {  	s14 =	simm.s32 $0x1680;
	s0 =	sadd.s32 s3, s0  }
0xb1: {  	[tilespmem:s14], [sflag:$0x1] =	stream.linear.gather [hbm4b:s0+s2], $0x80, $0x38;
	[tilespmem:$0x10200] =	vst v63  }
0xb2: {  	s17 =	spop (v2sf);
	(v2sf) =	vpush v0, $0xF  }
0xb3: {  	s0 =	sand.u32 $0x1FFFFFF0, s15  }
0xb4: {  	s16 =	simm.s32 $0x1700;
	s0 =	sadd.s32 s3, s0  }
0xb5: {  	[tilespmem:s16], [sflag:$0x1] =	stream.linear.gather [hbm4b:s0+s2], $0x80, $0x38;
	[tilespmem:$0x10200] =	vst v63  }
0xb6: {  	s0 =	sand.u32 $0x1FFFFFF0, s17  }
0xb7: {  	s18 =	simm.s32 $0x1780;
	s19 =	spop (v2sf);
	s0 =	sadd.s32 s3, s0  }
0xb8: {  	[tilespmem:s18], [sflag:$0x1] =	stream.linear.gather [hbm4b:s0+s2], $0x80, $0x38;
	[tilespmem:$0x10200] =	vst v63  }
0xb9: {  	s0 =	sand.u32 $0x1FFFFFF0, s19  }
0xba: {  	s20 =	simm.s32 $0x1800;
	s0 =	sadd.s32 s3, s0  }
0xbb: {  	[tilespmem:s20], [sflag:$0x1] =	stream.linear.gather [hbm4b:s0+s2], $0x80, $0x38;
	[tilespmem:$0x10200] =	vst v63  }
0xbc: {  	s21 =	spop (v2sf)  }
0xbd: {  	s0 =	sand.u32 $0x1FFFFFF0, s21  }
0xbe: {  	s24 =	simm.s32 $0x1880;
	s25 =	spop (v2sf);
	s0 =	sadd.s32 s3, s0  }
0xbf: {  	[tilespmem:s24], [sflag:$0x1] =	stream.linear.gather [hbm4b:s0+s2], $0x80, $0x38;
	[tilespmem:$0x10200] =	vst v63  }
0xc0: {  	s0 =	sand.u32 $0x1FFFFFF0, s25  }
0xc1: {  	s26 =	simm.s32 $0x1900;
	s30 =	spop (v2sf);
	s0 =	sadd.s32 s3, s0  }
0xc2: {  	[tilespmem:s26], [sflag:$0x1] =	stream.linear.gather [hbm4b:s0+s2], $0x80, $0x38;
	[tilespmem:$0x10200] =	vst v63  }
0xc3: {  	s0 =	sand.u32 $0x1FFFFFF0, s30  }
0xc4: {  	s31 =	simm.s32 $0x1980;
	s0 =	sadd.s32 s3, s0  }
0xc5: {  	[tilespmem:s31], [sflag:$0x1] =	stream.linear.gather [hbm4b:s0+s2], $0x80, $0x38;
	[tilespmem:$0x10200] =	vst v63  }
0xc6: {  	v0 =	vld [tilespmem:$0x30];
	_ =	sdelay $0x4  }
0xc7: {  	v0 =	vshll.u32 v0, $0x4  }
0xc8: {  	(v2sf) =	vpush v0, $0x0;
	_ =	sdelay $0x1  }
0xc9: {  	(v2sf) =	vpush v0, $0x1;
	_ =	sdelay $0x1  }
0xca: {  	(v2sf) =	vpush v0, $0x2  }
0xcb: {  	(v2sf) =	vpush v0, $0x3;
	_ =	sdelay $0x3  }
0xcc: {  	(v2sf) =	vpush v0, $0x4;
	_ =	sdelay $0x5  }
0xcd: {  	s7 =	spop (v2sf);
	(v2sf) =	vpush v0, $0x5;
	_ =	sdelay $0x1  }
0xce: {  	s11 =	spop (v2sf);
	(v2sf) =	vpush v0, $0x6;
	_ =	sdelay $0x1  }
0xcf: {  	s13 =	spop (v2sf)  }
0xd0: {  	s0 =	sand.u32 $0x1FFFFFF0, s7;
	s15 =	spop (v2sf);
	(v2sf) =	vpush v0, $0x7  }
0xd1: {  	s8 =	simm.s32 $0x1A00;
	s0 =	sadd.s32 s3, s0  }
0xd2: {  	[tilespmem:s8], [sflag:$0x1] =	stream.linear.gather [hbm4b:s0+s2], $0x80, $0x38;
	[tilespmem:$0x10200] =	vst v63  }
0xd3: {  	s0 =	sand.u32 $0x1FFFFFF0, s11  }
0xd4: {  	s12 =	simm.s32 $0x1A80;
	s0 =	sadd.s32 s3, s0;
	s17 =	spop (v2sf);
	(v2sf) =	vpush v0, $0x8  }
0xd5: {  	[tilespmem:s12], [sflag:$0x1] =	stream.linear.gather [hbm4b:s0+s2], $0x80, $0x38;
	[tilespmem:$0x10200] =	vst v63  }
0xd6: {  	s0 =	sand.u32 $0x1FFFFFF0, s13  }
0xd7: {  	s14 =	simm.s32 $0x1B00;
	s0 =	sadd.s32 s3, s0  }
0xd8: {  	[tilespmem:s14], [sflag:$0x1] =	stream.linear.gather [hbm4b:s0+s2], $0x80, $0x38;
	[tilespmem:$0x10200] =	vst v63  }
0xd9: {  	s0 =	sand.u32 $0x1FFFFFF0, s15  }
0xda: {  	s16 =	simm.s32 $0x1B80;
	s0 =	sadd.s32 s3, s0;
	s19 =	spop (v2sf);
	(v2sf) =	vpush v0, $0x9  }
0xdb: {  	[tilespmem:s16], [sflag:$0x1] =	stream.linear.gather [hbm4b:s0+s2], $0x80, $0x38;
	[tilespmem:$0x10200] =	vst v63  }
0xdc: {  	s0 =	sand.u32 $0x1FFFFFF0, s17;
	s21 =	spop (v2sf);
	(v2sf) =	vpush v0, $0xA  }
0xdd: {  	s18 =	simm.s32 $0x1C00;
	s0 =	sadd.s32 s3, s0  }
0xde: {  	[tilespmem:s18], [sflag:$0x1] =	stream.linear.gather [hbm4b:s0+s2], $0x80, $0x38;
	[tilespmem:$0x10200] =	vst v63  }
0xdf: {  	s0 =	sand.u32 $0x1FFFFFF0, s19;
	s25 =	spop (v2sf);
	(v2sf) =	vpush v0, $0xB  }
0xe0: {  	s20 =	simm.s32 $0x1C80;
	s0 =	sadd.s32 s3, s0  }
0xe1: {  	[tilespmem:s20], [sflag:$0x1] =	stream.linear.gather [hbm4b:s0+s2], $0x80, $0x38;
	[tilespmem:$0x10200] =	vst v63  }
0xe2: {  	s0 =	sand.u32 $0x1FFFFFF0, s21  }
0xe3: {  	s24 =	simm.s32 $0x1D00;
	s0 =	sadd.s32 s3, s0;
	s30 =	spop (v2sf)  }
0xe4: {  	(v2sf) =	vpush v0, $0xC;
	[tilespmem:s24], [sflag:$0x1] =	stream.linear.gather [hbm4b:s0+s2], $0x80, $0x38;
	[tilespmem:$0x10200] =	vst v63  }
0xe5: {  	s0 =	sand.u32 $0x1FFFFFF0, s25  }
0xe6: {  	s26 =	simm.s32 $0x1D80;
	s0 =	sadd.s32 s3, s0  }
0xe7: {  	[tilespmem:s26], [sflag:$0x1] =	stream.linear.gather [hbm4b:s0+s2], $0x80, $0x38;
	[tilespmem:$0x10200] =	vst v63  }
0xe8: {  	s0 =	sand.u32 $0x1FFFFFF0, s30  }
0xe9: {  	s31 =	simm.s32 $0x1E00;
	s0 =	sadd.s32 s3, s0;
	s7 =	spop (v2sf);
	(v2sf) =	vpush v0, $0xD  }
0xea: {  	[tilespmem:s31], [sflag:$0x1] =	stream.linear.gather [hbm4b:s0+s2], $0x80, $0x38;
	[tilespmem:$0x10200] =	vst v63  }
0xeb: {  	s0 =	sand.u32 $0x1FFFFFF0, s7;
	s11 =	spop (v2sf);
	(v2sf) =	vpush v0, $0xE  }
0xec: {  	s8 =	simm.s32 $0x1E80;
	s0 =	sadd.s32 s3, s0  }
0xed: {  	[tilespmem:s8], [sflag:$0x1] =	stream.linear.gather [hbm4b:s0+s2], $0x80, $0x38;
	[tilespmem:$0x10200] =	vst v63  }
0xee: {  	s13 =	spop (v2sf);
	(v2sf) =	vpush v0, $0xF  }
0xef: {  	s0 =	sand.u32 $0x1FFFFFF0, s11  }
0xf0: {  	s12 =	simm.s32 $0x1F00;
	s0 =	sadd.s32 s3, s0  }
0xf1: {  	[tilespmem:s12], [sflag:$0x1] =	stream.linear.gather [hbm4b:s0+s2], $0x80, $0x38;
	[tilespmem:$0x10200] =	vst v63  }
0xf2: {  	s0 =	sand.u32 $0x1FFFFFF0, s13  }
0xf3: {  	s14 =	simm.s32 $0x1F80;
	s15 =	spop (v2sf);
	s0 =	sadd.s32 s3, s0  }
0xf4: {  	[tilespmem:s14], [sflag:$0x1] =	stream.linear.gather [hbm4b:s0+s2], $0x80, $0x38;
	[tilespmem:$0x10200] =	vst v63  }
0xf5: {  	s0 =	sand.u32 $0x1FFFFFF0, s15  }
0xf6: {  	s16 =	simm.s32 $0x2000;
	s0 =	sadd.s32 s3, s0  }
0xf7: {  	[tilespmem:s16], [sflag:$0x1] =	stream.linear.gather [hbm4b:s0+s2], $0x80, $0x38;
	[tilespmem:$0x10200] =	vst v63  }
0xf8: {  	s17 =	spop (v2sf)  }
0xf9: {  	s0 =	sand.u32 $0x1FFFFFF0, s17  }
0xfa: {  	s18 =	simm.s32 $0x2080;
	s19 =	spop (v2sf);
	s0 =	sadd.s32 s3, s0  }
0xfb: {  	[tilespmem:s18], [sflag:$0x1] =	stream.linear.gather [hbm4b:s0+s2], $0x80, $0x38;
	[tilespmem:$0x10200] =	vst v63  }
0xfc: {  	s0 =	sand.u32 $0x1FFFFFF0, s19  }
0xfd: {  	s20 =	simm.s32 $0x2100;
	s21 =	spop (v2sf);
	s0 =	sadd.s32 s3, s0  }
0xfe: {  	[tilespmem:s20], [sflag:$0x1] =	stream.linear.gather [hbm4b:s0+s2], $0x80, $0x38;
	[tilespmem:$0x10200] =	vst v63  }
0xff: {  	s0 =	sand.u32 $0x1FFFFFF0, s21  }
0x100: {  	s24 =	simm.s32 $0x2180;
	s0 =	sadd.s32 s3, s0  }
0x101: {  	[tilespmem:s24], [sflag:$0x1] =	stream.linear.gather [hbm4b:s0+s2], $0x80, $0x38;
	[tilespmem:$0x10200] =	vst v63  }
0x102: {  	v0 =	vld [tilespmem:$0x40];
	_ =	sdelay $0x4  }
0x103: {  	v0 =	vshll.u32 v0, $0x4  }
0x104: {  	(v2sf) =	vpush v0, $0x0;
	_ =	sdelay $0x1  }
0x105: {  	(v2sf) =	vpush v0, $0x1;
	_ =	sdelay $0x1  }
0x106: {  	(v2sf) =	vpush v0, $0x2  }
0x107: {  	(v2sf) =	vpush v0, $0x3;
	_ =	sdelay $0x3  }
0x108: {  	(v2sf) =	vpush v0, $0x4;
	_ =	sdelay $0x5  }
0x109: {  	s25 =	spop (v2sf);
	(v2sf) =	vpush v0, $0x5;
	_ =	sdelay $0x1  }
0x10a: {  	s30 =	spop (v2sf);
	(v2sf) =	vpush v0, $0x6;
	_ =	sdelay $0x1  }
0x10b: {  	s7 =	spop (v2sf)  }
0x10c: {  	s0 =	sand.u32 $0x1FFFFFF0, s25;
	s11 =	spop (v2sf);
	(v2sf) =	vpush v0, $0x7  }
0x10d: {  	s26 =	simm.s32 $0x2200;
	s0 =	sadd.s32 s3, s0  }
0x10e: {  	[tilespmem:s26], [sflag:$0x1] =	stream.linear.gather [hbm4b:s0+s2], $0x80, $0x38;
	[tilespmem:$0x10200] =	vst v63  }
0x10f: {  	s0 =	sand.u32 $0x1FFFFFF0, s30  }
0x110: {  	s31 =	simm.s32 $0x2280;
	s0 =	sadd.s32 s3, s0;
	s13 =	spop (v2sf);
	(v2sf) =	vpush v0, $0x8  }
0x111: {  	[tilespmem:s31], [sflag:$0x1] =	stream.linear.gather [hbm4b:s0+s2], $0x80, $0x38;
	[tilespmem:$0x10200] =	vst v63  }
0x112: {  	s0 =	sand.u32 $0x1FFFFFF0, s7  }
0x113: {  	s8 =	simm.s32 $0x2300;
	s0 =	sadd.s32 s3, s0  }
0x114: {  	[tilespmem:s8], [sflag:$0x1] =	stream.linear.gather [hbm4b:s0+s2], $0x80, $0x38;
	[tilespmem:$0x10200] =	vst v63  }
0x115: {  	s0 =	sand.u32 $0x1FFFFFF0, s11  }
0x116: {  	s12 =	simm.s32 $0x2380;
	s0 =	sadd.s32 s3, s0;
	s15 =	spop (v2sf);
	(v2sf) =	vpush v0, $0x9  }
0x117: {  	[tilespmem:s12], [sflag:$0x1] =	stream.linear.gather [hbm4b:s0+s2], $0x80, $0x38;
	[tilespmem:$0x10200] =	vst v63  }
0x118: {  	s0 =	sand.u32 $0x1FFFFFF0, s13;
	s17 =	spop (v2sf);
	(v2sf) =	vpush v0, $0xA  }
0x119: {  	s14 =	simm.s32 $0x2400;
	s0 =	sadd.s32 s3, s0  }
0x11a: {  	[tilespmem:s14], [sflag:$0x1] =	stream.linear.gather [hbm4b:s0+s2], $0x80, $0x38;
	[tilespmem:$0x10200] =	vst v63  }
0x11b: {  	s0 =	sand.u32 $0x1FFFFFF0, s15;
	s19 =	spop (v2sf);
	(v2sf) =	vpush v0, $0xB  }
0x11c: {  	s16 =	simm.s32 $0x2480;
	s0 =	sadd.s32 s3, s0  }
0x11d: {  	[tilespmem:s16], [sflag:$0x1] =	stream.linear.gather [hbm4b:s0+s2], $0x80, $0x38;
	[tilespmem:$0x10200] =	vst v63  }
0x11e: {  	s0 =	sand.u32 $0x1FFFFFF0, s17  }
0x11f: {  	s18 =	simm.s32 $0x2500;
	s0 =	sadd.s32 s3, s0;
	s21 =	spop (v2sf)  }
0x120: {  	(v2sf) =	vpush v0, $0xC;
	[tilespmem:s18], [sflag:$0x1] =	stream.linear.gather [hbm4b:s0+s2], $0x80, $0x38;
	[tilespmem:$0x10200] =	vst v63  }
0x121: {  	s0 =	sand.u32 $0x1FFFFFF0, s19  }
0x122: {  	s20 =	simm.s32 $0x2580;
	s0 =	sadd.s32 s3, s0  }
0x123: {  	[tilespmem:s20], [sflag:$0x1] =	stream.linear.gather [hbm4b:s0+s2], $0x80, $0x38;
	[tilespmem:$0x10200] =	vst v63  }
0x124: {  	s0 =	sand.u32 $0x1FFFFFF0, s21  }
0x125: {  	s24 =	simm.s32 $0x2600;
	s0 =	sadd.s32 s3, s0;
	s25 =	spop (v2sf);
	(v2sf) =	vpush v0, $0xD  }
0x126: {  	[tilespmem:s24], [sflag:$0x1] =	stream.linear.gather [hbm4b:s0+s2], $0x80, $0x38;
	[tilespmem:$0x10200] =	vst v63  }
0x127: {  	s0 =	sand.u32 $0x1FFFFFF0, s25;
	s30 =	spop (v2sf);
	(v2sf) =	vpush v0, $0xE  }
0x128: {  	s26 =	simm.s32 $0x2680;
	s0 =	sadd.s32 s3, s0  }
0x129: {  	[tilespmem:s26], [sflag:$0x1] =	stream.linear.gather [hbm4b:s0+s2], $0x80, $0x38;
	[tilespmem:$0x10200] =	vst v63  }
0x12a: {  	s7 =	spop (v2sf);
	(v2sf) =	vpush v0, $0xF  }
0x12b: {  	s0 =	sand.u32 $0x1FFFFFF0, s30  }
0x12c: {  	s31 =	simm.s32 $0x2700;
	s0 =	sadd.s32 s3, s0  }
0x12d: {  	[tilespmem:s31], [sflag:$0x1] =	stream.linear.gather [hbm4b:s0+s2], $0x80, $0x38;
	[tilespmem:$0x10200] =	vst v63  }
0x12e: {  	s0 =	sand.u32 $0x1FFFFFF0, s7  }
0x12f: {  	s8 =	simm.s32 $0x2780;
	s11 =	spop (v2sf);
	s0 =	sadd.s32 s3, s0  }
0x130: {  	[tilespmem:s8], [sflag:$0x1] =	stream.linear.gather [hbm4b:s0+s2], $0x80, $0x38;
	[tilespmem:$0x10200] =	vst v63  }
0x131: {  	s0 =	sand.u32 $0x1FFFFFF0, s11  }
0x132: {  	s12 =	simm.s32 $0x2800;
	s0 =	sadd.s32 s3, s0  }
0x133: {  	[tilespmem:s12], [sflag:$0x1] =	stream.linear.gather [hbm4b:s0+s2], $0x80, $0x38;
	[tilespmem:$0x10200] =	vst v63  }
0x134: {  	s13 =	spop (v2sf)  }
0x135: {  	s0 =	sand.u32 $0x1FFFFFF0, s13  }
0x136: {  	s14 =	simm.s32 $0x2880;
	s15 =	spop (v2sf);
	s0 =	sadd.s32 s3, s0  }
0x137: {  	[tilespmem:s14], [sflag:$0x1] =	stream.linear.gather [hbm4b:s0+s2], $0x80, $0x38;
	[tilespmem:$0x10200] =	vst v63  }
0x138: {  	s0 =	sand.u32 $0x1FFFFFF0, s15  }
0x139: {  	s16 =	simm.s32 $0x2900;
	s17 =	spop (v2sf);
	s0 =	sadd.s32 s3, s0  }
0x13a: {  	[tilespmem:s16], [sflag:$0x1] =	stream.linear.gather [hbm4b:s0+s2], $0x80, $0x38;
	[tilespmem:$0x10200] =	vst v63  }
0x13b: {  	s0 =	sand.u32 $0x1FFFFFF0, s17  }
0x13c: {  	s18 =	simm.s32 $0x2980;
	s0 =	sadd.s32 s3, s0  }
0x13d: {  	[tilespmem:s18], [sflag:$0x1] =	stream.linear.gather [hbm4b:s0+s2], $0x80, $0x38;
	[tilespmem:$0x10200] =	vst v63  }
0x13e: {  	v0 =	vld [tilespmem:$0x50];
	_ =	sdelay $0x4  }
0x13f: {  	v0 =	vshll.u32 v0, $0x4  }
0x140: {  	(v2sf) =	vpush v0, $0x0;
	_ =	sdelay $0x1  }
0x141: {  	(v2sf) =	vpush v0, $0x1;
	_ =	sdelay $0x1  }
0x142: {  	(v2sf) =	vpush v0, $0x2  }
0x143: {  	(v2sf) =	vpush v0, $0x3;
	_ =	sdelay $0x3  }
0x144: {  	(v2sf) =	vpush v0, $0x4;
	_ =	sdelay $0x5  }
0x145: {  	s19 =	spop (v2sf);
	(v2sf) =	vpush v0, $0x5;
	_ =	sdelay $0x1  }
0x146: {  	s21 =	spop (v2sf);
	(v2sf) =	vpush v0, $0x6;
	_ =	sdelay $0x1  }
0x147: {  	s25 =	spop (v2sf)  }
0x148: {  	s0 =	sand.u32 $0x1FFFFFF0, s19;
	s30 =	spop (v2sf);
	(v2sf) =	vpush v0, $0x7  }
0x149: {  	s20 =	simm.s32 $0x2A00;
	s0 =	sadd.s32 s3, s0  }
0x14a: {  	[tilespmem:s20], [sflag:$0x1] =	stream.linear.gather [hbm4b:s0+s2], $0x80, $0x38;
	[tilespmem:$0x10200] =	vst v63  }
0x14b: {  	s0 =	sand.u32 $0x1FFFFFF0, s21  }
0x14c: {  	s24 =	simm.s32 $0x2A80;
	s0 =	sadd.s32 s3, s0;
	s7 =	spop (v2sf);
	(v2sf) =	vpush v0, $0x8  }
0x14d: {  	[tilespmem:s24], [sflag:$0x1] =	stream.linear.gather [hbm4b:s0+s2], $0x80, $0x38;
	[tilespmem:$0x10200] =	vst v63  }
0x14e: {  	s0 =	sand.u32 $0x1FFFFFF0, s25  }
0x14f: {  	s26 =	simm.s32 $0x2B00;
	s0 =	sadd.s32 s3, s0  }
0x150: {  	[tilespmem:s26], [sflag:$0x1] =	stream.linear.gather [hbm4b:s0+s2], $0x80, $0x38;
	[tilespmem:$0x10200] =	vst v63  }
0x151: {  	s0 =	sand.u32 $0x1FFFFFF0, s30  }
0x152: {  	s31 =	simm.s32 $0x2B80;
	s0 =	sadd.s32 s3, s0;
	s11 =	spop (v2sf);
	(v2sf) =	vpush v0, $0x9  }
0x153: {  	[tilespmem:s31], [sflag:$0x1] =	stream.linear.gather [hbm4b:s0+s2], $0x80, $0x38;
	[tilespmem:$0x10200] =	vst v63  }
0x154: {  	s0 =	sand.u32 $0x1FFFFFF0, s7;
	s13 =	spop (v2sf);
	(v2sf) =	vpush v0, $0xA  }
0x155: {  	s8 =	simm.s32 $0x2C00;
	s0 =	sadd.s32 s3, s0  }
0x156: {  	[tilespmem:s8], [sflag:$0x1] =	stream.linear.gather [hbm4b:s0+s2], $0x80, $0x38;
	[tilespmem:$0x10200] =	vst v63  }
0x157: {  	s0 =	sand.u32 $0x1FFFFFF0, s11;
	s15 =	spop (v2sf);
	(v2sf) =	vpush v0, $0xB  }
0x158: {  	s12 =	simm.s32 $0x2C80;
	s0 =	sadd.s32 s3, s0  }
0x159: {  	[tilespmem:s12], [sflag:$0x1] =	stream.linear.gather [hbm4b:s0+s2], $0x80, $0x38;
	[tilespmem:$0x10200] =	vst v63  }
0x15a: {  	s0 =	sand.u32 $0x1FFFFFF0, s13  }
0x15b: {  	s14 =	simm.s32 $0x2D00;
	s0 =	sadd.s32 s3, s0;
	s17 =	spop (v2sf)  }
0x15c: {  	(v2sf) =	vpush v0, $0xC;
	[tilespmem:s14], [sflag:$0x1] =	stream.linear.gather [hbm4b:s0+s2], $0x80, $0x38;
	[tilespmem:$0x10200] =	vst v63  }
0x15d: {  	s0 =	sand.u32 $0x1FFFFFF0, s15  }
0x15e: {  	s16 =	simm.s32 $0x2D80;
	s0 =	sadd.s32 s3, s0  }
0x15f: {  	[tilespmem:s16], [sflag:$0x1] =	stream.linear.gather [hbm4b:s0+s2], $0x80, $0x38;
	[tilespmem:$0x10200] =	vst v63  }
0x160: {  	s0 =	sand.u32 $0x1FFFFFF0, s17  }
0x161: {  	s18 =	simm.s32 $0x2E00;
	s0 =	sadd.s32 s3, s0;
	s19 =	spop (v2sf);
	(v2sf) =	vpush v0, $0xD  }
0x162: {  	[tilespmem:s18], [sflag:$0x1] =	stream.linear.gather [hbm4b:s0+s2], $0x80, $0x38;
	[tilespmem:$0x10200] =	vst v63  }
0x163: {  	s0 =	sand.u32 $0x1FFFFFF0, s19;
	s21 =	spop (v2sf);
	(v2sf) =	vpush v0, $0xE  }
0x164: {  	s20 =	simm.s32 $0x2E80;
	s0 =	sadd.s32 s3, s0  }
0x165: {  	[tilespmem:s20], [sflag:$0x1] =	stream.linear.gather [hbm4b:s0+s2], $0x80, $0x38;
	[tilespmem:$0x10200] =	vst v63  }
0x166: {  	s25 =	spop (v2sf);
	(v2sf) =	vpush v0, $0xF  }
0x167: {  	s0 =	sand.u32 $0x1FFFFFF0, s21  }
0x168: {  	s24 =	simm.s32 $0x2F00;
	s0 =	sadd.s32 s3, s0  }
0x169: {  	[tilespmem:s24], [sflag:$0x1] =	stream.linear.gather [hbm4b:s0+s2], $0x80, $0x38;
	[tilespmem:$0x10200] =	vst v63  }
0x16a: {  	s0 =	sand.u32 $0x1FFFFFF0, s25  }
0x16b: {  	s26 =	simm.s32 $0x2F80;
	s30 =	spop (v2sf);
	s0 =	sadd.s32 s3, s0  }
0x16c: {  	[tilespmem:s26], [sflag:$0x1] =	stream.linear.gather [hbm4b:s0+s2], $0x80, $0x38;
	[tilespmem:$0x10200] =	vst v63  }
0x16d: {  	s0 =	sand.u32 $0x1FFFFFF0, s30  }
0x16e: {  	s31 =	simm.s32 $0x3000;
	s0 =	sadd.s32 s3, s0  }
0x16f: {  	[tilespmem:s31], [sflag:$0x1] =	stream.linear.gather [hbm4b:s0+s2], $0x80, $0x38;
	[tilespmem:$0x10200] =	vst v63  }
0x170: {  	s7 =	spop (v2sf)  }
0x171: {  	s0 =	sand.u32 $0x1FFFFFF0, s7  }
0x172: {  	s8 =	simm.s32 $0x3080;
	s11 =	spop (v2sf);
	s0 =	sadd.s32 s3, s0  }
0x173: {  	[tilespmem:s8], [sflag:$0x1] =	stream.linear.gather [hbm4b:s0+s2], $0x80, $0x38;
	[tilespmem:$0x10200] =	vst v63  }
0x174: {  	s0 =	sand.u32 $0x1FFFFFF0, s11  }
0x175: {  	s12 =	simm.s32 $0x3100;
	s13 =	spop (v2sf);
	s0 =	sadd.s32 s3, s0  }
0x176: {  	[tilespmem:s12], [sflag:$0x1] =	stream.linear.gather [hbm4b:s0+s2], $0x80, $0x38;
	[tilespmem:$0x10200] =	vst v63  }
0x177: {  	s0 =	sand.u32 $0x1FFFFFF0, s13  }
0x178: {  	s14 =	simm.s32 $0x3180;
	s0 =	sadd.s32 s3, s0  }
0x179: {  	[tilespmem:s14], [sflag:$0x1] =	stream.linear.gather [hbm4b:s0+s2], $0x80, $0x38;
	[tilespmem:$0x10200] =	vst v63  }
0x17a: {  	v0 =	vld [tilespmem:$0x60];
	_ =	sdelay $0x4  }
0x17b: {  	v0 =	vshll.u32 v0, $0x4  }
0x17c: {  	(v2sf) =	vpush v0, $0x0;
	_ =	sdelay $0x1  }
0x17d: {  	(v2sf) =	vpush v0, $0x1;
	_ =	sdelay $0x1  }
0x17e: {  	(v2sf) =	vpush v0, $0x2  }
0x17f: {  	(v2sf) =	vpush v0, $0x3;
	_ =	sdelay $0x3  }
0x180: {  	(v2sf) =	vpush v0, $0x4;
	_ =	sdelay $0x5  }
0x181: {  	s15 =	spop (v2sf);
	(v2sf) =	vpush v0, $0x5;
	_ =	sdelay $0x1  }
0x182: {  	s17 =	spop (v2sf);
	(v2sf) =	vpush v0, $0x6;
	_ =	sdelay $0x1  }
0x183: {  	s19 =	spop (v2sf)  }
0x184: {  	s0 =	sand.u32 $0x1FFFFFF0, s15;
	s21 =	spop (v2sf);
	(v2sf) =	vpush v0, $0x7  }
0x185: {  	s16 =	simm.s32 $0x3200;
	s0 =	sadd.s32 s3, s0  }
0x186: {  	[tilespmem:s16], [sflag:$0x1] =	stream.linear.gather [hbm4b:s0+s2], $0x80, $0x38;
	[tilespmem:$0x10200] =	vst v63  }
0x187: {  	s0 =	sand.u32 $0x1FFFFFF0, s17  }
0x188: {  	s18 =	simm.s32 $0x3280;
	s0 =	sadd.s32 s3, s0;
	s25 =	spop (v2sf);
	(v2sf) =	vpush v0, $0x8  }
0x189: {  	[tilespmem:s18], [sflag:$0x1] =	stream.linear.gather [hbm4b:s0+s2], $0x80, $0x38;
	[tilespmem:$0x10200] =	vst v63  }
0x18a: {  	s0 =	sand.u32 $0x1FFFFFF0, s19  }
0x18b: {  	s20 =	simm.s32 $0x3300;
	s0 =	sadd.s32 s3, s0  }
0x18c: {  	[tilespmem:s20], [sflag:$0x1] =	stream.linear.gather [hbm4b:s0+s2], $0x80, $0x38;
	[tilespmem:$0x10200] =	vst v63  }
0x18d: {  	s0 =	sand.u32 $0x1FFFFFF0, s21  }
0x18e: {  	s24 =	simm.s32 $0x3380;
	s0 =	sadd.s32 s3, s0;
	s30 =	spop (v2sf);
	(v2sf) =	vpush v0, $0x9  }
0x18f: {  	[tilespmem:s24], [sflag:$0x1] =	stream.linear.gather [hbm4b:s0+s2], $0x80, $0x38;
	[tilespmem:$0x10200] =	vst v63  }
0x190: {  	s0 =	sand.u32 $0x1FFFFFF0, s25;
	s7 =	spop (v2sf);
	(v2sf) =	vpush v0, $0xA  }
0x191: {  	s26 =	simm.s32 $0x3400;
	s0 =	sadd.s32 s3, s0  }
0x192: {  	[tilespmem:s26], [sflag:$0x1] =	stream.linear.gather [hbm4b:s0+s2], $0x80, $0x38;
	[tilespmem:$0x10200] =	vst v63  }
0x193: {  	s0 =	sand.u32 $0x1FFFFFF0, s30;
	s11 =	spop (v2sf);
	(v2sf) =	vpush v0, $0xB  }
0x194: {  	s31 =	simm.s32 $0x3480;
	s0 =	sadd.s32 s3, s0  }
0x195: {  	[tilespmem:s31], [sflag:$0x1] =	stream.linear.gather [hbm4b:s0+s2], $0x80, $0x38;
	[tilespmem:$0x10200] =	vst v63  }
0x196: {  	s0 =	sand.u32 $0x1FFFFFF0, s7  }
0x197: {  	s8 =	simm.s32 $0x3500;
	s0 =	sadd.s32 s3, s0;
	s13 =	spop (v2sf)  }
0x198: {  	(v2sf) =	vpush v0, $0xC;
	[tilespmem:s8], [sflag:$0x1] =	stream.linear.gather [hbm4b:s0+s2], $0x80, $0x38;
	[tilespmem:$0x10200] =	vst v63  }
0x199: {  	s0 =	sand.u32 $0x1FFFFFF0, s11  }
0x19a: {  	s12 =	simm.s32 $0x3580;
	s0 =	sadd.s32 s3, s0  }
0x19b: {  	[tilespmem:s12], [sflag:$0x1] =	stream.linear.gather [hbm4b:s0+s2], $0x80, $0x38;
	[tilespmem:$0x10200] =	vst v63  }
0x19c: {  	s0 =	sand.u32 $0x1FFFFFF0, s13  }
0x19d: {  	s14 =	simm.s32 $0x3600;
	s0 =	sadd.s32 s3, s0;
	s15 =	spop (v2sf);
	(v2sf) =	vpush v0, $0xD  }
0x19e: {  	[tilespmem:s14], [sflag:$0x1] =	stream.linear.gather [hbm4b:s0+s2], $0x80, $0x38;
	[tilespmem:$0x10200] =	vst v63  }
0x19f: {  	s0 =	sand.u32 $0x1FFFFFF0, s15;
	s17 =	spop (v2sf);
	(v2sf) =	vpush v0, $0xE  }
0x1a0: {  	s16 =	simm.s32 $0x3680;
	s0 =	sadd.s32 s3, s0  }
0x1a1: {  	[tilespmem:s16], [sflag:$0x1] =	stream.linear.gather [hbm4b:s0+s2], $0x80, $0x38;
	[tilespmem:$0x10200] =	vst v63  }
0x1a2: {  	s19 =	spop (v2sf);
	(v2sf) =	vpush v0, $0xF  }
0x1a3: {  	s0 =	sand.u32 $0x1FFFFFF0, s17  }
0x1a4: {  	s18 =	simm.s32 $0x3700;
	s0 =	sadd.s32 s3, s0  }
0x1a5: {  	[tilespmem:s18], [sflag:$0x1] =	stream.linear.gather [hbm4b:s0+s2], $0x80, $0x38;
	[tilespmem:$0x10200] =	vst v63  }
0x1a6: {  	s0 =	sand.u32 $0x1FFFFFF0, s19  }
0x1a7: {  	s20 =	simm.s32 $0x3780;
	s21 =	spop (v2sf);
	s0 =	sadd.s32 s3, s0  }
0x1a8: {  	[tilespmem:s20], [sflag:$0x1] =	stream.linear.gather [hbm4b:s0+s2], $0x80, $0x38;
	[tilespmem:$0x10200] =	vst v63  }
0x1a9: {  	s0 =	sand.u32 $0x1FFFFFF0, s21  }
0x1aa: {  	s24 =	simm.s32 $0x3800;
	s0 =	sadd.s32 s3, s0  }
0x1ab: {  	[tilespmem:s24], [sflag:$0x1] =	stream.linear.gather [hbm4b:s0+s2], $0x80, $0x38;
	[tilespmem:$0x10200] =	vst v63  }
0x1ac: {  	s25 =	spop (v2sf)  }
0x1ad: {  	s0 =	sand.u32 $0x1FFFFFF0, s25  }
0x1ae: {  	s26 =	simm.s32 $0x3880;
	s30 =	spop (v2sf);
	s0 =	sadd.s32 s3, s0  }
0x1af: {  	[tilespmem:s26], [sflag:$0x1] =	stream.linear.gather [hbm4b:s0+s2], $0x80, $0x38;
	[tilespmem:$0x10200] =	vst v63  }
0x1b0: {  	s0 =	sand.u32 $0x1FFFFFF0, s30  }
0x1b1: {  	s31 =	simm.s32 $0x3900;
	s7 =	spop (v2sf);
	s0 =	sadd.s32 s3, s0  }
0x1b2: {  	[tilespmem:s31], [sflag:$0x1] =	stream.linear.gather [hbm4b:s0+s2], $0x80, $0x38;
	[tilespmem:$0x10200] =	vst v63  }
0x1b3: {  	s0 =	sand.u32 $0x1FFFFFF0, s7  }
0x1b4: {  	s8 =	simm.s32 $0x3980;
	s0 =	sadd.s32 s3, s0  }
0x1b5: {  	[tilespmem:s8], [sflag:$0x1] =	stream.linear.gather [hbm4b:s0+s2], $0x80, $0x38;
	[tilespmem:$0x10200] =	vst v63  }
0x1b6: {  	v0 =	vld [tilespmem:$0x70];
	_ =	sdelay $0x4  }
0x1b7: {  	v0 =	vshll.u32 v0, $0x4  }
0x1b8: {  	(v2sf) =	vpush v0, $0x0;
	_ =	sdelay $0x1  }
0x1b9: {  	(v2sf) =	vpush v0, $0x1;
	_ =	sdelay $0x1  }
0x1ba: {  	(v2sf) =	vpush v0, $0x2  }
0x1bb: {  	(v2sf) =	vpush v0, $0x3;
	_ =	sdelay $0x3  }
0x1bc: {  	(v2sf) =	vpush v0, $0x4;
	_ =	sdelay $0x5  }
0x1bd: {  	s11 =	spop (v2sf);
	(v2sf) =	vpush v0, $0x5;
	_ =	sdelay $0x1  }
0x1be: {  	s13 =	spop (v2sf);
	(v2sf) =	vpush v0, $0x6;
	_ =	sdelay $0x1  }
0x1bf: {  	s15 =	spop (v2sf)  }
0x1c0: {  	s0 =	sand.u32 $0x1FFFFFF0, s11;
	s17 =	spop (v2sf);
	(v2sf) =	vpush v0, $0x7  }
0x1c1: {  	s12 =	simm.s32 $0x3A00;
	s0 =	sadd.s32 s3, s0  }
0x1c2: {  	[tilespmem:s12], [sflag:$0x1] =	stream.linear.gather [hbm4b:s0+s2], $0x80, $0x38;
	[tilespmem:$0x10200] =	vst v63  }
0x1c3: {  	s0 =	sand.u32 $0x1FFFFFF0, s13  }
0x1c4: {  	s14 =	simm.s32 $0x3A80;
	s0 =	sadd.s32 s3, s0;
	s19 =	spop (v2sf);
	(v2sf) =	vpush v0, $0x8  }
0x1c5: {  	[tilespmem:s14], [sflag:$0x1] =	stream.linear.gather [hbm4b:s0+s2], $0x80, $0x38;
	[tilespmem:$0x10200] =	vst v63  }
0x1c6: {  	s0 =	sand.u32 $0x1FFFFFF0, s15  }
0x1c7: {  	s16 =	simm.s32 $0x3B00;
	s0 =	sadd.s32 s3, s0  }
0x1c8: {  	[tilespmem:s16], [sflag:$0x1] =	stream.linear.gather [hbm4b:s0+s2], $0x80, $0x38;
	[tilespmem:$0x10200] =	vst v63  }
0x1c9: {  	s0 =	sand.u32 $0x1FFFFFF0, s17  }
0x1ca: {  	s18 =	simm.s32 $0x3B80;
	s0 =	sadd.s32 s3, s0;
	s21 =	spop (v2sf);
	(v2sf) =	vpush v0, $0x9  }
0x1cb: {  	[tilespmem:s18], [sflag:$0x1] =	stream.linear.gather [hbm4b:s0+s2], $0x80, $0x38;
	[tilespmem:$0x10200] =	vst v63  }
0x1cc: {  	s0 =	sand.u32 $0x1FFFFFF0, s19;
	s25 =	spop (v2sf);
	(v2sf) =	vpush v0, $0xA  }
0x1cd: {  	s20 =	simm.s32 $0x3C00;
	s0 =	sadd.s32 s3, s0  }
0x1ce: {  	[tilespmem:s20], [sflag:$0x1] =	stream.linear.gather [hbm4b:s0+s2], $0x80, $0x38;
	[tilespmem:$0x10200] =	vst v63  }
0x1cf: {  	s0 =	sand.u32 $0x1FFFFFF0, s21;
	s30 =	spop (v2sf);
	(v2sf) =	vpush v0, $0xB  }
0x1d0: {  	s24 =	simm.s32 $0x3C80;
	s0 =	sadd.s32 s3, s0  }
0x1d1: {  	[tilespmem:s24], [sflag:$0x1] =	stream.linear.gather [hbm4b:s0+s2], $0x80, $0x38;
	[tilespmem:$0x10200] =	vst v63  }
0x1d2: {  	s0 =	sand.u32 $0x1FFFFFF0, s25  }
0x1d3: {  	s26 =	simm.s32 $0x3D00;
	s0 =	sadd.s32 s3, s0;
	s7 =	spop (v2sf)  }
0x1d4: {  	(v2sf) =	vpush v0, $0xC;
	[tilespmem:s26], [sflag:$0x1] =	stream.linear.gather [hbm4b:s0+s2], $0x80, $0x38;
	[tilespmem:$0x10200] =	vst v63  }
0x1d5: {  	s0 =	sand.u32 $0x1FFFFFF0, s30  }
0x1d6: {  	s31 =	simm.s32 $0x3D80;
	s0 =	sadd.s32 s3, s0  }
0x1d7: {  	[tilespmem:s31], [sflag:$0x1] =	stream.linear.gather [hbm4b:s0+s2], $0x80, $0x38;
	[tilespmem:$0x10200] =	vst v63  }
0x1d8: {  	s0 =	sand.u32 $0x1FFFFFF0, s7  }
0x1d9: {  	s8 =	simm.s32 $0x3E00;
	s0 =	sadd.s32 s3, s0;
	s11 =	spop (v2sf);
	(v2sf) =	vpush v0, $0xD  }
0x1da: {  	[tilespmem:s8], [sflag:$0x1] =	stream.linear.gather [hbm4b:s0+s2], $0x80, $0x38;
	[tilespmem:$0x10200] =	vst v63  }
0x1db: {  	s0 =	sand.u32 $0x1FFFFFF0, s11;
	s13 =	spop (v2sf);
	(v2sf) =	vpush v0, $0xE  }
0x1dc: {  	s12 =	simm.s32 $0x3E80;
	s0 =	sadd.s32 s3, s0  }
0x1dd: {  	[tilespmem:s12], [sflag:$0x1] =	stream.linear.gather [hbm4b:s0+s2], $0x80, $0x38;
	[tilespmem:$0x10200] =	vst v63  }
0x1de: {  	s15 =	spop (v2sf);
	(v2sf) =	vpush v0, $0xF  }
0x1df: {  	s0 =	sand.u32 $0x1FFFFFF0, s13  }
0x1e0: {  	s14 =	simm.s32 $0x3F00;
	s0 =	sadd.s32 s3, s0  }
0x1e1: {  	[tilespmem:s14], [sflag:$0x1] =	stream.linear.gather [hbm4b:s0+s2], $0x80, $0x38;
	[tilespmem:$0x10200] =	vst v63  }
0x1e2: {  	s0 =	sand.u32 $0x1FFFFFF0, s15  }
0x1e3: {  	s16 =	simm.s32 $0x3F80;
	s17 =	spop (v2sf);
	s0 =	sadd.s32 s3, s0  }
0x1e4: {  	[tilespmem:s16], [sflag:$0x1] =	stream.linear.gather [hbm4b:s0+s2], $0x80, $0x38;
	[tilespmem:$0x10200] =	vst v63  }
0x1e5: {  	s0 =	sand.u32 $0x1FFFFFF0, s17  }
0x1e6: {  	s18 =	simm.s32 $0x4000;
	s0 =	sadd.s32 s3, s0  }
0x1e7: {  	[tilespmem:s18], [sflag:$0x1] =	stream.linear.gather [hbm4b:s0+s2], $0x80, $0x38;
	[tilespmem:$0x10200] =	vst v63  }
0x1e8: {  	s19 =	spop (v2sf)  }
0x1e9: {  	s0 =	sand.u32 $0x1FFFFFF0, s19  }
0x1ea: {  	s20 =	simm.s32 $0x4080;
	s21 =	spop (v2sf);
	s0 =	sadd.s32 s3, s0  }
0x1eb: {  	[tilespmem:s20], [sflag:$0x1] =	stream.linear.gather [hbm4b:s0+s2], $0x80, $0x38;
	[tilespmem:$0x10200] =	vst v63  }
0x1ec: {  	s0 =	sand.u32 $0x1FFFFFF0, s21  }
0x1ed: {  	s24 =	simm.s32 $0x4100;
	s25 =	spop (v2sf);
	s0 =	sadd.s32 s3, s0  }
0x1ee: {  	[tilespmem:s24], [sflag:$0x1] =	stream.linear.gather [hbm4b:s0+s2], $0x80, $0x38;
	[tilespmem:$0x10200] =	vst v63  }
0x1ef: {  	s0 =	sand.u32 $0x1FFFFFF0, s25  }
0x1f0: {  	s26 =	simm.s32 $0x4180;
	s30 =	simm.s32 $0x80;
	s0 =	sadd.s32 s3, s0  }
0x1f1: {  	[tilespmem:s26], [sflag:$0x1] =	stream.linear.gather [hbm4b:s0+s2], $0x80, $0x38;
	[tilespmem:$0x10200] =	vst v63  }
0x1f2: {  	s31 =	sand.u32 $0x70, s2;
	s0 =	sand.u32 $0x380, s30  }
0x1f3: {  	s0 =	sor.u32 s31, s0  }
0x1f4: {  	v0 =	vld [tilespmem:s0+$0x0];
	_ =	sdelay $0x4  }
0x1f5: {  	v0 =	vshll.u32 v0, $0x4  }
0x1f6: {  	(v2sf) =	vpush v0, $0x0  }
0x1f7: {  	(v2sf) =	vpush v0, $0x2  }
0x1f8: {  	(v2sf) =	vpush v0, $0x1;
	_ =	sdelay $0x1  }
0x1f9: {  	(v2sf) =	vpush v0, $0x3  }
0x1fa: {  	(v2sf) =	vpush v0, $0x4;
	_ =	sdelay $0x1  }
0x1fb: {  	s29 =	simm.s32 $0x20;
	s28 =	simm.s32 $0x0  }
0x1fc: {  	s24 =	simm.s32 $0x2000;
	s25 =	simm.s32 $0x10;
	s26 =	simm.s32 $0x4000  }
.LBB2_2:
0x1fd: {  	p0 =	sne.s32 s26, $0x2E000;
	(v2sf) =	vpush v0, $0x5;
	s0 =	smov.u32 s26;
	s26 =	sadd.s32 $0x2000, s26  }
0x1fe: {  	s30 =	sshra.s32 s28, $0x2;
	s28 =	smov.u32 s24;
	s24 =	smov.u32 s0  }
0x1ff: {  	s14 =	sadd.s32 $0x4280, s30;
	(v2sf) =	vpush v0, $0x6  }
0x200: {  	s15 =	sadd.s32 $0x4200, s30  }
0x201: {  	s1 =	sadd.s32 $0x4780, s30;
	s0 =	sadd.s32 $0x4800, s30;
	s31 =	sadd.s32 $0x4880, s30;
	(v2sf) =	vpush v0, $0x7  }
0x202: {  	s12 =	sadd.s32 $0x4600, s30;
	s11 =	sadd.s32 $0x4680, s30;
	s7 =	sadd.s32 $0x4700, s30  }
0x203: {  	s16 =	sadd.s32 $0x4500, s30;
	s13 =	sadd.s32 $0x4580, s30;
	s17 =	spop (v2sf);
	(v2sf) =	vpush v0, $0x8  }
0x204: {  	s18 =	sadd.s32 $0x4300, s30;
	s17 =	sand.u32 $0x1FFFFFF0, s17;
	s19 =	spop (v2sf)  }
0x205: {  	s20 =	sadd.s32 $0x4480, s30;
	s17 =	sadd.s32 s3, s17;
	s21 =	spop (v2sf);
	(v2sf) =	vpush v0, $0x9  }
0x206: {  	[tilespmem:s15], [sflag:$0x1] =	stream.linear.gather [hbm4b:s17+s2], $0x80, $0x38;
	[tilespmem:$0x10200] =	vst v63  }
0x207: {  	s15 =	sand.u32 $0x1FFFFFF0, s21;
	s17 =	sand.u32 $0x1FFFFFF0, s19;
	s19 =	spop (v2sf);
	(v2sf) =	vpush v0, $0xA  }
0x208: {  	s21 =	sadd.s32 $0x4400, s30;
	s15 =	sadd.s32 s3, s15;
	s8 =	spop (v2sf)  }
0x209: {  	[tilespmem:s14], [sflag:$0x1] =	stream.linear.gather [hbm4b:s15+s2], $0x80, $0x38;
	(v2sf) =	vpush v0, $0xB;
	[tilespmem:$0x10200] =	vst v63  }
0x20a: {  	s14 =	sadd.s32 s3, s17;
	s15 =	sand.u32 $0x1FFFFFF0, s19;
	s8 =	sand.u32 $0x1FFFFFF0, s8  }
0x20b: {  	[tilespmem:s18], [sflag:$0x1] =	stream.linear.gather [hbm4b:s14+s2], $0x80, $0x38;
	(v2sf) =	vpush v0, $0xC;
	[tilespmem:$0x10200] =	vst v63  }
0x20c: {  	s15 =	sadd.s32 s3, s15;
	s14 =	sadd.s32 $0x4380, s30;
	s17 =	spop (v2sf)  }
0x20d: {  	[tilespmem:s14], [sflag:$0x1] =	stream.linear.gather [hbm4b:s15+s2], $0x80, $0x38;
	(v2sf) =	vpush v0, $0xD;
	[tilespmem:$0x10200] =	vst v63  }
0x20e: {  	s8 =	sadd.s32 s3, s8;
	s14 =	sand.u32 $0x1FFFFFF0, s17;
	s15 =	spop (v2sf)  }
0x20f: {  	[tilespmem:s21], [sflag:$0x1] =	stream.linear.gather [hbm4b:s8+s2], $0x80, $0x38;
	(v2sf) =	vpush v0, $0xE;
	[tilespmem:$0x10200] =	vst v63  }
0x210: {  	s8 =	sadd.s32 s3, s14;
	s14 =	sand.u32 $0x1FFFFFF0, s15;
	s15 =	spop (v2sf)  }
0x211: {  	[tilespmem:s20], [sflag:$0x1] =	stream.linear.gather [hbm4b:s8+s2], $0x80, $0x38;
	(v2sf) =	vpush v0, $0xF;
	[tilespmem:$0x10200] =	vst v63  }
0x212: {  	s8 =	sadd.s32 s3, s14;
	s14 =	sand.u32 $0x1FFFFFF0, s15;
	s15 =	spop (v2sf)  }
0x213: {  	[tilespmem:s16], [sflag:$0x1] =	stream.linear.gather [hbm4b:s8+s2], $0x80, $0x38;
	[tilespmem:$0x10200] =	vst v63  }
0x214: {  	s8 =	sadd.s32 s3, s14;
	s14 =	sand.u32 $0x1FFFFFF0, s15;
	s15 =	spop (v2sf)  }
0x215: {  	[tilespmem:s13], [sflag:$0x1] =	stream.linear.gather [hbm4b:s8+s2], $0x80, $0x38;
	[tilespmem:$0x10200] =	vst v63  }
0x216: {  	s8 =	sadd.s32 s3, s14;
	s13 =	sand.u32 $0x1FFFFFF0, s15;
	s14 =	spop (v2sf)  }
0x217: {  	[tilespmem:s12], [sflag:$0x1] =	stream.linear.gather [hbm4b:s8+s2], $0x80, $0x38;
	[tilespmem:$0x10200] =	vst v63  }
0x218: {  	s8 =	sadd.s32 s3, s13;
	s12 =	sand.u32 $0x1FFFFFF0, s14;
	s13 =	spop (v2sf)  }
0x219: {  	[tilespmem:s11], [sflag:$0x1] =	stream.linear.gather [hbm4b:s8+s2], $0x80, $0x38;
	[tilespmem:$0x10200] =	vst v63  }
0x21a: {  	s8 =	sadd.s32 s3, s12;
	s11 =	sand.u32 $0x1FFFFFF0, s13;
	s12 =	spop (v2sf)  }
0x21b: {  	[tilespmem:s7], [sflag:$0x1] =	stream.linear.gather [hbm4b:s8+s2], $0x80, $0x38;
	[tilespmem:$0x10200] =	vst v63  }
0x21c: {  	s7 =	sadd.s32 s3, s11;
	s8 =	sand.u32 $0x1FFFFFF0, s12;
	s11 =	spop (v2sf)  }
0x21d: {  	[tilespmem:s1], [sflag:$0x1] =	stream.linear.gather [hbm4b:s7+s2], $0x80, $0x38;
	[tilespmem:$0x10200] =	vst v63  }
0x21e: {  	s1 =	sadd.s32 s3, s8;
	s7 =	sand.u32 $0x1FFFFFF0, s11;
	s8 =	spop (v2sf)  }
0x21f: {  	[tilespmem:s0], [sflag:$0x1] =	stream.linear.gather [hbm4b:s1+s2], $0x80, $0x38;
	[tilespmem:$0x10200] =	vst v63  }
0x220: {  	s0 =	sadd.s32 s3, s7;
	s1 =	sand.u32 $0x1FFFFFF0, s8;
	s7 =	spop (v2sf)  }
0x221: {  	[tilespmem:s31], [sflag:$0x1] =	stream.linear.gather [hbm4b:s0+s2], $0x80, $0x38;
	[tilespmem:$0x10200] =	vst v63  }
0x222: {  	s1 =	sadd.s32 s3, s1;
	s0 =	sadd.s32 $0x4900, s30;
	s7 =	sand.u32 $0x1FFFFFF0, s7  }
0x223: {  	[tilespmem:s0], [sflag:$0x1] =	stream.linear.gather [hbm4b:s1+s2], $0x80, $0x38;
	[tilespmem:$0x10200] =	vst v63  }
0x224: {  	s0 =	sadd.s32 $0x4980, s30;
	s1 =	sadd.s32 s3, s7  }
0x225: {  	[tilespmem:s0], [sflag:$0x1] =	stream.linear.gather [hbm4b:s1+s2], $0x80, $0x38;
	[tilespmem:$0x10200] =	vst v63  }
0x226: {  	s0 =	sadd.s32 $0x80, s25;
	_ =	swait.ge [sflag:s22], $0x800  }
0x227: {  	s1 =	sand.u32 $0x70, s25;
	s0 =	sand.u32 $0x380, s0;
	[sflag:s22] =	ssyncset.done $0x0  }
0x228: {  	s25 =	smov.u32 s29;
	s0 =	sor.u32 s1, s0;
	[sflag:s22] =	ssyncadd.s32 $0xFFFFF800  }
0x229: {  	v0 =	vld [tilespmem:s0+$0x0];
	_ =	sdelay $0x4  }
0x22a: {  	v0 =	vshll.u32 v0, $0x4  }
0x22b: {  	(v2sf) =	vpush v0, $0x0  }
0x22c: {  	(v2sf) =	vpush v0, $0x2  }
0x22d: {  	(v2sf) =	vpush v0, $0x1;
	_ =	sdelay $0x1  }
.Ltmp0:
0x22e: {  	(v2sf) =	vpush v0, $0x3;
	(pc) =	sbr.rel @p0 .LBB2_2-.Ltmp0, $2  }
0x22f: {  	(v2sf) =	vpush v0, $0x4;
	_ =	sdelay $0x2  }
0x230: {  	s29 =	sadd.s32 $0x10, s29  }
0x231: {  	_ =	sdelay $0x5  }
0x232: {  	s1 =	spop (v2sf)  }
0x233: {  	s8 =	spop (v2sf);
	(v2sf) =	vpush v0, $0x5;
	_ =	sdelay $0x1  }
0x234: {  	s21 =	spop (v2sf);
	(v2sf) =	vpush v0, $0x6  }
0x235: {  	s0 =	sshra.s32 s28, $0x2;
	s1 =	sand.u32 $0x1FFFFFF0, s1  }
0x236: {  	s7 =	sadd.s32 $0x4200, s0;
	s1 =	sadd.s32 s3, s1;
	(v2sf) =	vpush v0, $0x7  }
0x237: {  	[tilespmem:s7], [sflag:$0x1] =	stream.linear.gather [hbm4b:s1+s2], $0x80, $0x38;
	[tilespmem:$0x10200] =	vst v63  }
0x238: {  	s1 =	sand.u32 $0x1FFFFFF0, s21  }
0x239: {  	s26 =	sadd.s32 $0x4280, s0;
	s1 =	sadd.s32 s3, s1;
	s30 =	spop (v2sf)  }
0x23a: {  	[tilespmem:s26], [sflag:$0x1] =	stream.linear.gather [hbm4b:s1+s2], $0x80, $0x38;
	[tilespmem:$0x10200] =	vst v63  }
0x23b: {  	s28 =	sand.u32 $0x1FFFFFF0, s8;
	s7 =	spop (v2sf);
	(v2sf) =	vpush v0, $0x8  }
0x23c: {  	s29 =	sadd.s32 $0x4300, s0;
	s1 =	sadd.s32 s3, s28  }
0x23d: {  	[tilespmem:s29], [sflag:$0x1] =	stream.linear.gather [hbm4b:s1+s2], $0x80, $0x38;
	[tilespmem:$0x10200] =	vst v63  }
0x23e: {  	s1 =	sand.u32 $0x1FFFFFF0, s30  }
0x23f: {  	s31 =	sadd.s32 $0x4380, s0;
	s1 =	sadd.s32 s3, s1  }
0x240: {  	[tilespmem:s31], [sflag:$0x1] =	stream.linear.gather [hbm4b:s1+s2], $0x80, $0x38;
	[tilespmem:$0x10200] =	vst v63  }
0x241: {  	s11 =	spop (v2sf);
	(v2sf) =	vpush v0, $0x9  }
0x242: {  	s1 =	sand.u32 $0x1FFFFFF0, s7  }
0x243: {  	s8 =	sadd.s32 $0x4400, s0;
	s1 =	sadd.s32 s3, s1;
	s13 =	spop (v2sf);
	(v2sf) =	vpush v0, $0xA  }
0x244: {  	[tilespmem:s8], [sflag:$0x1] =	stream.linear.gather [hbm4b:s1+s2], $0x80, $0x38;
	[tilespmem:$0x10200] =	vst v63  }
0x245: {  	s15 =	spop (v2sf);
	(v2sf) =	vpush v0, $0xB  }
0x246: {  	s1 =	sand.u32 $0x1FFFFFF0, s11  }
0x247: {  	s12 =	sadd.s32 $0x4480, s0;
	s1 =	sadd.s32 s3, s1  }
0x248: {  	[tilespmem:s12], [sflag:$0x1] =	stream.linear.gather [hbm4b:s1+s2], $0x80, $0x38;
	[tilespmem:$0x10200] =	vst v63  }
0x249: {  	s1 =	sand.u32 $0x1FFFFFF0, s13  }
0x24a: {  	s14 =	sadd.s32 $0x4500, s0;
	s1 =	sadd.s32 s3, s1;
	s17 =	spop (v2sf)  }
0x24b: {  	(v2sf) =	vpush v0, $0xC;
	[tilespmem:s14], [sflag:$0x1] =	stream.linear.gather [hbm4b:s1+s2], $0x80, $0x38;
	[tilespmem:$0x10200] =	vst v63  }
0x24c: {  	s1 =	sand.u32 $0x1FFFFFF0, s15  }
0x24d: {  	s16 =	sadd.s32 $0x4580, s0;
	s1 =	sadd.s32 s3, s1  }
0x24e: {  	[tilespmem:s16], [sflag:$0x1] =	stream.linear.gather [hbm4b:s1+s2], $0x80, $0x38;
	[tilespmem:$0x10200] =	vst v63  }
0x24f: {  	s1 =	sand.u32 $0x1FFFFFF0, s17  }
0x250: {  	s18 =	sadd.s32 $0x4600, s0;
	s1 =	sadd.s32 s3, s1;
	s19 =	spop (v2sf);
	(v2sf) =	vpush v0, $0xD  }
0x251: {  	[tilespmem:s18], [sflag:$0x1] =	stream.linear.gather [hbm4b:s1+s2], $0x80, $0x38;
	[tilespmem:$0x10200] =	vst v63  }
0x252: {  	s21 =	spop (v2sf);
	(v2sf) =	vpush v0, $0xE  }
0x253: {  	s1 =	sand.u32 $0x1FFFFFF0, s19  }
0x254: {  	s20 =	sadd.s32 $0x4680, s0;
	s1 =	sadd.s32 s3, s1;
	s28 =	spop (v2sf)  }
0x255: {  	(v2sf) =	vpush v0, $0xF;
	[tilespmem:s20], [sflag:$0x1] =	stream.linear.gather [hbm4b:s1+s2], $0x80, $0x38;
	[tilespmem:$0x10200] =	vst v63  }
0x256: {  	s1 =	sand.u32 $0x1FFFFFF0, s21  }
0x257: {  	s26 =	sadd.s32 $0x4700, s0;
	s1 =	sadd.s32 s3, s1  }
0x258: {  	[tilespmem:s26], [sflag:$0x1] =	stream.linear.gather [hbm4b:s1+s2], $0x80, $0x38;
	[tilespmem:$0x10200] =	vst v63  }
0x259: {  	s1 =	sand.u32 $0x1FFFFFF0, s28  }
0x25a: {  	s29 =	sadd.s32 $0x4780, s0;
	s30 =	spop (v2sf);
	s1 =	sadd.s32 s3, s1  }
0x25b: {  	[tilespmem:s29], [sflag:$0x1] =	stream.linear.gather [hbm4b:s1+s2], $0x80, $0x38;
	[tilespmem:$0x10200] =	vst v63  }
0x25c: {  	s1 =	sand.u32 $0x1FFFFFF0, s30  }
0x25d: {  	s31 =	sadd.s32 $0x4800, s0;
	s1 =	sadd.s32 s3, s1  }
0x25e: {  	[tilespmem:s31], [sflag:$0x1] =	stream.linear.gather [hbm4b:s1+s2], $0x80, $0x38;
	[tilespmem:$0x10200] =	vst v63  }
0x25f: {  	s7 =	spop (v2sf)  }
0x260: {  	s1 =	sand.u32 $0x1FFFFFF0, s7  }
0x261: {  	s8 =	sadd.s32 $0x4880, s0;
	s11 =	spop (v2sf);
	s1 =	sadd.s32 s3, s1  }
0x262: {  	[tilespmem:s8], [sflag:$0x1] =	stream.linear.gather [hbm4b:s1+s2], $0x80, $0x38;
	[tilespmem:$0x10200] =	vst v63  }
0x263: {  	s1 =	sand.u32 $0x1FFFFFF0, s11  }
0x264: {  	s12 =	sadd.s32 $0x4900, s0;
	s13 =	spop (v2sf);
	s1 =	sadd.s32 s3, s1  }
0x265: {  	[tilespmem:s12], [sflag:$0x1] =	stream.linear.gather [hbm4b:s1+s2], $0x80, $0x38;
	[tilespmem:$0x10200] =	vst v63  }
0x266: {  	s1 =	sand.u32 $0x1FFFFFF0, s13  }
0x267: {  	s0 =	sadd.s32 $0x4980, s0;
	s1 =	sadd.s32 s3, s1  }
0x268: {  	[tilespmem:s0], [sflag:$0x1] =	stream.linear.gather [hbm4b:s1+s2], $0x80, $0x38;
	[tilespmem:$0x10200] =	vst v63  }
0x269: {  	s14 =	sadd.s32 $0x80, s25;
	_ =	swait.ge [sflag:s22], $0x800  }
0x26a: {  	s15 =	sand.u32 $0x70, s25;
	s0 =	sand.u32 $0x380, s14;
	[sflag:s22] =	ssyncset.done $0x0  }
0x26b: {  	s0 =	sor.u32 s15, s0;
	[sflag:s22] =	ssyncadd.s32 $0xFFFFF800  }
0x26c: {  	v63 =	vld [tilespmem:s0+$0x0];
	_ =	sdelay $0x4  }
0x26d: {  	v0 =	vshll.u32 v63, $0x4  }
0x26e: {  	(v2sf) =	vpush v0, $0x0;
	_ =	sdelay $0x1  }
0x26f: {  	(v2sf) =	vpush v0, $0x2;
	_ =	sdelay $0x1  }
0x270: {  	(v2sf) =	vpush v0, $0x1;
	_ =	sdelay $0x3  }
0x271: {  	(v2sf) =	vpush v0, $0x3;
	_ =	sdelay $0x4  }
0x272: {  	(v2sf) =	vpush v0, $0x4;
	_ =	sdelay $0x1  }
0x273: {  	s16 =	spop (v2sf);
	(v2sf) =	vpush v0, $0x5;
	_ =	sdelay $0x1  }
0x274: {  	s18 =	spop (v2sf);
	(v2sf) =	vpush v0, $0x6;
	_ =	sdelay $0x1  }
0x275: {  	s0 =	sshra.s32 s24, $0x2;
	s1 =	sand.u32 $0x1FFFFFF0, s16;
	s19 =	spop (v2sf);
	(v2sf) =	vpush v0, $0x7  }
0x276: {  	s17 =	sadd.s32 $0x4200, s0;
	s1 =	sadd.s32 s3, s1  }
0x277: {  	[tilespmem:s17], [sflag:$0x1] =	stream.linear.gather [hbm4b:s1+s2], $0x80, $0x38;
	[tilespmem:$0x10200] =	vst v63  }
0x278: {  	s20 =	sadd.s32 $0x4280, s0;
	s1 =	sand.u32 $0x1FFFFFF0, s19  }
0x279: {  	s21 =	sand.u32 $0x1FFFFFF0, s18;
	s25 =	spop (v2sf);
	s1 =	sadd.s32 s3, s1  }
0x27a: {  	(v2sf) =	vpush v0, $0x8;
	[tilespmem:s20], [sflag:$0x1] =	stream.linear.gather [hbm4b:s1+s2], $0x80, $0x38;
	[tilespmem:$0x10200] =	vst v63  }
0x27b: {  	s24 =	sadd.s32 $0x4300, s0;
	s1 =	sadd.s32 s3, s21  }
0x27c: {  	[tilespmem:s24], [sflag:$0x1] =	stream.linear.gather [hbm4b:s1+s2], $0x80, $0x38;
	[tilespmem:$0x10200] =	vst v63  }
0x27d: {  	s1 =	sand.u32 $0x1FFFFFF0, s25  }
0x27e: {  	s26 =	sadd.s32 $0x4380, s0;
	s28 =	spop (v2sf);
	s1 =	sadd.s32 s3, s1  }
0x27f: {  	[tilespmem:s26], [sflag:$0x1] =	stream.linear.gather [hbm4b:s1+s2], $0x80, $0x38;
	[tilespmem:$0x10200] =	vst v63  }
0x280: {  	s30 =	spop (v2sf);
	(v2sf) =	vpush v0, $0x9  }
0x281: {  	s1 =	sand.u32 $0x1FFFFFF0, s28  }
0x282: {  	s29 =	sadd.s32 $0x4400, s0;
	s1 =	sadd.s32 s3, s1;
	s8 =	spop (v2sf);
	(v2sf) =	vpush v0, $0xA  }
0x283: {  	[tilespmem:s29], [sflag:$0x1] =	stream.linear.gather [hbm4b:s1+s2], $0x80, $0x38;
	[tilespmem:$0x10200] =	vst v63  }
0x284: {  	s12 =	spop (v2sf);
	(v2sf) =	vpush v0, $0xB  }
0x285: {  	s1 =	sand.u32 $0x1FFFFFF0, s30  }
0x286: {  	s31 =	sadd.s32 $0x4480, s0;
	s1 =	sadd.s32 s3, s1  }
0x287: {  	[tilespmem:s31], [sflag:$0x1] =	stream.linear.gather [hbm4b:s1+s2], $0x80, $0x38;
	[tilespmem:$0x10200] =	vst v63  }
0x288: {  	s1 =	sand.u32 $0x1FFFFFF0, s8  }
0x289: {  	s11 =	sadd.s32 $0x4500, s0;
	s14 =	spop (v2sf);
	s1 =	sadd.s32 s3, s1  }
0x28a: {  	(v2sf) =	vpush v0, $0xC;
	[tilespmem:s11], [sflag:$0x1] =	stream.linear.gather [hbm4b:s1+s2], $0x80, $0x38;
	[tilespmem:$0x10200] =	vst v63  }
0x28b: {  	s1 =	sand.u32 $0x1FFFFFF0, s12  }
0x28c: {  	s13 =	sadd.s32 $0x4580, s0;
	s1 =	sadd.s32 s3, s1  }
0x28d: {  	[tilespmem:s13], [sflag:$0x1] =	stream.linear.gather [hbm4b:s1+s2], $0x80, $0x38;
	[tilespmem:$0x10200] =	vst v63  }
0x28e: {  	s1 =	sand.u32 $0x1FFFFFF0, s14  }
0x28f: {  	s15 =	sadd.s32 $0x4600, s0;
	s1 =	sadd.s32 s3, s1;
	s16 =	spop (v2sf);
	(v2sf) =	vpush v0, $0xD  }
0x290: {  	[tilespmem:s15], [sflag:$0x1] =	stream.linear.gather [hbm4b:s1+s2], $0x80, $0x38;
	[tilespmem:$0x10200] =	vst v63  }
0x291: {  	s18 =	spop (v2sf);
	(v2sf) =	vpush v0, $0xE  }
0x292: {  	s1 =	sand.u32 $0x1FFFFFF0, s16  }
0x293: {  	s17 =	sadd.s32 $0x4680, s0;
	s1 =	sadd.s32 s3, s1;
	s20 =	spop (v2sf)  }
0x294: {  	(v2sf) =	vpush v0, $0xF;
	[tilespmem:s17], [sflag:$0x1] =	stream.linear.gather [hbm4b:s1+s2], $0x80, $0x38;
	[tilespmem:$0x10200] =	vst v63  }
0x295: {  	s1 =	sand.u32 $0x1FFFFFF0, s18  }
0x296: {  	s19 =	sadd.s32 $0x4700, s0;
	s1 =	sadd.s32 s3, s1  }
0x297: {  	[tilespmem:s19], [sflag:$0x1] =	stream.linear.gather [hbm4b:s1+s2], $0x80, $0x38;
	[tilespmem:$0x10200] =	vst v63  }
0x298: {  	s1 =	sand.u32 $0x1FFFFFF0, s20  }
0x299: {  	s21 =	sadd.s32 $0x4780, s0;
	s24 =	spop (v2sf);
	s1 =	sadd.s32 s3, s1  }
0x29a: {  	[tilespmem:s21], [sflag:$0x1] =	stream.linear.gather [hbm4b:s1+s2], $0x80, $0x38;
	[tilespmem:$0x10200] =	vst v63  }
0x29b: {  	s1 =	sand.u32 $0x1FFFFFF0, s24  }
0x29c: {  	s25 =	sadd.s32 $0x4800, s0;
	s1 =	sadd.s32 s3, s1  }
0x29d: {  	[tilespmem:s25], [sflag:$0x1] =	stream.linear.gather [hbm4b:s1+s2], $0x80, $0x38;
	[tilespmem:$0x10200] =	vst v63  }
0x29e: {  	s26 =	spop (v2sf)  }
0x29f: {  	s1 =	sand.u32 $0x1FFFFFF0, s26  }
0x2a0: {  	s28 =	sadd.s32 $0x4880, s0;
	s29 =	spop (v2sf);
	s1 =	sadd.s32 s3, s1  }
0x2a1: {  	[tilespmem:s28], [sflag:$0x1] =	stream.linear.gather [hbm4b:s1+s2], $0x80, $0x38;
	[tilespmem:$0x10200] =	vst v63  }
0x2a2: {  	s1 =	sand.u32 $0x1FFFFFF0, s29  }
0x2a3: {  	s30 =	sadd.s32 $0x4900, s0;
	s31 =	spop (v2sf);
	s1 =	sadd.s32 s3, s1  }
0x2a4: {  	[tilespmem:s30], [sflag:$0x1] =	stream.linear.gather [hbm4b:s1+s2], $0x80, $0x38;
	[tilespmem:$0x10200] =	vst v63  }
0x2a5: {  	s1 =	sand.u32 $0x1FFFFFF0, s31  }
0x2a6: {  	s0 =	sadd.s32 $0x4980, s0;
	s1 =	sadd.s32 s3, s1  }
0x2a7: {  	[tilespmem:s0], [sflag:$0x1] =	stream.linear.gather [hbm4b:s1+s2], $0x80, $0x38;
	[tilespmem:$0x10200] =	vst v63  }
0x2a8: {  	_ =	swait.ge [sflag:s22], $0x800  }
0x2a9: {  	[sflag:s22] =	ssyncset.done $0x0  }
0x2aa: {  	[sflag:s22] =	ssyncadd.s32 $0xFFFFF800  }
0x2ab: {  	_ =	swait.ge [sflag:s22], $0x800  }
0x2ac: {  	[sflag:s22] =	ssyncset.done $0x0  }
0x2ad: {  	[sflag:s22] =	ssyncadd.s32 $0xFFFFF800  }
0x2ae: {  	_ =	swait.ge [sflag:s22], $0x800  }
0x2af: {  	[sflag:s22] =	ssyncset.done $0x0  }
0x2b0: {  	[sflag:s22] =	ssyncadd.s32 $0xFFFFF800  }
0x2b1: {  	_ =	swait.ge [sflag:s22], $0x800  }
0x2b2: {  	[sflag:s22] =	ssyncset.done $0x0  }
0x2b3: {  	[sflag:s22] =	ssyncadd.s32 $0xFFFFF800  }
0x2b4: {  	_ =	swait.ge [sflag:s22], $0x800  }
0x2b5: {  	[sflag:s22] =	ssyncset.done $0x0  }
0x2b6: {  	[sflag:s22] =	ssyncadd.s32 $0xFFFFF800  }
0x2b7: {  	_ =	swait.ge [sflag:s22], $0x800  }
0x2b8: {  	[sflag:s22] =	ssyncset.done $0x0  }
0x2b9: {  	[sflag:s22] =	ssyncadd.s32 $0xFFFFF800  }
0x2ba: {  	_ =	swait.ge [sflag:s22], $0x800  }
0x2bb: {  	[sflag:s22] =	ssyncset.done $0x0  }
0x2bc: {  	[sflag:s22] =	ssyncadd.s32 $0xFFFFF800  }
0x2bd: {  	_ =	swait.ge [sflag:s22], $0x800  }
0x2be: {  	[sflag:s22] =	ssyncset.done $0x0  }
0x2bf: {  	[sflag:s22] =	ssyncadd.s32 $0xFFFFF800  }
0x2c0: {  	s23 =	sadd.s32 $0x1, s23;
	_ =	swait.ge [sflag:s22], $0x800  }
0x2c1: {  	p0 =	sne.s32 s23, s6;
	[sflag:s22] =	ssyncset.done $0x0  }
.Ltmp1:
0x2c2: {  	[sflag:s22] =	ssyncadd.s32 $0xFFFFF800;
	(pc) =	sbr.rel @p0 .LBB2_1-.Ltmp1, $4  }
0x2c3: {  	[hbm4b:s5+s2] =	stream.linear.scatter [tilespmem:s10], [sflag:$0x2], $0x10000, $0x38;
	[tilespmem:$0x10200] =	vst v63  }
0x2c4: {  	_ =	swait.ge [sflag:s9], $0x10000  }
0x2c5: {  	[sflag:s9] =	ssyncset.done $0x0  }
0x2c6: {  	[sflag:s9] =	ssyncadd.s32 $0xFFFF0000  }
0x2c7: {  	_ =	sfence.sel $0x180000  }
0x2c8: {  	[bflag:$0x0] =	sbarrier.arrive $0xFFFF  }
0x2c9: {  	_ =	strace $0x90000047  }
0x2ca: {  	s0 =	stileid.u32;
	[bflag:$0x2] =	sbarrier.arrive $0xFFFF  }
0x2cb: {  	p0 =	sne.s32 s0, $0x0;
	s0 =	rddreg [dreg:$0x2]  }
0x2cc: {  	s0 =	sadd.s32 @!p0 $0x100000, s0  }
0x2cd: {  	[sflag:s0] =	ssyncadd.tile.s32 @!p0 $0x1;
	_ =	shalt  }
.Lfunc_end2:
_tile_overlayer_lowered:
.L_overlay_start_2:
0x2ce: {  	(tag) =	ssettag $0x2  }
0x2cf: {  	s0 =	rddreg [dreg:$0x0];
	s2 =	stileid.u32  }
0x2d0: {  	s1 =	rddreg [dreg:$0x1];
	p0 =	sne.s32 s2, $0x0  }
0x2d1: {  	s3 =	rddreg [dreg:$0x2];
	[bflag:$0x3] =	sbarrier.arrive $0xFFFF;
	s2 =	simm.s32 @!p0 $0x1C02  }
0x2d2: {  	[timem:s3], [sflag:s2] =	dma.local @!p0 [hbm:s0], s1  }
0x2d3: {  	s0 =	simm.s32 @!p0 $0x2  }
0x2d4: {  	_ =	swait.ge @!p0 [sflag:s0], s1  }
0x2d5: {  	s1 =	ssub.s32 @!p0 $0x0, s1;
	[sflag:s0] =	ssyncset.done @!p0 $0x0  }
0x2d6: {  	[sflag:s0] =	ssyncadd.s32 @!p0 s1  }
0x2d7: {  	[bflag:$0x3] =	sbarrier.arrive $0xFFFF  }
0x2d8: {  	_ =	shalt  }

</sc_bundles>
